<compile_context>
chip_gen: v7x
topology: tpu7x:2x2x1
jax: 0.10.2.dev20260603
libtpu: 0.0.44.dev20260713+nightly
codegen_flags: <defaults>
</compile_context>

<pallas_src>
import functools

import jax
import jax.numpy as jnp
from jax import lax
from jax.experimental import pallas as pl
from jax.experimental.pallas import tpu as pltpu
from jax.experimental.pallas import tpu_sc as plsc

B = 4096
S = 200
E = 128
NC = 2
NS = 16
NW = NC * NS
BPW = B // NW
TOKW = BPW * S
R = 2
CT = R * S
NSTEPS = BPW // R
U = 8
LANES = 16
NCOL = E // LANES


def _sc_pool_body(x_hbm, table_hbm, out_hbm, idx_v, buf0, buf1, stg0, stg1,
                  gsem0, gsem1, osem0, osem1):
  wid = lax.axis_index("s") * NC + lax.axis_index("c")
  tok_base = wid * TOKW
  row_base = wid * BPW

  pltpu.sync_copy(x_hbm.at[pl.ds(tok_base, TOKW)], idx_v)

  bufs = (buf0, buf1)
  stgs = (stg0, stg1)
  gsems = (gsem0, gsem1)
  osems = (osem0, osem1)

  def _gather(g, buf, gsem):
    return pltpu.async_copy(
        table_hbm.at[idx_v.at[pl.ds(g * CT, CT)]], buf, gsem)

  _gather(0, buf0, gsem0)
  _gather(1, buf1, gsem1)

  def _reduce_chunk(buf, stg):
    for r2 in range(R):
      accs = tuple(jnp.zeros((LANES,), jnp.float32) for _ in range(NCOL))

      def body(i, accs, r2=r2):
        base = r2 * S + i * U
        out = []
        for c in range(NCOL):
          a = accs[c]
          for u in range(U):
            a = a + buf[base + u, pl.ds(LANES * c, LANES)]
          out.append(a)
        return tuple(out)

      accs = lax.fori_loop(0, S // U, body, accs)
      for c in range(NCOL):
        stg[r2, pl.ds(LANES * c, LANES)] = accs[c]

  def step(og, _):
    for b in range(2):
      g = og * 2 + b
      buf, stg, gsem, osem = bufs[b], stgs[b], gsems[b], osems[b]
      pltpu.make_async_copy(
          table_hbm.at[idx_v.at[pl.ds(g * CT, CT)]], buf, gsem).wait()
      _reduce_chunk(buf, stg)
      @pl.when(g >= 2)
      def _():
        pltpu.make_async_copy(
            stg, out_hbm.at[pl.ds(row_base + (g - 2) * R, R)], osem).wait()
      pltpu.async_copy(stg, out_hbm.at[pl.ds(row_base + g * R, R)], osem)
      @pl.when(g + 2 < NSTEPS)
      def _():
        _gather(g + 2, buf, gsem)
    return 0

  lax.fori_loop(0, NSTEPS // 2, step, 0)

  for b in range(2):
    g = NSTEPS - 2 + b
    pltpu.make_async_copy(
        stgs[b], out_hbm.at[pl.ds(row_base + g * R, R)], osems[b]).wait()


def _sc_pool(x_flat, emb_table):
  mesh = plsc.VectorSubcoreMesh(core_axis_name="c", subcore_axis_name="s")
  kern = pl.kernel(
      _sc_pool_body,
      out_type=jax.ShapeDtypeStruct((B, E), jnp.float32),
      mesh=mesh,
      scratch_types=[
          pltpu.VMEM((TOKW,), jnp.int32),
          pltpu.VMEM((CT, E), jnp.float32),
          pltpu.VMEM((CT, E), jnp.float32),
          pltpu.VMEM((R, E), jnp.float32),
          pltpu.VMEM((R, E), jnp.float32),
          pltpu.SemaphoreType.DMA,
          pltpu.SemaphoreType.DMA,
          pltpu.SemaphoreType.DMA,
          pltpu.SemaphoreType.DMA,
      ],
  )
  return kern(x_flat, emb_table)


BB = 512


def _tc_mlp_body(x_ref, ps_ref, w1_ref, b1_ref, w2_ref, b2_ref, w3_ref,
                 b3_ref, o_ref):
  xb = x_ref[...]
  cnt = jnp.sum((xb != 0).astype(jnp.float32), axis=1, keepdims=True)
  pooled = ps_ref[...] / jnp.maximum(cnt, 1.0)
  h = jnp.dot(pooled, w1_ref[...], preferred_element_type=jnp.float32)
  h = jnp.maximum(h + b1_ref[...], 0.0)
  h = jnp.dot(h, w2_ref[...], preferred_element_type=jnp.float32)
  h = jnp.maximum(h + b2_ref[...], 0.0)
  o_ref[...] = jnp.dot(h, w3_ref[...],
                       preferred_element_type=jnp.float32) + b3_ref[...]


def _tc_mlp(x, pooled_sum, w1t, b1r, w2t, b2r, w3t_pad, b3_pad):
  h1, h2 = w1t.shape[1], w2t.shape[1]
  grid = (B // BB,)
  return pl.pallas_call(
      _tc_mlp_body,
      grid=grid,
      in_specs=[
          pl.BlockSpec((BB, S), lambda i: (i, 0)),
          pl.BlockSpec((BB, E), lambda i: (i, 0)),
          pl.BlockSpec((E, h1), lambda i: (0, 0)),
          pl.BlockSpec((1, h1), lambda i: (0, 0)),
          pl.BlockSpec((h1, h2), lambda i: (0, 0)),
          pl.BlockSpec((1, h2), lambda i: (0, 0)),
          pl.BlockSpec((h2, E), lambda i: (0, 0)),
          pl.BlockSpec((1, E), lambda i: (0, 0)),
      ],
      out_specs=pl.BlockSpec((BB, E), lambda i: (i, 0)),
      out_shape=jax.ShapeDtypeStruct((B, E), jnp.float32),
  )(x, pooled_sum, w1t, b1r, w2t, b2r, w3t_pad, b3_pad)


def kernel(x, emb_table, W1, b1, W2, b2, W3, b3):
  x_flat = x.reshape(-1)
  pooled_sum = _sc_pool(x_flat, emb_table)
  w1t = W1.T
  w2t = W2.T
  w3t_pad = jnp.pad(W3.T, ((0, 0), (0, E - W3.shape[0])))
  b3_pad = jnp.pad(b3.reshape(1, -1), ((0, 0), (0, E - b3.shape[0])))
  out_pad = _tc_mlp(x, pooled_sum, w1t, b1.reshape(1, -1), w2t,
                    b2.reshape(1, -1), w3t_pad, b3_pad)
  return out_pad[:, :W3.shape[0]]

# --- scband reference (transcript-rebuilt; emitter-appended) ---
"""Pipeline reference for scband-text-ffn-38156489458238 (READ-ONLY COPY).

The authoritative reference and input builder live on the scoring server;
editing this copy changes nothing except your own understanding.
"""

import jax, jax.numpy as jnp
import numpy as np

VOCAB = 100000
EMBED = 128
H1 = 512
H2 = 256
NUM_CLASSES = 2
BATCH = 4096
SEQ = 200


def setup_inputs(seed: int = 0) -> dict:
    key = jax.random.key(seed)
    ks = jax.random.split(key, 8)
    x = jax.random.randint(ks[0], (BATCH, SEQ), 0, VOCAB, dtype=jnp.int64) if jax.config.jax_enable_x64 else jax.random.randint(ks[0], (BATCH, SEQ), 0, VOCAB, dtype=jnp.int32)
    emb_table = jax.random.normal(ks[1], (VOCAB, EMBED), dtype=jnp.float32) * 0.02
    emb_table = emb_table.at[0].set(0.0)  # padding_idx=0
    W1 = jax.random.normal(ks[2], (H1, EMBED), dtype=jnp.float32) * (1.0 / np.sqrt(EMBED))
    b1 = jnp.zeros((H1,), dtype=jnp.float32)
    W2 = jax.random.normal(ks[3], (H2, H1), dtype=jnp.float32) * (1.0 / np.sqrt(H1))
    b2 = jnp.zeros((H2,), dtype=jnp.float32)
    W3 = jax.random.normal(ks[4], (NUM_CLASSES, H2), dtype=jnp.float32) * (1.0 / np.sqrt(H2))
    b3 = jnp.zeros((NUM_CLASSES,), dtype=jnp.float32)
    return {"x": x, "emb_table": emb_table, "W1": W1, "b1": b1, "W2": W2, "b2": b2, "W3": W3, "b3": b3}


def reference(x, emb_table, W1, b1, W2, b2, W3, b3):
    # mask = (x != 0).float().unsqueeze(-1)
    mask = (x != 0).astype(jnp.float32)[..., None]  # [B, S, 1]
    # emb = self.embedding(x) * mask  (embedding gather -> SparseCore-friendly jnp.take)
    emb = jnp.take(emb_table, x, axis=0) * mask  # [B, S, E]
    # pooled = emb.sum(1) / mask.sum(1).clamp(min=1)
    pooled = emb.sum(axis=1) / jnp.maximum(mask.sum(axis=1), 1.0)  # [B, E]
    # dropout is identity in eval mode
    h = jnp.maximum(pooled @ W1.T + b1, 0.0)
    h = jnp.maximum(h @ W2.T + b2, 0.0)
    out = h @ W3.T + b3
    return out

if __name__ == "__main__":
    import jax
    _d = setup_inputs()
    print(jax.jit(kernel)(*tuple(_d.values())))

</pallas_src>

<mosaic_0001>
#map = affine_map<(d0, d1) -> (0)>
#map1 = affine_map<(d0, d1) -> (0, 0)>
module attributes {stable_mosaic.version = 14 : i64} {
  func.func @_sc_pool_body(%arg0: i32, %arg1: i32, %arg2: memref<819200xi32, #tpu.memory_space<hbm>>, %arg3: memref<100000x128xf32, #tpu.memory_space<hbm>>, %arg4: memref<4096x128xf32, #tpu.memory_space<hbm>>, %arg5: memref<25600xi32, #tpu.memory_space<vmem>>, %arg6: memref<400x128xf32, #tpu.memory_space<vmem>>, %arg7: memref<400x128xf32, #tpu.memory_space<vmem>>, %arg8: memref<2x128xf32, #tpu.memory_space<vmem>>, %arg9: memref<2x128xf32, #tpu.memory_space<vmem>>, %arg10: memref<!tpu.dma_semaphore, #tpu.memory_space<semaphore_mem>>, %arg11: memref<!tpu.dma_semaphore, #tpu.memory_space<semaphore_mem>>, %arg12: memref<!tpu.dma_semaphore, #tpu.memory_space<semaphore_mem>>, %arg13: memref<!tpu.dma_semaphore, #tpu.memory_space<semaphore_mem>>) attributes {dimension_semantics = [#tpu.dimension_semantics<core_parallel>, #tpu.dimension_semantics<subcore_parallel>], iteration_bounds = array<i64: 2, 16>, scalar_prefetch = 0 : i64, scratch_operands = 9 : i64, tpu.core_type = #tpu.core_type<sc_vector_subcore>, window_params = [{transform_indices = #map}, {transform_indices = #map1}, {transform_indices = #map1}]} {
    %mul3A = arith.constant 2 : i32
    %mul3A_0 = arith.muli %arg1, %mul3A : i32
    %add3A = arith.addi %mul3A_0, %arg0 : i32
    %mul3A_1 = arith.constant 25600 : i32
    %mul3A_2 = arith.muli %add3A, %mul3A_1 : i32
    %mul3A_3 = arith.constant 128 : i32
    %mul3A_4 = arith.muli %add3A, %mul3A_3 : i32
    "tpu.region"() ({
      %run_scoped3A = tpu.sem_alloc : memref<!tpu.dma_semaphore, #tpu.memory_space<semaphore_mem>>
      %dma_start3A_31 = tpu.memref_slice %arg2[%mul3A_2] : memref<819200xi32, #tpu.memory_space<hbm>> -> memref<25600xi32, #tpu.memory_space<hbm>>
      %dma_start3A_32 = tpu.memref_slice %arg2[%mul3A_2] : memref<819200xi32, #tpu.memory_space<hbm>> -> memref<25600xi32, #tpu.memory_space<hbm>>
      tpu.enqueue_dma source(%dma_start3A_32 : memref<25600xi32, #tpu.memory_space<hbm>>) target(%arg5 : memref<25600xi32, #tpu.memory_space<vmem>>) target_semaphore(%run_scoped3A : memref<!tpu.dma_semaphore, #tpu.memory_space<semaphore_mem>>)
      %dma_wait3A_33 = tpu.memref_slice %arg2[%mul3A_2] : memref<819200xi32, #tpu.memory_space<hbm>> -> memref<25600xi32, #tpu.memory_space<hbm>>
      %dma_wait3A_34 = tpu.memref_slice %arg2[%mul3A_2] : memref<819200xi32, #tpu.memory_space<hbm>> -> memref<25600xi32, #tpu.memory_space<hbm>>
      tpu.wait_dma2 semaphore(%run_scoped3A : memref<!tpu.dma_semaphore, #tpu.memory_space<semaphore_mem>>) src(%dma_wait3A_34 : memref<25600xi32, #tpu.memory_space<hbm>>) dst(%arg5 : memref<25600xi32, #tpu.memory_space<vmem>>)
      tpu.yield
    }) : () -> ()
    %dma_start3A = arith.constant 0 : i32
    %dma_start3A_5 = tpu.memref_slice %arg5[%dma_start3A] : memref<25600xi32, #tpu.memory_space<vmem>> -> memref<400xi32, #tpu.memory_space<vmem>>
    %dma_start3A_6 = arith.constant 0 : i32
    %dma_start3A_7 = arith.constant 0 : i32
    %dma_start3A_8 = tpu.memref_slice %arg3[%dma_start3A_6, %dma_start3A_7] : memref<100000x128xf32, #tpu.memory_space<hbm>> -> memref<100000x128xf32, #tpu.memory_space<hbm>>
    tpu.enqueue_indirect_dma source(%dma_start3A_8 : memref<100000x128xf32, #tpu.memory_space<hbm>>) target(%arg6 : memref<400x128xf32, #tpu.memory_space<vmem>>) offsets(%dma_start3A_5 : memref<400xi32, #tpu.memory_space<vmem>>) semaphore(%arg10 : memref<!tpu.dma_semaphore, #tpu.memory_space<semaphore_mem>>)
    %dma_start3A_9 = arith.constant 400 : i32
    %dma_start3A_10 = tpu.memref_slice %arg5[%dma_start3A_9] : memref<25600xi32, #tpu.memory_space<vmem>> -> memref<400xi32, #tpu.memory_space<vmem>>
    %dma_start3A_11 = arith.constant 0 : i32
    %dma_start3A_12 = arith.constant 0 : i32
    %dma_start3A_13 = tpu.memref_slice %arg3[%dma_start3A_11, %dma_start3A_12] : memref<100000x128xf32, #tpu.memory_space<hbm>> -> memref<100000x128xf32, #tpu.memory_space<hbm>>
    tpu.enqueue_indirect_dma source(%dma_start3A_13 : memref<100000x128xf32, #tpu.memory_space<hbm>>) target(%arg7 : memref<400x128xf32, #tpu.memory_space<vmem>>) offsets(%dma_start3A_10 : memref<400xi32, #tpu.memory_space<vmem>>) semaphore(%arg11 : memref<!tpu.dma_semaphore, #tpu.memory_space<semaphore_mem>>)
    %scan3A = arith.constant 0 : i32
    %scan3A_14 = arith.constant 0 : i32
    %scan3A_15 = arith.constant 32 : i32
    %scan3A_16 = arith.addi %scan3A_14, %scan3A_15 : i32
    %scan3A_17 = arith.constant 1 : i32
    %scan3A_18 = scf.for %scan3A_31 = %scan3A_14 to %scan3A_16 step %scan3A_17 iter_args(%scan3A_32 = %scan3A) -> (i32)  : i32 {
      %mul3A_33 = arith.constant 2 : i32
      %mul3A_34 = arith.muli %scan3A_31, %mul3A_33 : i32
      %add3A_35 = arith.constant 0 : i32
      %add3A_36 = arith.addi %mul3A_34, %add3A_35 : i32
      %mul3A_37 = arith.constant 400 : i32
      %mul3A_38 = arith.muli %add3A_36, %mul3A_37 : i32
      %dma_wait3A_39 = tpu.memref_slice %arg5[%mul3A_38] : memref<25600xi32, #tpu.memory_space<vmem>> -> memref<400xi32, #tpu.memory_space<vmem>>
      %dma_wait3A_40 = arith.constant 0 : i32
      %dma_wait3A_41 = arith.constant 0 : i32
      %dma_wait3A_42 = tpu.memref_slice %arg3[%dma_wait3A_40, %dma_wait3A_41] : memref<100000x128xf32, #tpu.memory_space<hbm>> -> memref<100000x128xf32, #tpu.memory_space<hbm>>
      tpu.wait_indirect_dma semaphore(%arg10 : memref<!tpu.dma_semaphore, #tpu.memory_space<semaphore_mem>>) src(%dma_wait3A_42 : memref<100000x128xf32, #tpu.memory_space<hbm>>) dst(%arg6 : memref<400x128xf32, #tpu.memory_space<vmem>>)
      %broadcast_in_dim3A = arith.constant 0.000000e+00 : f32
      %broadcast_in_dim3A_43 = vector.broadcast %broadcast_in_dim3A : f32 to vector<16xf32>
      %broadcast_in_dim3A_44 = arith.constant 0.000000e+00 : f32
      %broadcast_in_dim3A_45 = vector.broadcast %broadcast_in_dim3A_44 : f32 to vector<16xf32>
      %broadcast_in_dim3A_46 = arith.constant 0.000000e+00 : f32
      %broadcast_in_dim3A_47 = vector.broadcast %broadcast_in_dim3A_46 : f32 to vector<16xf32>
      %broadcast_in_dim3A_48 = arith.constant 0.000000e+00 : f32
      %broadcast_in_dim3A_49 = vector.broadcast %broadcast_in_dim3A_48 : f32 to vector<16xf32>
      %broadcast_in_dim3A_50 = arith.constant 0.000000e+00 : f32
      %broadcast_in_dim3A_51 = vector.broadcast %broadcast_in_dim3A_50 : f32 to vector<16xf32>
      %broadcast_in_dim3A_52 = arith.constant 0.000000e+00 : f32
      %broadcast_in_dim3A_53 = vector.broadcast %broadcast_in_dim3A_52 : f32 to vector<16xf32>
      %broadcast_in_dim3A_54 = arith.constant 0.000000e+00 : f32
      %broadcast_in_dim3A_55 = vector.broadcast %broadcast_in_dim3A_54 : f32 to vector<16xf32>
      %broadcast_in_dim3A_56 = arith.constant 0.000000e+00 : f32
      %broadcast_in_dim3A_57 = vector.broadcast %broadcast_in_dim3A_56 : f32 to vector<16xf32>
      %scan3A_58 = arith.constant 0 : i32
      %scan3A_59 = arith.constant 25 : i32
      %scan3A_60 = arith.addi %scan3A_58, %scan3A_59 : i32
      %scan3A_61 = arith.constant 1 : i32
      %scan3A_62:8 = scf.for %scan3A_366 = %scan3A_58 to %scan3A_60 step %scan3A_61 iter_args(%scan3A_367 = %broadcast_in_dim3A_43, %scan3A_368 = %broadcast_in_dim3A_45, %scan3A_369 = %broadcast_in_dim3A_47, %scan3A_370 = %broadcast_in_dim3A_49, %scan3A_371 = %broadcast_in_dim3A_51, %scan3A_372 = %broadcast_in_dim3A_53, %scan3A_373 = %broadcast_in_dim3A_55, %scan3A_374 = %broadcast_in_dim3A_57) -> (vector<16xf32>, vector<16xf32>, vector<16xf32>, vector<16xf32>, vector<16xf32>, vector<16xf32>, vector<16xf32>, vector<16xf32>)  : i32 {
        %mul3A_375 = arith.constant 8 : i32
        %mul3A_376 = arith.muli %scan3A_366, %mul3A_375 : i32
        %add3A_377 = arith.constant 0 : i32
        %add3A_378 = arith.addi %add3A_377, %mul3A_376 : i32
        %add3A_379 = arith.constant 0 : i32
        %add3A_380 = arith.addi %add3A_378, %add3A_379 : i32
        %get3A = arith.index_cast %add3A_380 : i32 to index
        %get3A_381 = arith.constant 0 : index
        %get3A_382 = tpu.vector_load %arg6[%get3A, %get3A_381] {strides = array<i32>} : memref<400x128xf32, #tpu.memory_space<vmem>>, vector<1x16xf32>,
        %get3A_383 = vector.shape_cast %get3A_382 : vector<1x16xf32> to vector<16xf32>
        %add3A_384 = arith.addf %scan3A_367, %get3A_383 : vector<16xf32>
        %add3A_385 = arith.constant 1 : i32
        %add3A_386 = arith.addi %add3A_378, %add3A_385 : i32
        %get3A_387 = arith.index_cast %add3A_386 : i32 to index
        %get3A_388 = arith.constant 0 : index
        %get3A_389 = tpu.vector_load %arg6[%get3A_387, %get3A_388] {strides = array<i32>} : memref<400x128xf32, #tpu.memory_space<vmem>>, vector<1x16xf32>,
        %get3A_390 = vector.shape_cast %get3A_389 : vector<1x16xf32> to vector<16xf32>
        %add3A_391 = arith.addf %add3A_384, %get3A_390 : vector<16xf32>
        %add3A_392 = arith.constant 2 : i32
        %add3A_393 = arith.addi %add3A_378, %add3A_392 : i32
        %get3A_394 = arith.index_cast %add3A_393 : i32 to index
        %get3A_395 = arith.constant 0 : index
        %get3A_396 = tpu.vector_load %arg6[%get3A_394, %get3A_395] {strides = array<i32>} : memref<400x128xf32, #tpu.memory_space<vmem>>, vector<1x16xf32>,
        %get3A_397 = vector.shape_cast %get3A_396 : vector<1x16xf32> to vector<16xf32>
        %add3A_398 = arith.addf %add3A_391, %get3A_397 : vector<16xf32>
        %add3A_399 = arith.constant 3 : i32
        %add3A_400 = arith.addi %add3A_378, %add3A_399 : i32
        %get3A_401 = arith.index_cast %add3A_400 : i32 to index
        %get3A_402 = arith.constant 0 : index
        %get3A_403 = tpu.vector_load %arg6[%get3A_401, %get3A_402] {strides = array<i32>} : memref<400x128xf32, #tpu.memory_space<vmem>>, vector<1x16xf32>,
        %get3A_404 = vector.shape_cast %get3A_403 : vector<1x16xf32> to vector<16xf32>
        %add3A_405 = arith.addf %add3A_398, %get3A_404 : vector<16xf32>
        %add3A_406 = arith.constant 4 : i32
        %add3A_407 = arith.addi %add3A_378, %add3A_406 : i32
        %get3A_408 = arith.index_cast %add3A_407 : i32 to index
        %get3A_409 = arith.constant 0 : index
        %get3A_410 = tpu.vector_load %arg6[%get3A_408, %get3A_409] {strides = array<i32>} : memref<400x128xf32, #tpu.memory_space<vmem>>, vector<1x16xf32>,
        %get3A_411 = vector.shape_cast %get3A_410 : vector<1x16xf32> to vector<16xf32>
        %add3A_412 = arith.addf %add3A_405, %get3A_411 : vector<16xf32>
        %add3A_413 = arith.constant 5 : i32
        %add3A_414 = arith.addi %add3A_378, %add3A_413 : i32
        %get3A_415 = arith.index_cast %add3A_414 : i32 to index
        %get3A_416 = arith.constant 0 : index
        %get3A_417 = tpu.vector_load %arg6[%get3A_415, %get3A_416] {strides = array<i32>} : memref<400x128xf32, #tpu.memory_space<vmem>>, vector<1x16xf32>,
        %get3A_418 = vector.shape_cast %get3A_417 : vector<1x16xf32> to vector<16xf32>
        %add3A_419 = arith.addf %add3A_412, %get3A_418 : vector<16xf32>
        %add3A_420 = arith.constant 6 : i32
        %add3A_421 = arith.addi %add3A_378, %add3A_420 : i32
        %get3A_422 = arith.index_cast %add3A_421 : i32 to index
        %get3A_423 = arith.constant 0 : index
        %get3A_424 = tpu.vector_load %arg6[%get3A_422, %get3A_423] {strides = array<i32>} : memref<400x128xf32, #tpu.memory_space<vmem>>, vector<1x16xf32>,
        %get3A_425 = vector.shape_cast %get3A_424 : vector<1x16xf32> to vector<16xf32>
        %add3A_426 = arith.addf %add3A_419, %get3A_425 : vector<16xf32>
        %add3A_427 = arith.constant 7 : i32
        %add3A_428 = arith.addi %add3A_378, %add3A_427 : i32
        %get3A_429 = arith.index_cast %add3A_428 : i32 to index
        %get3A_430 = arith.constant 0 : index
        %get3A_431 = tpu.vector_load %arg6[%get3A_429, %get3A_430] {strides = array<i32>} : memref<400x128xf32, #tpu.memory_space<vmem>>, vector<1x16xf32>,
        %get3A_432 = vector.shape_cast %get3A_431 : vector<1x16xf32> to vector<16xf32>
        %add3A_433 = arith.addf %add3A_426, %get3A_432 : vector<16xf32>
        %add3A_434 = arith.constant 0 : i32
        %add3A_435 = arith.addi %add3A_378, %add3A_434 : i32
        %get3A_436 = arith.index_cast %add3A_435 : i32 to index
        %get3A_437 = arith.constant 16 : index
        %get3A_438 = tpu.vector_load %arg6[%get3A_436, %get3A_437] {strides = array<i32>} : memref<400x128xf32, #tpu.memory_space<vmem>>, vector<1x16xf32>,
        %get3A_439 = vector.shape_cast %get3A_438 : vector<1x16xf32> to vector<16xf32>
        %add3A_440 = arith.addf %scan3A_368, %get3A_439 : vector<16xf32>
        %add3A_441 = arith.constant 1 : i32
        %add3A_442 = arith.addi %add3A_378, %add3A_441 : i32
        %get3A_443 = arith.index_cast %add3A_442 : i32 to index
        %get3A_444 = arith.constant 16 : index
        %get3A_445 = tpu.vector_load %arg6[%get3A_443, %get3A_444] {strides = array<i32>} : memref<400x128xf32, #tpu.memory_space<vmem>>, vector<1x16xf32>,
        %get3A_446 = vector.shape_cast %get3A_445 : vector<1x16xf32> to vector<16xf32>
        %add3A_447 = arith.addf %add3A_440, %get3A_446 : vector<16xf32>
        %add3A_448 = arith.constant 2 : i32
        %add3A_449 = arith.addi %add3A_378, %add3A_448 : i32
        %get3A_450 = arith.index_cast %add3A_449 : i32 to index
        %get3A_451 = arith.constant 16 : index
        %get3A_452 = tpu.vector_load %arg6[%get3A_450, %get3A_451] {strides = array<i32>} : memref<400x128xf32, #tpu.memory_space<vmem>>, vector<1x16xf32>,
        %get3A_453 = vector.shape_cast %get3A_452 : vector<1x16xf32> to vector<16xf32>
        %add3A_454 = arith.addf %add3A_447, %get3A_453 : vector<16xf32>
        %add3A_455 = arith.constant 3 : i32
        %add3A_456 = arith.addi %add3A_378, %add3A_455 : i32
        %get3A_457 = arith.index_cast %add3A_456 : i32 to index
        %get3A_458 = arith.constant 16 : index
        %get3A_459 = tpu.vector_load %arg6[%get3A_457, %get3A_458] {strides = array<i32>} : memref<400x128xf32, #tpu.memory_space<vmem>>, vector<1x16xf32>,
        %get3A_460 = vector.shape_cast %get3A_459 : vector<1x16xf32> to vector<16xf32>
        %add3A_461 = arith.addf %add3A_454, %get3A_460 : vector<16xf32>
        %add3A_462 = arith.constant 4 : i32
        %add3A_463 = arith.addi %add3A_378, %add3A_462 : i32
        %get3A_464 = arith.index_cast %add3A_463 : i32 to index
        %get3A_465 = arith.constant 16 : index
        %get3A_466 = tpu.vector_load %arg6[%get3A_464, %get3A_465] {strides = array<i32>} : memref<400x128xf32, #tpu.memory_space<vmem>>, vector<1x16xf32>,
        %get3A_467 = vector.shape_cast %get3A_466 : vector<1x16xf32> to vector<16xf32>
        %add3A_468 = arith.addf %add3A_461, %get3A_467 : vector<16xf32>
        %add3A_469 = arith.constant 5 : i32
        %add3A_470 = arith.addi %add3A_378, %add3A_469 : i32
        %get3A_471 = arith.index_cast %add3A_470 : i32 to index
        %get3A_472 = arith.constant 16 : index
        %get3A_473 = tpu.vector_load %arg6[%get3A_471, %get3A_472] {strides = array<i32>} : memref<400x128xf32, #tpu.memory_space<vmem>>, vector<1x16xf32>,
        %get3A_474 = vector.shape_cast %get3A_473 : vector<1x16xf32> to vector<16xf32>
        %add3A_475 = arith.addf %add3A_468, %get3A_474 : vector<16xf32>
        %add3A_476 = arith.constant 6 : i32
        %add3A_477 = arith.addi %add3A_378, %add3A_476 : i32
        %get3A_478 = arith.index_cast %add3A_477 : i32 to index
        %get3A_479 = arith.constant 16 : index
        %get3A_480 = tpu.vector_load %arg6[%get3A_478, %get3A_479] {strides = array<i32>} : memref<400x128xf32, #tpu.memory_space<vmem>>, vector<1x16xf32>,
        %get3A_481 = vector.shape_cast %get3A_480 : vector<1x16xf32> to vector<16xf32>
        %add3A_482 = arith.addf %add3A_475, %get3A_481 : vector<16xf32>
        %add3A_483 = arith.constant 7 : i32
        %add3A_484 = arith.addi %add3A_378, %add3A_483 : i32
        %get3A_485 = arith.index_cast %add3A_484 : i32 to index
        %get3A_486 = arith.constant 16 : index
        %get3A_487 = tpu.vector_load %arg6[%get3A_485, %get3A_486] {strides = array<i32>} : memref<400x128xf32, #tpu.memory_space<vmem>>, vector<1x16xf32>,
        %get3A_488 = vector.shape_cast %get3A_487 : vector<1x16xf32> to vector<16xf32>
        %add3A_489 = arith.addf %add3A_482, %get3A_488 : vector<16xf32>
        %add3A_490 = arith.constant 0 : i32
        %add3A_491 = arith.addi %add3A_378, %add3A_490 : i32
        %get3A_492 = arith.index_cast %add3A_491 : i32 to index
        %get3A_493 = arith.constant 32 : index
        %get3A_494 = tpu.vector_load %arg6[%get3A_492, %get3A_493] {strides = array<i32>} : memref<400x128xf32, #tpu.memory_space<vmem>>, vector<1x16xf32>,
        %get3A_495 = vector.shape_cast %get3A_494 : vector<1x16xf32> to vector<16xf32>
        %add3A_496 = arith.addf %scan3A_369, %get3A_495 : vector<16xf32>
        %add3A_497 = arith.constant 1 : i32
        %add3A_498 = arith.addi %add3A_378, %add3A_497 : i32
        %get3A_499 = arith.index_cast %add3A_498 : i32 to index
        %get3A_500 = arith.constant 32 : index
        %get3A_501 = tpu.vector_load %arg6[%get3A_499, %get3A_500] {strides = array<i32>} : memref<400x128xf32, #tpu.memory_space<vmem>>, vector<1x16xf32>,
        %get3A_502 = vector.shape_cast %get3A_501 : vector<1x16xf32> to vector<16xf32>
        %add3A_503 = arith.addf %add3A_496, %get3A_502 : vector<16xf32>
        %add3A_504 = arith.constant 2 : i32
        %add3A_505 = arith.addi %add3A_378, %add3A_504 : i32
        %get3A_506 = arith.index_cast %add3A_505 : i32 to index
        %get3A_507 = arith.constant 32 : index
        %get3A_508 = tpu.vector_load %arg6[%get3A_506, %get3A_507] {strides = array<i32>} : memref<400x128xf32, #tpu.memory_space<vmem>>, vector<1x16xf32>,
        %get3A_509 = vector.shape_cast %get3A_508 : vector<1x16xf32> to vector<16xf32>
        %add3A_510 = arith.addf %add3A_503, %get3A_509 : vector<16xf32>
        %add3A_511 = arith.constant 3 : i32
        %add3A_512 = arith.addi %add3A_378, %add3A_511 : i32
        %get3A_513 = arith.index_cast %add3A_512 : i32 to index
        %get3A_514 = arith.constant 32 : index
        %get3A_515 = tpu.vector_load %arg6[%get3A_513, %get3A_514] {strides = array<i32>} : memref<400x128xf32, #tpu.memory_space<vmem>>, vector<1x16xf32>,
        %get3A_516 = vector.shape_cast %get3A_515 : vector<1x16xf32> to vector<16xf32>
        %add3A_517 = arith.addf %add3A_510, %get3A_516 : vector<16xf32>
        %add3A_518 = arith.constant 4 : i32
        %add3A_519 = arith.addi %add3A_378, %add3A_518 : i32
        %get3A_520 = arith.index_cast %add3A_519 : i32 to index
        %get3A_521 = arith.constant 32 : index
        %get3A_522 = tpu.vector_load %arg6[%get3A_520, %get3A_521] {strides = array<i32>} : memref<400x128xf32, #tpu.memory_space<vmem>>, vector<1x16xf32>,
        %get3A_523 = vector.shape_cast %get3A_522 : vector<1x16xf32> to vector<16xf32>
        %add3A_524 = arith.addf %add3A_517, %get3A_523 : vector<16xf32>
        %add3A_525 = arith.constant 5 : i32
        %add3A_526 = arith.addi %add3A_378, %add3A_525 : i32
        %get3A_527 = arith.index_cast %add3A_526 : i32 to index
        %get3A_528 = arith.constant 32 : index
        %get3A_529 = tpu.vector_load %arg6[%get3A_527, %get3A_528] {strides = array<i32>} : memref<400x128xf32, #tpu.memory_space<vmem>>, vector<1x16xf32>,
        %get3A_530 = vector.shape_cast %get3A_529 : vector<1x16xf32> to vector<16xf32>
        %add3A_531 = arith.addf %add3A_524, %get3A_530 : vector<16xf32>
        %add3A_532 = arith.constant 6 : i32
        %add3A_533 = arith.addi %add3A_378, %add3A_532 : i32
        %get3A_534 = arith.index_cast %add3A_533 : i32 to index
        %get3A_535 = arith.constant 32 : index
        %get3A_536 = tpu.vector_load %arg6[%get3A_534, %get3A_535] {strides = array<i32>} : memref<400x128xf32, #tpu.memory_space<vmem>>, vector<1x16xf32>,
        %get3A_537 = vector.shape_cast %get3A_536 : vector<1x16xf32> to vector<16xf32>
        %add3A_538 = arith.addf %add3A_531, %get3A_537 : vector<16xf32>
        %add3A_539 = arith.constant 7 : i32
        %add3A_540 = arith.addi %add3A_378, %add3A_539 : i32
        %get3A_541 = arith.index_cast %add3A_540 : i32 to index
        %get3A_542 = arith.constant 32 : index
        %get3A_543 = tpu.vector_load %arg6[%get3A_541, %get3A_542] {strides = array<i32>} : memref<400x128xf32, #tpu.memory_space<vmem>>, vector<1x16xf32>,
        %get3A_544 = vector.shape_cast %get3A_543 : vector<1x16xf32> to vector<16xf32>
        %add3A_545 = arith.addf %add3A_538, %get3A_544 : vector<16xf32>
        %add3A_546 = arith.constant 0 : i32
        %add3A_547 = arith.addi %add3A_378, %add3A_546 : i32
        %get3A_548 = arith.index_cast %add3A_547 : i32 to index
        %get3A_549 = arith.constant 48 : index
        %get3A_550 = tpu.vector_load %arg6[%get3A_548, %get3A_549] {strides = array<i32>} : memref<400x128xf32, #tpu.memory_space<vmem>>, vector<1x16xf32>,
        %get3A_551 = vector.shape_cast %get3A_550 : vector<1x16xf32> to vector<16xf32>
        %add3A_552 = arith.addf %scan3A_370, %get3A_551 : vector<16xf32>
        %add3A_553 = arith.constant 1 : i32
        %add3A_554 = arith.addi %add3A_378, %add3A_553 : i32
        %get3A_555 = arith.index_cast %add3A_554 : i32 to index
        %get3A_556 = arith.constant 48 : index
        %get3A_557 = tpu.vector_load %arg6[%get3A_555, %get3A_556] {strides = array<i32>} : memref<400x128xf32, #tpu.memory_space<vmem>>, vector<1x16xf32>,
        %get3A_558 = vector.shape_cast %get3A_557 : vector<1x16xf32> to vector<16xf32>
        %add3A_559 = arith.addf %add3A_552, %get3A_558 : vector<16xf32>
        %add3A_560 = arith.constant 2 : i32
        %add3A_561 = arith.addi %add3A_378, %add3A_560 : i32
        %get3A_562 = arith.index_cast %add3A_561 : i32 to index
        %get3A_563 = arith.constant 48 : index
        %get3A_564 = tpu.vector_load %arg6[%get3A_562, %get3A_563] {strides = array<i32>} : memref<400x128xf32, #tpu.memory_space<vmem>>, vector<1x16xf32>,
        %get3A_565 = vector.shape_cast %get3A_564 : vector<1x16xf32> to vector<16xf32>
        %add3A_566 = arith.addf %add3A_559, %get3A_565 : vector<16xf32>
        %add3A_567 = arith.constant 3 : i32
        %add3A_568 = arith.addi %add3A_378, %add3A_567 : i32
        %get3A_569 = arith.index_cast %add3A_568 : i32 to index
        %get3A_570 = arith.constant 48 : index
        %get3A_571 = tpu.vector_load %arg6[%get3A_569, %get3A_570] {strides = array<i32>} : memref<400x128xf32, #tpu.memory_space<vmem>>, vector<1x16xf32>,
        %get3A_572 = vector.shape_cast %get3A_571 : vector<1x16xf32> to vector<16xf32>
        %add3A_573 = arith.addf %add3A_566, %get3A_572 : vector<16xf32>
        %add3A_574 = arith.constant 4 : i32
        %add3A_575 = arith.addi %add3A_378, %add3A_574 : i32
        %get3A_576 = arith.index_cast %add3A_575 : i32 to index
        %get3A_577 = arith.constant 48 : index
        %get3A_578 = tpu.vector_load %arg6[%get3A_576, %get3A_577] {strides = array<i32>} : memref<400x128xf32, #tpu.memory_space<vmem>>, vector<1x16xf32>,
        %get3A_579 = vector.shape_cast %get3A_578 : vector<1x16xf32> to vector<16xf32>
        %add3A_580 = arith.addf %add3A_573, %get3A_579 : vector<16xf32>
        %add3A_581 = arith.constant 5 : i32
        %add3A_582 = arith.addi %add3A_378, %add3A_581 : i32
        %get3A_583 = arith.index_cast %add3A_582 : i32 to index
        %get3A_584 = arith.constant 48 : index
        %get3A_585 = tpu.vector_load %arg6[%get3A_583, %get3A_584] {strides = array<i32>} : memref<400x128xf32, #tpu.memory_space<vmem>>, vector<1x16xf32>,
        %get3A_586 = vector.shape_cast %get3A_585 : vector<1x16xf32> to vector<16xf32>
        %add3A_587 = arith.addf %add3A_580, %get3A_586 : vector<16xf32>
        %add3A_588 = arith.constant 6 : i32
        %add3A_589 = arith.addi %add3A_378, %add3A_588 : i32
        %get3A_590 = arith.index_cast %add3A_589 : i32 to index
        %get3A_591 = arith.constant 48 : index
        %get3A_592 = tpu.vector_load %arg6[%get3A_590, %get3A_591] {strides = array<i32>} : memref<400x128xf32, #tpu.memory_space<vmem>>, vector<1x16xf32>,
        %get3A_593 = vector.shape_cast %get3A_592 : vector<1x16xf32> to vector<16xf32>
        %add3A_594 = arith.addf %add3A_587, %get3A_593 : vector<16xf32>
        %add3A_595 = arith.constant 7 : i32
        %add3A_596 = arith.addi %add3A_378, %add3A_595 : i32
        %get3A_597 = arith.index_cast %add3A_596 : i32 to index
        %get3A_598 = arith.constant 48 : index
        %get3A_599 = tpu.vector_load %arg6[%get3A_597, %get3A_598] {strides = array<i32>} : memref<400x128xf32, #tpu.memory_space<vmem>>, vector<1x16xf32>,
        %get3A_600 = vector.shape_cast %get3A_599 : vector<1x16xf32> to vector<16xf32>
        %add3A_601 = arith.addf %add3A_594, %get3A_600 : vector<16xf32>
        %add3A_602 = arith.constant 0 : i32
        %add3A_603 = arith.addi %add3A_378, %add3A_602 : i32
        %get3A_604 = arith.index_cast %add3A_603 : i32 to index
        %get3A_605 = arith.constant 64 : index
        %get3A_606 = tpu.vector_load %arg6[%get3A_604, %get3A_605] {strides = array<i32>} : memref<400x128xf32, #tpu.memory_space<vmem>>, vector<1x16xf32>,
        %get3A_607 = vector.shape_cast %get3A_606 : vector<1x16xf32> to vector<16xf32>
        %add3A_608 = arith.addf %scan3A_371, %get3A_607 : vector<16xf32>
        %add3A_609 = arith.constant 1 : i32
        %add3A_610 = arith.addi %add3A_378, %add3A_609 : i32
        %get3A_611 = arith.index_cast %add3A_610 : i32 to index
        %get3A_612 = arith.constant 64 : index
        %get3A_613 = tpu.vector_load %arg6[%get3A_611, %get3A_612] {strides = array<i32>} : memref<400x128xf32, #tpu.memory_space<vmem>>, vector<1x16xf32>,
        %get3A_614 = vector.shape_cast %get3A_613 : vector<1x16xf32> to vector<16xf32>
        %add3A_615 = arith.addf %add3A_608, %get3A_614 : vector<16xf32>
        %add3A_616 = arith.constant 2 : i32
        %add3A_617 = arith.addi %add3A_378, %add3A_616 : i32
        %get3A_618 = arith.index_cast %add3A_617 : i32 to index
        %get3A_619 = arith.constant 64 : index
        %get3A_620 = tpu.vector_load %arg6[%get3A_618, %get3A_619] {strides = array<i32>} : memref<400x128xf32, #tpu.memory_space<vmem>>, vector<1x16xf32>,
        %get3A_621 = vector.shape_cast %get3A_620 : vector<1x16xf32> to vector<16xf32>
        %add3A_622 = arith.addf %add3A_615, %get3A_621 : vector<16xf32>
        %add3A_623 = arith.constant 3 : i32
        %add3A_624 = arith.addi %add3A_378, %add3A_623 : i32
        %get3A_625 = arith.index_cast %add3A_624 : i32 to index
        %get3A_626 = arith.constant 64 : index
        %get3A_627 = tpu.vector_load %arg6[%get3A_625, %get3A_626] {strides = array<i32>} : memref<400x128xf32, #tpu.memory_space<vmem>>, vector<1x16xf32>,
        %get3A_628 = vector.shape_cast %get3A_627 : vector<1x16xf32> to vector<16xf32>
        %add3A_629 = arith.addf %add3A_622, %get3A_628 : vector<16xf32>
        %add3A_630 = arith.constant 4 : i32
        %add3A_631 = arith.addi %add3A_378, %add3A_630 : i32
        %get3A_632 = arith.index_cast %add3A_631 : i32 to index
        %get3A_633 = arith.constant 64 : index
        %get3A_634 = tpu.vector_load %arg6[%get3A_632, %get3A_633] {strides = array<i32>} : memref<400x128xf32, #tpu.memory_space<vmem>>, vector<1x16xf32>,
        %get3A_635 = vector.shape_cast %get3A_634 : vector<1x16xf32> to vector<16xf32>
        %add3A_636 = arith.addf %add3A_629, %get3A_635 : vector<16xf32>
        %add3A_637 = arith.constant 5 : i32
        %add3A_638 = arith.addi %add3A_378, %add3A_637 : i32
        %get3A_639 = arith.index_cast %add3A_638 : i32 to index
        %get3A_640 = arith.constant 64 : index
        %get3A_641 = tpu.vector_load %arg6[%get3A_639, %get3A_640] {strides = array<i32>} : memref<400x128xf32, #tpu.memory_space<vmem>>, vector<1x16xf32>,
        %get3A_642 = vector.shape_cast %get3A_641 : vector<1x16xf32> to vector<16xf32>
        %add3A_643 = arith.addf %add3A_636, %get3A_642 : vector<16xf32>
        %add3A_644 = arith.constant 6 : i32
        %add3A_645 = arith.addi %add3A_378, %add3A_644 : i32
        %get3A_646 = arith.index_cast %add3A_645 : i32 to index
        %get3A_647 = arith.constant 64 : index
        %get3A_648 = tpu.vector_load %arg6[%get3A_646, %get3A_647] {strides = array<i32>} : memref<400x128xf32, #tpu.memory_space<vmem>>, vector<1x16xf32>,
        %get3A_649 = vector.shape_cast %get3A_648 : vector<1x16xf32> to vector<16xf32>
        %add3A_650 = arith.addf %add3A_643, %get3A_649 : vector<16xf32>
        %add3A_651 = arith.constant 7 : i32
        %add3A_652 = arith.addi %add3A_378, %add3A_651 : i32
        %get3A_653 = arith.index_cast %add3A_652 : i32 to index
        %get3A_654 = arith.constant 64 : index
        %get3A_655 = tpu.vector_load %arg6[%get3A_653, %get3A_654] {strides = array<i32>} : memref<400x128xf32, #tpu.memory_space<vmem>>, vector<1x16xf32>,
        %get3A_656 = vector.shape_cast %get3A_655 : vector<1x16xf32> to vector<16xf32>
        %add3A_657 = arith.addf %add3A_650, %get3A_656 : vector<16xf32>
        %add3A_658 = arith.constant 0 : i32
        %add3A_659 = arith.addi %add3A_378, %add3A_658 : i32
        %get3A_660 = arith.index_cast %add3A_659 : i32 to index
        %get3A_661 = arith.constant 80 : index
        %get3A_662 = tpu.vector_load %arg6[%get3A_660, %get3A_661] {strides = array<i32>} : memref<400x128xf32, #tpu.memory_space<vmem>>, vector<1x16xf32>,
        %get3A_663 = vector.shape_cast %get3A_662 : vector<1x16xf32> to vector<16xf32>
        %add3A_664 = arith.addf %scan3A_372, %get3A_663 : vector<16xf32>
        %add3A_665 = arith.constant 1 : i32
        %add3A_666 = arith.addi %add3A_378, %add3A_665 : i32
        %get3A_667 = arith.index_cast %add3A_666 : i32 to index
        %get3A_668 = arith.constant 80 : index
        %get3A_669 = tpu.vector_load %arg6[%get3A_667, %get3A_668] {strides = array<i32>} : memref<400x128xf32, #tpu.memory_space<vmem>>, vector<1x16xf32>,
        %get3A_670 = vector.shape_cast %get3A_669 : vector<1x16xf32> to vector<16xf32>
        %add3A_671 = arith.addf %add3A_664, %get3A_670 : vector<16xf32>
        %add3A_672 = arith.constant 2 : i32
        %add3A_673 = arith.addi %add3A_378, %add3A_672 : i32
        %get3A_674 = arith.index_cast %add3A_673 : i32 to index
        %get3A_675 = arith.constant 80 : index
        %get3A_676 = tpu.vector_load %arg6[%get3A_674, %get3A_675] {strides = array<i32>} : memref<400x128xf32, #tpu.memory_space<vmem>>, vector<1x16xf32>,
        %get3A_677 = vector.shape_cast %get3A_676 : vector<1x16xf32> to vector<16xf32>
        %add3A_678 = arith.addf %add3A_671, %get3A_677 : vector<16xf32>
        %add3A_679 = arith.constant 3 : i32
        %add3A_680 = arith.addi %add3A_378, %add3A_679 : i32
        %get3A_681 = arith.index_cast %add3A_680 : i32 to index
        %get3A_682 = arith.constant 80 : index
        %get3A_683 = tpu.vector_load %arg6[%get3A_681, %get3A_682] {strides = array<i32>} : memref<400x128xf32, #tpu.memory_space<vmem>>, vector<1x16xf32>,
        %get3A_684 = vector.shape_cast %get3A_683 : vector<1x16xf32> to vector<16xf32>
        %add3A_685 = arith.addf %add3A_678, %get3A_684 : vector<16xf32>
        %add3A_686 = arith.constant 4 : i32
        %add3A_687 = arith.addi %add3A_378, %add3A_686 : i32
        %get3A_688 = arith.index_cast %add3A_687 : i32 to index
        %get3A_689 = arith.constant 80 : index
        %get3A_690 = tpu.vector_load %arg6[%get3A_688, %get3A_689] {strides = array<i32>} : memref<400x128xf32, #tpu.memory_space<vmem>>, vector<1x16xf32>,
        %get3A_691 = vector.shape_cast %get3A_690 : vector<1x16xf32> to vector<16xf32>
        %add3A_692 = arith.addf %add3A_685, %get3A_691 : vector<16xf32>
        %add3A_693 = arith.constant 5 : i32
        %add3A_694 = arith.addi %add3A_378, %add3A_693 : i32
        %get3A_695 = arith.index_cast %add3A_694 : i32 to index
        %get3A_696 = arith.constant 80 : index
        %get3A_697 = tpu.vector_load %arg6[%get3A_695, %get3A_696] {strides = array<i32>} : memref<400x128xf32, #tpu.memory_space<vmem>>, vector<1x16xf32>,
        %get3A_698 = vector.shape_cast %get3A_697 : vector<1x16xf32> to vector<16xf32>
        %add3A_699 = arith.addf %add3A_692, %get3A_698 : vector<16xf32>
        %add3A_700 = arith.constant 6 : i32
        %add3A_701 = arith.addi %add3A_378, %add3A_700 : i32
        %get3A_702 = arith.index_cast %add3A_701 : i32 to index
        %get3A_703 = arith.constant 80 : index
        %get3A_704 = tpu.vector_load %arg6[%get3A_702, %get3A_703] {strides = array<i32>} : memref<400x128xf32, #tpu.memory_space<vmem>>, vector<1x16xf32>,
        %get3A_705 = vector.shape_cast %get3A_704 : vector<1x16xf32> to vector<16xf32>
        %add3A_706 = arith.addf %add3A_699, %get3A_705 : vector<16xf32>
        %add3A_707 = arith.constant 7 : i32
        %add3A_708 = arith.addi %add3A_378, %add3A_707 : i32
        %get3A_709 = arith.index_cast %add3A_708 : i32 to index
        %get3A_710 = arith.constant 80 : index
        %get3A_711 = tpu.vector_load %arg6[%get3A_709, %get3A_710] {strides = array<i32>} : memref<400x128xf32, #tpu.memory_space<vmem>>, vector<1x16xf32>,
        %get3A_712 = vector.shape_cast %get3A_711 : vector<1x16xf32> to vector<16xf32>
        %add3A_713 = arith.addf %add3A_706, %get3A_712 : vector<16xf32>
        %add3A_714 = arith.constant 0 : i32
        %add3A_715 = arith.addi %add3A_378, %add3A_714 : i32
        %get3A_716 = arith.index_cast %add3A_715 : i32 to index
        %get3A_717 = arith.constant 96 : index
        %get3A_718 = tpu.vector_load %arg6[%get3A_716, %get3A_717] {strides = array<i32>} : memref<400x128xf32, #tpu.memory_space<vmem>>, vector<1x16xf32>,
        %get3A_719 = vector.shape_cast %get3A_718 : vector<1x16xf32> to vector<16xf32>
        %add3A_720 = arith.addf %scan3A_373, %get3A_719 : vector<16xf32>
        %add3A_721 = arith.constant 1 : i32
        %add3A_722 = arith.addi %add3A_378, %add3A_721 : i32
        %get3A_723 = arith.index_cast %add3A_722 : i32 to index
        %get3A_724 = arith.constant 96 : index
        %get3A_725 = tpu.vector_load %arg6[%get3A_723, %get3A_724] {strides = array<i32>} : memref<400x128xf32, #tpu.memory_space<vmem>>, vector<1x16xf32>,
        %get3A_726 = vector.shape_cast %get3A_725 : vector<1x16xf32> to vector<16xf32>
        %add3A_727 = arith.addf %add3A_720, %get3A_726 : vector<16xf32>
        %add3A_728 = arith.constant 2 : i32
        %add3A_729 = arith.addi %add3A_378, %add3A_728 : i32
        %get3A_730 = arith.index_cast %add3A_729 : i32 to index
        %get3A_731 = arith.constant 96 : index
        %get3A_732 = tpu.vector_load %arg6[%get3A_730, %get3A_731] {strides = array<i32>} : memref<400x128xf32, #tpu.memory_space<vmem>>, vector<1x16xf32>,
        %get3A_733 = vector.shape_cast %get3A_732 : vector<1x16xf32> to vector<16xf32>
        %add3A_734 = arith.addf %add3A_727, %get3A_733 : vector<16xf32>
        %add3A_735 = arith.constant 3 : i32
        %add3A_736 = arith.addi %add3A_378, %add3A_735 : i32
        %get3A_737 = arith.index_cast %add3A_736 : i32 to index
        %get3A_738 = arith.constant 96 : index
        %get3A_739 = tpu.vector_load %arg6[%get3A_737, %get3A_738] {strides = array<i32>} : memref<400x128xf32, #tpu.memory_space<vmem>>, vector<1x16xf32>,
        %get3A_740 = vector.shape_cast %get3A_739 : vector<1x16xf32> to vector<16xf32>
        %add3A_741 = arith.addf %add3A_734, %get3A_740 : vector<16xf32>
        %add3A_742 = arith.constant 4 : i32
        %add3A_743 = arith.addi %add3A_378, %add3A_742 : i32
        %get3A_744 = arith.index_cast %add3A_743 : i32 to index
        %get3A_745 = arith.constant 96 : index
        %get3A_746 = tpu.vector_load %arg6[%get3A_744, %get3A_745] {strides = array<i32>} : memref<400x128xf32, #tpu.memory_space<vmem>>, vector<1x16xf32>,
        %get3A_747 = vector.shape_cast %get3A_746 : vector<1x16xf32> to vector<16xf32>
        %add3A_748 = arith.addf %add3A_741, %get3A_747 : vector<16xf32>
        %add3A_749 = arith.constant 5 : i32
        %add3A_750 = arith.addi %add3A_378, %add3A_749 : i32
        %get3A_751 = arith.index_cast %add3A_750 : i32 to index
        %get3A_752 = arith.constant 96 : index
        %get3A_753 = tpu.vector_load %arg6[%get3A_751, %get3A_752] {strides = array<i32>} : memref<400x128xf32, #tpu.memory_space<vmem>>, vector<1x16xf32>,
        %get3A_754 = vector.shape_cast %get3A_753 : vector<1x16xf32> to vector<16xf32>
        %add3A_755 = arith.addf %add3A_748, %get3A_754 : vector<16xf32>
        %add3A_756 = arith.constant 6 : i32
        %add3A_757 = arith.addi %add3A_378, %add3A_756 : i32
        %get3A_758 = arith.index_cast %add3A_757 : i32 to index
        %get3A_759 = arith.constant 96 : index
        %get3A_760 = tpu.vector_load %arg6[%get3A_758, %get3A_759] {strides = array<i32>} : memref<400x128xf32, #tpu.memory_space<vmem>>, vector<1x16xf32>,
        %get3A_761 = vector.shape_cast %get3A_760 : vector<1x16xf32> to vector<16xf32>
        %add3A_762 = arith.addf %add3A_755, %get3A_761 : vector<16xf32>
        %add3A_763 = arith.constant 7 : i32
        %add3A_764 = arith.addi %add3A_378, %add3A_763 : i32
        %get3A_765 = arith.index_cast %add3A_764 : i32 to index
        %get3A_766 = arith.constant 96 : index
        %get3A_767 = tpu.vector_load %arg6[%get3A_765, %get3A_766] {strides = array<i32>} : memref<400x128xf32, #tpu.memory_space<vmem>>, vector<1x16xf32>,
        %get3A_768 = vector.shape_cast %get3A_767 : vector<1x16xf32> to vector<16xf32>
        %add3A_769 = arith.addf %add3A_762, %get3A_768 : vector<16xf32>
        %add3A_770 = arith.constant 0 : i32
        %add3A_771 = arith.addi %add3A_378, %add3A_770 : i32
        %get3A_772 = arith.index_cast %add3A_771 : i32 to index
        %get3A_773 = arith.constant 112 : index
        %get3A_774 = tpu.vector_load %arg6[%get3A_772, %get3A_773] {strides = array<i32>} : memref<400x128xf32, #tpu.memory_space<vmem>>, vector<1x16xf32>,
        %get3A_775 = vector.shape_cast %get3A_774 : vector<1x16xf32> to vector<16xf32>
        %add3A_776 = arith.addf %scan3A_374, %get3A_775 : vector<16xf32>
        %add3A_777 = arith.constant 1 : i32
        %add3A_778 = arith.addi %add3A_378, %add3A_777 : i32
        %get3A_779 = arith.index_cast %add3A_778 : i32 to index
        %get3A_780 = arith.constant 112 : index
        %get3A_781 = tpu.vector_load %arg6[%get3A_779, %get3A_780] {strides = array<i32>} : memref<400x128xf32, #tpu.memory_space<vmem>>, vector<1x16xf32>,
        %get3A_782 = vector.shape_cast %get3A_781 : vector<1x16xf32> to vector<16xf32>
        %add3A_783 = arith.addf %add3A_776, %get3A_782 : vector<16xf32>
        %add3A_784 = arith.constant 2 : i32
        %add3A_785 = arith.addi %add3A_378, %add3A_784 : i32
        %get3A_786 = arith.index_cast %add3A_785 : i32 to index
        %get3A_787 = arith.constant 112 : index
        %get3A_788 = tpu.vector_load %arg6[%get3A_786, %get3A_787] {strides = array<i32>} : memref<400x128xf32, #tpu.memory_space<vmem>>, vector<1x16xf32>,
        %get3A_789 = vector.shape_cast %get3A_788 : vector<1x16xf32> to vector<16xf32>
        %add3A_790 = arith.addf %add3A_783, %get3A_789 : vector<16xf32>
        %add3A_791 = arith.constant 3 : i32
        %add3A_792 = arith.addi %add3A_378, %add3A_791 : i32
        %get3A_793 = arith.index_cast %add3A_792 : i32 to index
        %get3A_794 = arith.constant 112 : index
        %get3A_795 = tpu.vector_load %arg6[%get3A_793, %get3A_794] {strides = array<i32>} : memref<400x128xf32, #tpu.memory_space<vmem>>, vector<1x16xf32>,
        %get3A_796 = vector.shape_cast %get3A_795 : vector<1x16xf32> to vector<16xf32>
        %add3A_797 = arith.addf %add3A_790, %get3A_796 : vector<16xf32>
        %add3A_798 = arith.constant 4 : i32
        %add3A_799 = arith.addi %add3A_378, %add3A_798 : i32
        %get3A_800 = arith.index_cast %add3A_799 : i32 to index
        %get3A_801 = arith.constant 112 : index
        %get3A_802 = tpu.vector_load %arg6[%get3A_800, %get3A_801] {strides = array<i32>} : memref<400x128xf32, #tpu.memory_space<vmem>>, vector<1x16xf32>,
        %get3A_803 = vector.shape_cast %get3A_802 : vector<1x16xf32> to vector<16xf32>
        %add3A_804 = arith.addf %add3A_797, %get3A_803 : vector<16xf32>
        %add3A_805 = arith.constant 5 : i32
        %add3A_806 = arith.addi %add3A_378, %add3A_805 : i32
        %get3A_807 = arith.index_cast %add3A_806 : i32 to index
        %get3A_808 = arith.constant 112 : index
        %get3A_809 = tpu.vector_load %arg6[%get3A_807, %get3A_808] {strides = array<i32>} : memref<400x128xf32, #tpu.memory_space<vmem>>, vector<1x16xf32>,
        %get3A_810 = vector.shape_cast %get3A_809 : vector<1x16xf32> to vector<16xf32>
        %add3A_811 = arith.addf %add3A_804, %get3A_810 : vector<16xf32>
        %add3A_812 = arith.constant 6 : i32
        %add3A_813 = arith.addi %add3A_378, %add3A_812 : i32
        %get3A_814 = arith.index_cast %add3A_813 : i32 to index
        %get3A_815 = arith.constant 112 : index
        %get3A_816 = tpu.vector_load %arg6[%get3A_814, %get3A_815] {strides = array<i32>} : memref<400x128xf32, #tpu.memory_space<vmem>>, vector<1x16xf32>,
        %get3A_817 = vector.shape_cast %get3A_816 : vector<1x16xf32> to vector<16xf32>
        %add3A_818 = arith.addf %add3A_811, %get3A_817 : vector<16xf32>
        %add3A_819 = arith.constant 7 : i32
        %add3A_820 = arith.addi %add3A_378, %add3A_819 : i32
        %get3A_821 = arith.index_cast %add3A_820 : i32 to index
        %get3A_822 = arith.constant 112 : index
        %get3A_823 = tpu.vector_load %arg6[%get3A_821, %get3A_822] {strides = array<i32>} : memref<400x128xf32, #tpu.memory_space<vmem>>, vector<1x16xf32>,
        %get3A_824 = vector.shape_cast %get3A_823 : vector<1x16xf32> to vector<16xf32>
        %add3A_825 = arith.addf %add3A_818, %get3A_824 : vector<16xf32>
        scf.yield %add3A_433, %add3A_489, %add3A_545, %add3A_601, %add3A_657, %add3A_713, %add3A_769, %add3A_825 : vector<16xf32>, vector<16xf32>, vector<16xf32>, vector<16xf32>, vector<16xf32>, vector<16xf32>, vector<16xf32>, vector<16xf32>
      }
      %scan3A_63 = arith.constant 25 : i32
      %swap3A = arith.constant 0 : i32
      %swap3A_64 = arith.index_cast %swap3A : i32 to index
      %swap3A_65 = arith.constant 0 : index
      %swap3A_66 = tpu.vector_load %arg8[%swap3A_64, %swap3A_65] {strides = array<i32>} : memref<2x128xf32, #tpu.memory_space<vmem>>, vector<1x16xf32>,
      %swap3A_67 = vector.shape_cast %swap3A_66 : vector<1x16xf32> to vector<16xf32>
      %swap3A_68 = vector.shape_cast %scan3A_62#0 : vector<16xf32> to vector<1x16xf32>
      tpu.vector_store %arg8[%swap3A_64, %swap3A_65], %swap3A_68 {strides = array<i32>} : memref<2x128xf32, #tpu.memory_space<vmem>>, vector<1x16xf32>,
      %swap3A_69 = arith.constant 0 : i32
      %swap3A_70 = arith.index_cast %swap3A_69 : i32 to index
      %swap3A_71 = arith.constant 16 : index
      %swap3A_72 = tpu.vector_load %arg8[%swap3A_70, %swap3A_71] {strides = array<i32>} : memref<2x128xf32, #tpu.memory_space<vmem>>, vector<1x16xf32>,
      %swap3A_73 = vector.shape_cast %swap3A_72 : vector<1x16xf32> to vector<16xf32>
      %swap3A_74 = vector.shape_cast %scan3A_62#1 : vector<16xf32> to vector<1x16xf32>
      tpu.vector_store %arg8[%swap3A_70, %swap3A_71], %swap3A_74 {strides = array<i32>} : memref<2x128xf32, #tpu.memory_space<vmem>>, vector<1x16xf32>,
      %swap3A_75 = arith.constant 0 : i32
      %swap3A_76 = arith.index_cast %swap3A_75 : i32 to index
      %swap3A_77 = arith.constant 32 : index
      %swap3A_78 = tpu.vector_load %arg8[%swap3A_76, %swap3A_77] {strides = array<i32>} : memref<2x128xf32, #tpu.memory_space<vmem>>, vector<1x16xf32>,
      %swap3A_79 = vector.shape_cast %swap3A_78 : vector<1x16xf32> to vector<16xf32>
      %swap3A_80 = vector.shape_cast %scan3A_62#2 : vector<16xf32> to vector<1x16xf32>
      tpu.vector_store %arg8[%swap3A_76, %swap3A_77], %swap3A_80 {strides = array<i32>} : memref<2x128xf32, #tpu.memory_space<vmem>>, vector<1x16xf32>,
      %swap3A_81 = arith.constant 0 : i32
      %swap3A_82 = arith.index_cast %swap3A_81 : i32 to index
      %swap3A_83 = arith.constant 48 : index
      %swap3A_84 = tpu.vector_load %arg8[%swap3A_82, %swap3A_83] {strides = array<i32>} : memref<2x128xf32, #tpu.memory_space<vmem>>, vector<1x16xf32>,
      %swap3A_85 = vector.shape_cast %swap3A_84 : vector<1x16xf32> to vector<16xf32>
      %swap3A_86 = vector.shape_cast %scan3A_62#3 : vector<16xf32> to vector<1x16xf32>
      tpu.vector_store %arg8[%swap3A_82, %swap3A_83], %swap3A_86 {strides = array<i32>} : memref<2x128xf32, #tpu.memory_space<vmem>>, vector<1x16xf32>,
      %swap3A_87 = arith.constant 0 : i32
      %swap3A_88 = arith.index_cast %swap3A_87 : i32 to index
      %swap3A_89 = arith.constant 64 : index
      %swap3A_90 = tpu.vector_load %arg8[%swap3A_88, %swap3A_89] {strides = array<i32>} : memref<2x128xf32, #tpu.memory_space<vmem>>, vector<1x16xf32>,
      %swap3A_91 = vector.shape_cast %swap3A_90 : vector<1x16xf32> to vector<16xf32>
      %swap3A_92 = vector.shape_cast %scan3A_62#4 : vector<16xf32> to vector<1x16xf32>
      tpu.vector_store %arg8[%swap3A_88, %swap3A_89], %swap3A_92 {strides = array<i32>} : memref<2x128xf32, #tpu.memory_space<vmem>>, vector<1x16xf32>,
      %swap3A_93 = arith.constant 0 : i32
      %swap3A_94 = arith.index_cast %swap3A_93 : i32 to index
      %swap3A_95 = arith.constant 80 : index
      %swap3A_96 = tpu.vector_load %arg8[%swap3A_94, %swap3A_95] {strides = array<i32>} : memref<2x128xf32, #tpu.memory_space<vmem>>, vector<1x16xf32>,
      %swap3A_97 = vector.shape_cast %swap3A_96 : vector<1x16xf32> to vector<16xf32>
      %swap3A_98 = vector.shape_cast %scan3A_62#5 : vector<16xf32> to vector<1x16xf32>
      tpu.vector_store %arg8[%swap3A_94, %swap3A_95], %swap3A_98 {strides = array<i32>} : memref<2x128xf32, #tpu.memory_space<vmem>>, vector<1x16xf32>,
      %swap3A_99 = arith.constant 0 : i32
      %swap3A_100 = arith.index_cast %swap3A_99 : i32 to index
      %swap3A_101 = arith.constant 96 : index
      %swap3A_102 = tpu.vector_load %arg8[%swap3A_100, %swap3A_101] {strides = array<i32>} : memref<2x128xf32, #tpu.memory_space<vmem>>, vector<1x16xf32>,
      %swap3A_103 = vector.shape_cast %swap3A_102 : vector<1x16xf32> to vector<16xf32>
      %swap3A_104 = vector.shape_cast %scan3A_62#6 : vector<16xf32> to vector<1x16xf32>
      tpu.vector_store %arg8[%swap3A_100, %swap3A_101], %swap3A_104 {strides = array<i32>} : memref<2x128xf32, #tpu.memory_space<vmem>>, vector<1x16xf32>,
      %swap3A_105 = arith.constant 0 : i32
      %swap3A_106 = arith.index_cast %swap3A_105 : i32 to index
      %swap3A_107 = arith.constant 112 : index
      %swap3A_108 = tpu.vector_load %arg8[%swap3A_106, %swap3A_107] {strides = array<i32>} : memref<2x128xf32, #tpu.memory_space<vmem>>, vector<1x16xf32>,
      %swap3A_109 = vector.shape_cast %swap3A_108 : vector<1x16xf32> to vector<16xf32>
      %swap3A_110 = vector.shape_cast %scan3A_62#7 : vector<16xf32> to vector<1x16xf32>
      tpu.vector_store %arg8[%swap3A_106, %swap3A_107], %swap3A_110 {strides = array<i32>} : memref<2x128xf32, #tpu.memory_space<vmem>>, vector<1x16xf32>,
      %broadcast_in_dim3A_111 = arith.constant 0.000000e+00 : f32
      %broadcast_in_dim3A_112 = vector.broadcast %broadcast_in_dim3A_111 : f32 to vector<16xf32>
      %broadcast_in_dim3A_113 = arith.constant 0.000000e+00 : f32
      %broadcast_in_dim3A_114 = vector.broadcast %broadcast_in_dim3A_113 : f32 to vector<16xf32>
      %broadcast_in_dim3A_115 = arith.constant 0.000000e+00 : f32
      %broadcast_in_dim3A_116 = vector.broadcast %broadcast_in_dim3A_115 : f32 to vector<16xf32>
      %broadcast_in_dim3A_117 = arith.constant 0.000000e+00 : f32
      %broadcast_in_dim3A_118 = vector.broadcast %broadcast_in_dim3A_117 : f32 to vector<16xf32>
      %broadcast_in_dim3A_119 = arith.constant 0.000000e+00 : f32
      %broadcast_in_dim3A_120 = vector.broadcast %broadcast_in_dim3A_119 : f32 to vector<16xf32>
      %broadcast_in_dim3A_121 = arith.constant 0.000000e+00 : f32
      %broadcast_in_dim3A_122 = vector.broadcast %broadcast_in_dim3A_121 : f32 to vector<16xf32>
      %broadcast_in_dim3A_123 = arith.constant 0.000000e+00 : f32
      %broadcast_in_dim3A_124 = vector.broadcast %broadcast_in_dim3A_123 : f32 to vector<16xf32>
      %broadcast_in_dim3A_125 = arith.constant 0.000000e+00 : f32
      %broadcast_in_dim3A_126 = vector.broadcast %broadcast_in_dim3A_125 : f32 to vector<16xf32>
      %scan3A_127 = arith.constant 0 : i32
      %scan3A_128 = arith.constant 25 : i32
      %scan3A_129 = arith.addi %scan3A_127, %scan3A_128 : i32
      %scan3A_130 = arith.constant 1 : i32
      %scan3A_131:8 = scf.for %scan3A_366 = %scan3A_127 to %scan3A_129 step %scan3A_130 iter_args(%scan3A_367 = %broadcast_in_dim3A_112, %scan3A_368 = %broadcast_in_dim3A_114, %scan3A_369 = %broadcast_in_dim3A_116, %scan3A_370 = %broadcast_in_dim3A_118, %scan3A_371 = %broadcast_in_dim3A_120, %scan3A_372 = %broadcast_in_dim3A_122, %scan3A_373 = %broadcast_in_dim3A_124, %scan3A_374 = %broadcast_in_dim3A_126) -> (vector<16xf32>, vector<16xf32>, vector<16xf32>, vector<16xf32>, vector<16xf32>, vector<16xf32>, vector<16xf32>, vector<16xf32>)  : i32 {
        %mul3A_375 = arith.constant 8 : i32
        %mul3A_376 = arith.muli %scan3A_366, %mul3A_375 : i32
        %add3A_377 = arith.constant 200 : i32
        %add3A_378 = arith.addi %add3A_377, %mul3A_376 : i32
        %add3A_379 = arith.constant 0 : i32
        %add3A_380 = arith.addi %add3A_378, %add3A_379 : i32
        %get3A = arith.index_cast %add3A_380 : i32 to index
        %get3A_381 = arith.constant 0 : index
        %get3A_382 = tpu.vector_load %arg6[%get3A, %get3A_381] {strides = array<i32>} : memref<400x128xf32, #tpu.memory_space<vmem>>, vector<1x16xf32>,
        %get3A_383 = vector.shape_cast %get3A_382 : vector<1x16xf32> to vector<16xf32>
        %add3A_384 = arith.addf %scan3A_367, %get3A_383 : vector<16xf32>
        %add3A_385 = arith.constant 1 : i32
        %add3A_386 = arith.addi %add3A_378, %add3A_385 : i32
        %get3A_387 = arith.index_cast %add3A_386 : i32 to index
        %get3A_388 = arith.constant 0 : index
        %get3A_389 = tpu.vector_load %arg6[%get3A_387, %get3A_388] {strides = array<i32>} : memref<400x128xf32, #tpu.memory_space<vmem>>, vector<1x16xf32>,
        %get3A_390 = vector.shape_cast %get3A_389 : vector<1x16xf32> to vector<16xf32>
        %add3A_391 = arith.addf %add3A_384, %get3A_390 : vector<16xf32>
        %add3A_392 = arith.constant 2 : i32
        %add3A_393 = arith.addi %add3A_378, %add3A_392 : i32
        %get3A_394 = arith.index_cast %add3A_393 : i32 to index
        %get3A_395 = arith.constant 0 : index
        %get3A_396 = tpu.vector_load %arg6[%get3A_394, %get3A_395] {strides = array<i32>} : memref<400x128xf32, #tpu.memory_space<vmem>>, vector<1x16xf32>,
        %get3A_397 = vector.shape_cast %get3A_396 : vector<1x16xf32> to vector<16xf32>
        %add3A_398 = arith.addf %add3A_391, %get3A_397 : vector<16xf32>
        %add3A_399 = arith.constant 3 : i32
        %add3A_400 = arith.addi %add3A_378, %add3A_399 : i32
        %get3A_401 = arith.index_cast %add3A_400 : i32 to index
        %get3A_402 = arith.constant 0 : index
        %get3A_403 = tpu.vector_load %arg6[%get3A_401, %get3A_402] {strides = array<i32>} : memref<400x128xf32, #tpu.memory_space<vmem>>, vector<1x16xf32>,
        %get3A_404 = vector.shape_cast %get3A_403 : vector<1x16xf32> to vector<16xf32>
        %add3A_405 = arith.addf %add3A_398, %get3A_404 : vector<16xf32>
        %add3A_406 = arith.constant 4 : i32
        %add3A_407 = arith.addi %add3A_378, %add3A_406 : i32
        %get3A_408 = arith.index_cast %add3A_407 : i32 to index
        %get3A_409 = arith.constant 0 : index
        %get3A_410 = tpu.vector_load %arg6[%get3A_408, %get3A_409] {strides = array<i32>} : memref<400x128xf32, #tpu.memory_space<vmem>>, vector<1x16xf32>,
        %get3A_411 = vector.shape_cast %get3A_410 : vector<1x16xf32> to vector<16xf32>
        %add3A_412 = arith.addf %add3A_405, %get3A_411 : vector<16xf32>
        %add3A_413 = arith.constant 5 : i32
        %add3A_414 = arith.addi %add3A_378, %add3A_413 : i32
        %get3A_415 = arith.index_cast %add3A_414 : i32 to index
        %get3A_416 = arith.constant 0 : index
        %get3A_417 = tpu.vector_load %arg6[%get3A_415, %get3A_416] {strides = array<i32>} : memref<400x128xf32, #tpu.memory_space<vmem>>, vector<1x16xf32>,
        %get3A_418 = vector.shape_cast %get3A_417 : vector<1x16xf32> to vector<16xf32>
        %add3A_419 = arith.addf %add3A_412, %get3A_418 : vector<16xf32>
        %add3A_420 = arith.constant 6 : i32
        %add3A_421 = arith.addi %add3A_378, %add3A_420 : i32
        %get3A_422 = arith.index_cast %add3A_421 : i32 to index
        %get3A_423 = arith.constant 0 : index
        %get3A_424 = tpu.vector_load %arg6[%get3A_422, %get3A_423] {strides = array<i32>} : memref<400x128xf32, #tpu.memory_space<vmem>>, vector<1x16xf32>,
        %get3A_425 = vector.shape_cast %get3A_424 : vector<1x16xf32> to vector<16xf32>
        %add3A_426 = arith.addf %add3A_419, %get3A_425 : vector<16xf32>
        %add3A_427 = arith.constant 7 : i32
        %add3A_428 = arith.addi %add3A_378, %add3A_427 : i32
        %get3A_429 = arith.index_cast %add3A_428 : i32 to index
        %get3A_430 = arith.constant 0 : index
        %get3A_431 = tpu.vector_load %arg6[%get3A_429, %get3A_430] {strides = array<i32>} : memref<400x128xf32, #tpu.memory_space<vmem>>, vector<1x16xf32>,
        %get3A_432 = vector.shape_cast %get3A_431 : vector<1x16xf32> to vector<16xf32>
        %add3A_433 = arith.addf %add3A_426, %get3A_432 : vector<16xf32>
        %add3A_434 = arith.constant 0 : i32
        %add3A_435 = arith.addi %add3A_378, %add3A_434 : i32
        %get3A_436 = arith.index_cast %add3A_435 : i32 to index
        %get3A_437 = arith.constant 16 : index
        %get3A_438 = tpu.vector_load %arg6[%get3A_436, %get3A_437] {strides = array<i32>} : memref<400x128xf32, #tpu.memory_space<vmem>>, vector<1x16xf32>,
        %get3A_439 = vector.shape_cast %get3A_438 : vector<1x16xf32> to vector<16xf32>
        %add3A_440 = arith.addf %scan3A_368, %get3A_439 : vector<16xf32>
        %add3A_441 = arith.constant 1 : i32
        %add3A_442 = arith.addi %add3A_378, %add3A_441 : i32
        %get3A_443 = arith.index_cast %add3A_442 : i32 to index
        %get3A_444 = arith.constant 16 : index
        %get3A_445 = tpu.vector_load %arg6[%get3A_443, %get3A_444] {strides = array<i32>} : memref<400x128xf32, #tpu.memory_space<vmem>>, vector<1x16xf32>,
        %get3A_446 = vector.shape_cast %get3A_445 : vector<1x16xf32> to vector<16xf32>
        %add3A_447 = arith.addf %add3A_440, %get3A_446 : vector<16xf32>
        %add3A_448 = arith.constant 2 : i32
        %add3A_449 = arith.addi %add3A_378, %add3A_448 : i32
        %get3A_450 = arith.index_cast %add3A_449 : i32 to index
        %get3A_451 = arith.constant 16 : index
        %get3A_452 = tpu.vector_load %arg6[%get3A_450, %get3A_451] {strides = array<i32>} : memref<400x128xf32, #tpu.memory_space<vmem>>, vector<1x16xf32>,
        %get3A_453 = vector.shape_cast %get3A_452 : vector<1x16xf32> to vector<16xf32>
        %add3A_454 = arith.addf %add3A_447, %get3A_453 : vector<16xf32>
        %add3A_455 = arith.constant 3 : i32
        %add3A_456 = arith.addi %add3A_378, %add3A_455 : i32
        %get3A_457 = arith.index_cast %add3A_456 : i32 to index
        %get3A_458 = arith.constant 16 : index
        %get3A_459 = tpu.vector_load %arg6[%get3A_457, %get3A_458] {strides = array<i32>} : memref<400x128xf32, #tpu.memory_space<vmem>>, vector<1x16xf32>,
        %get3A_460 = vector.shape_cast %get3A_459 : vector<1x16xf32> to vector<16xf32>
        %add3A_461 = arith.addf %add3A_454, %get3A_460 : vector<16xf32>
        %add3A_462 = arith.constant 4 : i32
        %add3A_463 = arith.addi %add3A_378, %add3A_462 : i32
        %get3A_464 = arith.index_cast %add3A_463 : i32 to index
        %get3A_465 = arith.constant 16 : index
        %get3A_466 = tpu.vector_load %arg6[%get3A_464, %get3A_465] {strides = array<i32>} : memref<400x128xf32, #tpu.memory_space<vmem>>, vector<1x16xf32>,
        %get3A_467 = vector.shape_cast %get3A_466 : vector<1x16xf32> to vector<16xf32>
        %add3A_468 = arith.addf %add3A_461, %get3A_467 : vector<16xf32>
        %add3A_469 = arith.constant 5 : i32
        %add3A_470 = arith.addi %add3A_378, %add3A_469 : i32
        %get3A_471 = arith.index_cast %add3A_470 : i32 to index
        %get3A_472 = arith.constant 16 : index
        %get3A_473 = tpu.vector_load %arg6[%get3A_471, %get3A_472] {strides = array<i32>} : memref<400x128xf32, #tpu.memory_space<vmem>>, vector<1x16xf32>,
        %get3A_474 = vector.shape_cast %get3A_473 : vector<1x16xf32> to vector<16xf32>
        %add3A_475 = arith.addf %add3A_468, %get3A_474 : vector<16xf32>
        %add3A_476 = arith.constant 6 : i32
        %add3A_477 = arith.addi %add3A_378, %add3A_476 : i32
        %get3A_478 = arith.index_cast %add3A_477 : i32 to index
        %get3A_479 = arith.constant 16 : index
        %get3A_480 = tpu.vector_load %arg6[%get3A_478, %get3A_479] {strides = array<i32>} : memref<400x128xf32, #tpu.memory_space<vmem>>, vector<1x16xf32>,
        %get3A_481 = vector.shape_cast %get3A_480 : vector<1x16xf32> to vector<16xf32>
        %add3A_482 = arith.addf %add3A_475, %get3A_481 : vector<16xf32>
        %add3A_483 = arith.constant 7 : i32
        %add3A_484 = arith.addi %add3A_378, %add3A_483 : i32
        %get3A_485 = arith.index_cast %add3A_484 : i32 to index
        %get3A_486 = arith.constant 16 : index
        %get3A_487 = tpu.vector_load %arg6[%get3A_485, %get3A_486] {strides = array<i32>} : memref<400x128xf32, #tpu.memory_space<vmem>>, vector<1x16xf32>,
        %get3A_488 = vector.shape_cast %get3A_487 : vector<1x16xf32> to vector<16xf32>
        %add3A_489 = arith.addf %add3A_482, %get3A_488 : vector<16xf32>
        %add3A_490 = arith.constant 0 : i32
        %add3A_491 = arith.addi %add3A_378, %add3A_490 : i32
        %get3A_492 = arith.index_cast %add3A_491 : i32 to index
        %get3A_493 = arith.constant 32 : index
        %get3A_494 = tpu.vector_load %arg6[%get3A_492, %get3A_493] {strides = array<i32>} : memref<400x128xf32, #tpu.memory_space<vmem>>, vector<1x16xf32>,
        %get3A_495 = vector.shape_cast %get3A_494 : vector<1x16xf32> to vector<16xf32>
        %add3A_496 = arith.addf %scan3A_369, %get3A_495 : vector<16xf32>
        %add3A_497 = arith.constant 1 : i32
        %add3A_498 = arith.addi %add3A_378, %add3A_497 : i32
        %get3A_499 = arith.index_cast %add3A_498 : i32 to index
        %get3A_500 = arith.constant 32 : index
        %get3A_501 = tpu.vector_load %arg6[%get3A_499, %get3A_500] {strides = array<i32>} : memref<400x128xf32, #tpu.memory_space<vmem>>, vector<1x16xf32>,
        %get3A_502 = vector.shape_cast %get3A_501 : vector<1x16xf32> to vector<16xf32>
        %add3A_503 = arith.addf %add3A_496, %get3A_502 : vector<16xf32>
        %add3A_504 = arith.constant 2 : i32
        %add3A_505 = arith.addi %add3A_378, %add3A_504 : i32
        %get3A_506 = arith.index_cast %add3A_505 : i32 to index
        %get3A_507 = arith.constant 32 : index
        %get3A_508 = tpu.vector_load %arg6[%get3A_506, %get3A_507] {strides = array<i32>} : memref<400x128xf32, #tpu.memory_space<vmem>>, vector<1x16xf32>,
        %get3A_509 = vector.shape_cast %get3A_508 : vector<1x16xf32> to vector<16xf32>
        %add3A_510 = arith.addf %add3A_503, %get3A_509 : vector<16xf32>
        %add3A_511 = arith.constant 3 : i32
        %add3A_512 = arith.addi %add3A_378, %add3A_511 : i32
        %get3A_513 = arith.index_cast %add3A_512 : i32 to index
        %get3A_514 = arith.constant 32 : index
        %get3A_515 = tpu.vector_load %arg6[%get3A_513, %get3A_514] {strides = array<i32>} : memref<400x128xf32, #tpu.memory_space<vmem>>, vector<1x16xf32>,
        %get3A_516 = vector.shape_cast %get3A_515 : vector<1x16xf32> to vector<16xf32>
        %add3A_517 = arith.addf %add3A_510, %get3A_516 : vector<16xf32>
        %add3A_518 = arith.constant 4 : i32
        %add3A_519 = arith.addi %add3A_378, %add3A_518 : i32
        %get3A_520 = arith.index_cast %add3A_519 : i32 to index
        %get3A_521 = arith.constant 32 : index
        %get3A_522 = tpu.vector_load %arg6[%get3A_520, %get3A_521] {strides = array<i32>} : memref<400x128xf32, #tpu.memory_space<vmem>>, vector<1x16xf32>,
        %get3A_523 = vector.shape_cast %get3A_522 : vector<1x16xf32> to vector<16xf32>
        %add3A_524 = arith.addf %add3A_517, %get3A_523 : vector<16xf32>
        %add3A_525 = arith.constant 5 : i32
        %add3A_526 = arith.addi %add3A_378, %add3A_525 : i32
        %get3A_527 = arith.index_cast %add3A_526 : i32 to index
        %get3A_528 = arith.constant 32 : index
        %get3A_529 = tpu.vector_load %arg6[%get3A_527, %get3A_528] {strides = array<i32>} : memref<400x128xf32, #tpu.memory_space<vmem>>, vector<1x16xf32>,
        %get3A_530 = vector.shape_cast %get3A_529 : vector<1x16xf32> to vector<16xf32>
        %add3A_531 = arith.addf %add3A_524, %get3A_530 : vector<16xf32>
        %add3A_532 = arith.constant 6 : i32
        %add3A_533 = arith.addi %add3A_378, %add3A_532 : i32
        %get3A_534 = arith.index_cast %add3A_533 : i32 to index
        %get3A_535 = arith.constant 32 : index
        %get3A_536 = tpu.vector_load %arg6[%get3A_534, %get3A_535] {strides = array<i32>} : memref<400x128xf32, #tpu.memory_space<vmem>>, vector<1x16xf32>,
        %get3A_537 = vector.shape_cast %get3A_536 : vector<1x16xf32> to vector<16xf32>
        %add3A_538 = arith.addf %add3A_531, %get3A_537 : vector<16xf32>
        %add3A_539 = arith.constant 7 : i32
        %add3A_540 = arith.addi %add3A_378, %add3A_539 : i32
        %get3A_541 = arith.index_cast %add3A_540 : i32 to index
        %get3A_542 = arith.constant 32 : index
        %get3A_543 = tpu.vector_load %arg6[%get3A_541, %get3A_542] {strides = array<i32>} : memref<400x128xf32, #tpu.memory_space<vmem>>, vector<1x16xf32>,
        %get3A_544 = vector.shape_cast %get3A_543 : vector<1x16xf32> to vector<16xf32>
        %add3A_545 = arith.addf %add3A_538, %get3A_544 : vector<16xf32>
        %add3A_546 = arith.constant 0 : i32
        %add3A_547 = arith.addi %add3A_378, %add3A_546 : i32
        %get3A_548 = arith.index_cast %add3A_547 : i32 to index
        %get3A_549 = arith.constant 48 : index
        %get3A_550 = tpu.vector_load %arg6[%get3A_548, %get3A_549] {strides = array<i32>} : memref<400x128xf32, #tpu.memory_space<vmem>>, vector<1x16xf32>,
        %get3A_551 = vector.shape_cast %get3A_550 : vector<1x16xf32> to vector<16xf32>
        %add3A_552 = arith.addf %scan3A_370, %get3A_551 : vector<16xf32>
        %add3A_553 = arith.constant 1 : i32
        %add3A_554 = arith.addi %add3A_378, %add3A_553 : i32
        %get3A_555 = arith.index_cast %add3A_554 : i32 to index
        %get3A_556 = arith.constant 48 : index
        %get3A_557 = tpu.vector_load %arg6[%get3A_555, %get3A_556] {strides = array<i32>} : memref<400x128xf32, #tpu.memory_space<vmem>>, vector<1x16xf32>,
        %get3A_558 = vector.shape_cast %get3A_557 : vector<1x16xf32> to vector<16xf32>
        %add3A_559 = arith.addf %add3A_552, %get3A_558 : vector<16xf32>
        %add3A_560 = arith.constant 2 : i32
        %add3A_561 = arith.addi %add3A_378, %add3A_560 : i32
        %get3A_562 = arith.index_cast %add3A_561 : i32 to index
        %get3A_563 = arith.constant 48 : index
        %get3A_564 = tpu.vector_load %arg6[%get3A_562, %get3A_563] {strides = array<i32>} : memref<400x128xf32, #tpu.memory_space<vmem>>, vector<1x16xf32>,
        %get3A_565 = vector.shape_cast %get3A_564 : vector<1x16xf32> to vector<16xf32>
        %add3A_566 = arith.addf %add3A_559, %get3A_565 : vector<16xf32>
        %add3A_567 = arith.constant 3 : i32
        %add3A_568 = arith.addi %add3A_378, %add3A_567 : i32
        %get3A_569 = arith.index_cast %add3A_568 : i32 to index
        %get3A_570 = arith.constant 48 : index
        %get3A_571 = tpu.vector_load %arg6[%get3A_569, %get3A_570] {strides = array<i32>} : memref<400x128xf32, #tpu.memory_space<vmem>>, vector<1x16xf32>,
        %get3A_572 = vector.shape_cast %get3A_571 : vector<1x16xf32> to vector<16xf32>
        %add3A_573 = arith.addf %add3A_566, %get3A_572 : vector<16xf32>
        %add3A_574 = arith.constant 4 : i32
        %add3A_575 = arith.addi %add3A_378, %add3A_574 : i32
        %get3A_576 = arith.index_cast %add3A_575 : i32 to index
        %get3A_577 = arith.constant 48 : index
        %get3A_578 = tpu.vector_load %arg6[%get3A_576, %get3A_577] {strides = array<i32>} : memref<400x128xf32, #tpu.memory_space<vmem>>, vector<1x16xf32>,
        %get3A_579 = vector.shape_cast %get3A_578 : vector<1x16xf32> to vector<16xf32>
        %add3A_580 = arith.addf %add3A_573, %get3A_579 : vector<16xf32>
        %add3A_581 = arith.constant 5 : i32
        %add3A_582 = arith.addi %add3A_378, %add3A_581 : i32
        %get3A_583 = arith.index_cast %add3A_582 : i32 to index
        %get3A_584 = arith.constant 48 : index
        %get3A_585 = tpu.vector_load %arg6[%get3A_583, %get3A_584] {strides = array<i32>} : memref<400x128xf32, #tpu.memory_space<vmem>>, vector<1x16xf32>,
        %get3A_586 = vector.shape_cast %get3A_585 : vector<1x16xf32> to vector<16xf32>
        %add3A_587 = arith.addf %add3A_580, %get3A_586 : vector<16xf32>
        %add3A_588 = arith.constant 6 : i32
        %add3A_589 = arith.addi %add3A_378, %add3A_588 : i32
        %get3A_590 = arith.index_cast %add3A_589 : i32 to index
        %get3A_591 = arith.constant 48 : index
        %get3A_592 = tpu.vector_load %arg6[%get3A_590, %get3A_591] {strides = array<i32>} : memref<400x128xf32, #tpu.memory_space<vmem>>, vector<1x16xf32>,
        %get3A_593 = vector.shape_cast %get3A_592 : vector<1x16xf32> to vector<16xf32>
        %add3A_594 = arith.addf %add3A_587, %get3A_593 : vector<16xf32>
        %add3A_595 = arith.constant 7 : i32
        %add3A_596 = arith.addi %add3A_378, %add3A_595 : i32
        %get3A_597 = arith.index_cast %add3A_596 : i32 to index
        %get3A_598 = arith.constant 48 : index
        %get3A_599 = tpu.vector_load %arg6[%get3A_597, %get3A_598] {strides = array<i32>} : memref<400x128xf32, #tpu.memory_space<vmem>>, vector<1x16xf32>,
        %get3A_600 = vector.shape_cast %get3A_599 : vector<1x16xf32> to vector<16xf32>
        %add3A_601 = arith.addf %add3A_594, %get3A_600 : vector<16xf32>
        %add3A_602 = arith.constant 0 : i32
        %add3A_603 = arith.addi %add3A_378, %add3A_602 : i32
        %get3A_604 = arith.index_cast %add3A_603 : i32 to index
        %get3A_605 = arith.constant 64 : index
        %get3A_606 = tpu.vector_load %arg6[%get3A_604, %get3A_605] {strides = array<i32>} : memref<400x128xf32, #tpu.memory_space<vmem>>, vector<1x16xf32>,
        %get3A_607 = vector.shape_cast %get3A_606 : vector<1x16xf32> to vector<16xf32>
        %add3A_608 = arith.addf %scan3A_371, %get3A_607 : vector<16xf32>
        %add3A_609 = arith.constant 1 : i32
        %add3A_610 = arith.addi %add3A_378, %add3A_609 : i32
        %get3A_611 = arith.index_cast %add3A_610 : i32 to index
        %get3A_612 = arith.constant 64 : index
        %get3A_613 = tpu.vector_load %arg6[%get3A_611, %get3A_612] {strides = array<i32>} : memref<400x128xf32, #tpu.memory_space<vmem>>, vector<1x16xf32>,
        %get3A_614 = vector.shape_cast %get3A_613 : vector<1x16xf32> to vector<16xf32>
        %add3A_615 = arith.addf %add3A_608, %get3A_614 : vector<16xf32>
        %add3A_616 = arith.constant 2 : i32
        %add3A_617 = arith.addi %add3A_378, %add3A_616 : i32
        %get3A_618 = arith.index_cast %add3A_617 : i32 to index
        %get3A_619 = arith.constant 64 : index
        %get3A_620 = tpu.vector_load %arg6[%get3A_618, %get3A_619] {strides = array<i32>} : memref<400x128xf32, #tpu.memory_space<vmem>>, vector<1x16xf32>,
        %get3A_621 = vector.shape_cast %get3A_620 : vector<1x16xf32> to vector<16xf32>
        %add3A_622 = arith.addf %add3A_615, %get3A_621 : vector<16xf32>
        %add3A_623 = arith.constant 3 : i32
        %add3A_624 = arith.addi %add3A_378, %add3A_623 : i32
        %get3A_625 = arith.index_cast %add3A_624 : i32 to index
        %get3A_626 = arith.constant 64 : index
        %get3A_627 = tpu.vector_load %arg6[%get3A_625, %get3A_626] {strides = array<i32>} : memref<400x128xf32, #tpu.memory_space<vmem>>, vector<1x16xf32>,
        %get3A_628 = vector.shape_cast %get3A_627 : vector<1x16xf32> to vector<16xf32>
        %add3A_629 = arith.addf %add3A_622, %get3A_628 : vector<16xf32>
        %add3A_630 = arith.constant 4 : i32
        %add3A_631 = arith.addi %add3A_378, %add3A_630 : i32
        %get3A_632 = arith.index_cast %add3A_631 : i32 to index
        %get3A_633 = arith.constant 64 : index
        %get3A_634 = tpu.vector_load %arg6[%get3A_632, %get3A_633] {strides = array<i32>} : memref<400x128xf32, #tpu.memory_space<vmem>>, vector<1x16xf32>,
        %get3A_635 = vector.shape_cast %get3A_634 : vector<1x16xf32> to vector<16xf32>
        %add3A_636 = arith.addf %add3A_629, %get3A_635 : vector<16xf32>
        %add3A_637 = arith.constant 5 : i32
        %add3A_638 = arith.addi %add3A_378, %add3A_637 : i32
        %get3A_639 = arith.index_cast %add3A_638 : i32 to index
        %get3A_640 = arith.constant 64 : index
        %get3A_641 = tpu.vector_load %arg6[%get3A_639, %get3A_640] {strides = array<i32>} : memref<400x128xf32, #tpu.memory_space<vmem>>, vector<1x16xf32>,
        %get3A_642 = vector.shape_cast %get3A_641 : vector<1x16xf32> to vector<16xf32>
        %add3A_643 = arith.addf %add3A_636, %get3A_642 : vector<16xf32>
        %add3A_644 = arith.constant 6 : i32
        %add3A_645 = arith.addi %add3A_378, %add3A_644 : i32
        %get3A_646 = arith.index_cast %add3A_645 : i32 to index
        %get3A_647 = arith.constant 64 : index
        %get3A_648 = tpu.vector_load %arg6[%get3A_646, %get3A_647] {strides = array<i32>} : memref<400x128xf32, #tpu.memory_space<vmem>>, vector<1x16xf32>,
        %get3A_649 = vector.shape_cast %get3A_648 : vector<1x16xf32> to vector<16xf32>
        %add3A_650 = arith.addf %add3A_643, %get3A_649 : vector<16xf32>
        %add3A_651 = arith.constant 7 : i32
        %add3A_652 = arith.addi %add3A_378, %add3A_651 : i32
        %get3A_653 = arith.index_cast %add3A_652 : i32 to index
        %get3A_654 = arith.constant 64 : index
        %get3A_655 = tpu.vector_load %arg6[%get3A_653, %get3A_654] {strides = array<i32>} : memref<400x128xf32, #tpu.memory_space<vmem>>, vector<1x16xf32>,
        %get3A_656 = vector.shape_cast %get3A_655 : vector<1x16xf32> to vector<16xf32>
        %add3A_657 = arith.addf %add3A_650, %get3A_656 : vector<16xf32>
        %add3A_658 = arith.constant 0 : i32
        %add3A_659 = arith.addi %add3A_378, %add3A_658 : i32
        %get3A_660 = arith.index_cast %add3A_659 : i32 to index
        %get3A_661 = arith.constant 80 : index
        %get3A_662 = tpu.vector_load %arg6[%get3A_660, %get3A_661] {strides = array<i32>} : memref<400x128xf32, #tpu.memory_space<vmem>>, vector<1x16xf32>,
        %get3A_663 = vector.shape_cast %get3A_662 : vector<1x16xf32> to vector<16xf32>
        %add3A_664 = arith.addf %scan3A_372, %get3A_663 : vector<16xf32>
        %add3A_665 = arith.constant 1 : i32
        %add3A_666 = arith.addi %add3A_378, %add3A_665 : i32
        %get3A_667 = arith.index_cast %add3A_666 : i32 to index
        %get3A_668 = arith.constant 80 : index
        %get3A_669 = tpu.vector_load %arg6[%get3A_667, %get3A_668] {strides = array<i32>} : memref<400x128xf32, #tpu.memory_space<vmem>>, vector<1x16xf32>,
        %get3A_670 = vector.shape_cast %get3A_669 : vector<1x16xf32> to vector<16xf32>
        %add3A_671 = arith.addf %add3A_664, %get3A_670 : vector<16xf32>
        %add3A_672 = arith.constant 2 : i32
        %add3A_673 = arith.addi %add3A_378, %add3A_672 : i32
        %get3A_674 = arith.index_cast %add3A_673 : i32 to index
        %get3A_675 = arith.constant 80 : index
        %get3A_676 = tpu.vector_load %arg6[%get3A_674, %get3A_675] {strides = array<i32>} : memref<400x128xf32, #tpu.memory_space<vmem>>, vector<1x16xf32>,
        %get3A_677 = vector.shape_cast %get3A_676 : vector<1x16xf32> to vector<16xf32>
        %add3A_678 = arith.addf %add3A_671, %get3A_677 : vector<16xf32>
        %add3A_679 = arith.constant 3 : i32
        %add3A_680 = arith.addi %add3A_378, %add3A_679 : i32
        %get3A_681 = arith.index_cast %add3A_680 : i32 to index
        %get3A_682 = arith.constant 80 : index
        %get3A_683 = tpu.vector_load %arg6[%get3A_681, %get3A_682] {strides = array<i32>} : memref<400x128xf32, #tpu.memory_space<vmem>>, vector<1x16xf32>,
        %get3A_684 = vector.shape_cast %get3A_683 : vector<1x16xf32> to vector<16xf32>
        %add3A_685 = arith.addf %add3A_678, %get3A_684 : vector<16xf32>
        %add3A_686 = arith.constant 4 : i32
        %add3A_687 = arith.addi %add3A_378, %add3A_686 : i32
        %get3A_688 = arith.index_cast %add3A_687 : i32 to index
        %get3A_689 = arith.constant 80 : index
        %get3A_690 = tpu.vector_load %arg6[%get3A_688, %get3A_689] {strides = array<i32>} : memref<400x128xf32, #tpu.memory_space<vmem>>, vector<1x16xf32>,
        %get3A_691 = vector.shape_cast %get3A_690 : vector<1x16xf32> to vector<16xf32>
        %add3A_692 = arith.addf %add3A_685, %get3A_691 : vector<16xf32>
        %add3A_693 = arith.constant 5 : i32
        %add3A_694 = arith.addi %add3A_378, %add3A_693 : i32
        %get3A_695 = arith.index_cast %add3A_694 : i32 to index
        %get3A_696 = arith.constant 80 : index
        %get3A_697 = tpu.vector_load %arg6[%get3A_695, %get3A_696] {strides = array<i32>} : memref<400x128xf32, #tpu.memory_space<vmem>>, vector<1x16xf32>,
        %get3A_698 = vector.shape_cast %get3A_697 : vector<1x16xf32> to vector<16xf32>
        %add3A_699 = arith.addf %add3A_692, %get3A_698 : vector<16xf32>
        %add3A_700 = arith.constant 6 : i32
        %add3A_701 = arith.addi %add3A_378, %add3A_700 : i32
        %get3A_702 = arith.index_cast %add3A_701 : i32 to index
        %get3A_703 = arith.constant 80 : index
        %get3A_704 = tpu.vector_load %arg6[%get3A_702, %get3A_703] {strides = array<i32>} : memref<400x128xf32, #tpu.memory_space<vmem>>, vector<1x16xf32>,
        %get3A_705 = vector.shape_cast %get3A_704 : vector<1x16xf32> to vector<16xf32>
        %add3A_706 = arith.addf %add3A_699, %get3A_705 : vector<16xf32>
        %add3A_707 = arith.constant 7 : i32
        %add3A_708 = arith.addi %add3A_378, %add3A_707 : i32
        %get3A_709 = arith.index_cast %add3A_708 : i32 to index
        %get3A_710 = arith.constant 80 : index
        %get3A_711 = tpu.vector_load %arg6[%get3A_709, %get3A_710] {strides = array<i32>} : memref<400x128xf32, #tpu.memory_space<vmem>>, vector<1x16xf32>,
        %get3A_712 = vector.shape_cast %get3A_711 : vector<1x16xf32> to vector<16xf32>
        %add3A_713 = arith.addf %add3A_706, %get3A_712 : vector<16xf32>
        %add3A_714 = arith.constant 0 : i32
        %add3A_715 = arith.addi %add3A_378, %add3A_714 : i32
        %get3A_716 = arith.index_cast %add3A_715 : i32 to index
        %get3A_717 = arith.constant 96 : index
        %get3A_718 = tpu.vector_load %arg6[%get3A_716, %get3A_717] {strides = array<i32>} : memref<400x128xf32, #tpu.memory_space<vmem>>, vector<1x16xf32>,
        %get3A_719 = vector.shape_cast %get3A_718 : vector<1x16xf32> to vector<16xf32>
        %add3A_720 = arith.addf %scan3A_373, %get3A_719 : vector<16xf32>
        %add3A_721 = arith.constant 1 : i32
        %add3A_722 = arith.addi %add3A_378, %add3A_721 : i32
        %get3A_723 = arith.index_cast %add3A_722 : i32 to index
        %get3A_724 = arith.constant 96 : index
        %get3A_725 = tpu.vector_load %arg6[%get3A_723, %get3A_724] {strides = array<i32>} : memref<400x128xf32, #tpu.memory_space<vmem>>, vector<1x16xf32>,
        %get3A_726 = vector.shape_cast %get3A_725 : vector<1x16xf32> to vector<16xf32>
        %add3A_727 = arith.addf %add3A_720, %get3A_726 : vector<16xf32>
        %add3A_728 = arith.constant 2 : i32
        %add3A_729 = arith.addi %add3A_378, %add3A_728 : i32
        %get3A_730 = arith.index_cast %add3A_729 : i32 to index
        %get3A_731 = arith.constant 96 : index
        %get3A_732 = tpu.vector_load %arg6[%get3A_730, %get3A_731] {strides = array<i32>} : memref<400x128xf32, #tpu.memory_space<vmem>>, vector<1x16xf32>,
        %get3A_733 = vector.shape_cast %get3A_732 : vector<1x16xf32> to vector<16xf32>
        %add3A_734 = arith.addf %add3A_727, %get3A_733 : vector<16xf32>
        %add3A_735 = arith.constant 3 : i32
        %add3A_736 = arith.addi %add3A_378, %add3A_735 : i32
        %get3A_737 = arith.index_cast %add3A_736 : i32 to index
        %get3A_738 = arith.constant 96 : index
        %get3A_739 = tpu.vector_load %arg6[%get3A_737, %get3A_738] {strides = array<i32>} : memref<400x128xf32, #tpu.memory_space<vmem>>, vector<1x16xf32>,
        %get3A_740 = vector.shape_cast %get3A_739 : vector<1x16xf32> to vector<16xf32>
        %add3A_741 = arith.addf %add3A_734, %get3A_740 : vector<16xf32>
        %add3A_742 = arith.constant 4 : i32
        %add3A_743 = arith.addi %add3A_378, %add3A_742 : i32
        %get3A_744 = arith.index_cast %add3A_743 : i32 to index
        %get3A_745 = arith.constant 96 : index
        %get3A_746 = tpu.vector_load %arg6[%get3A_744, %get3A_745] {strides = array<i32>} : memref<400x128xf32, #tpu.memory_space<vmem>>, vector<1x16xf32>,
        %get3A_747 = vector.shape_cast %get3A_746 : vector<1x16xf32> to vector<16xf32>
        %add3A_748 = arith.addf %add3A_741, %get3A_747 : vector<16xf32>
        %add3A_749 = arith.constant 5 : i32
        %add3A_750 = arith.addi %add3A_378, %add3A_749 : i32
        %get3A_751 = arith.index_cast %add3A_750 : i32 to index
        %get3A_752 = arith.constant 96 : index
        %get3A_753 = tpu.vector_load %arg6[%get3A_751, %get3A_752] {strides = array<i32>} : memref<400x128xf32, #tpu.memory_space<vmem>>, vector<1x16xf32>,
        %get3A_754 = vector.shape_cast %get3A_753 : vector<1x16xf32> to vector<16xf32>
        %add3A_755 = arith.addf %add3A_748, %get3A_754 : vector<16xf32>
        %add3A_756 = arith.constant 6 : i32
        %add3A_757 = arith.addi %add3A_378, %add3A_756 : i32
        %get3A_758 = arith.index_cast %add3A_757 : i32 to index
        %get3A_759 = arith.constant 96 : index
        %get3A_760 = tpu.vector_load %arg6[%get3A_758, %get3A_759] {strides = array<i32>} : memref<400x128xf32, #tpu.memory_space<vmem>>, vector<1x16xf32>,
        %get3A_761 = vector.shape_cast %get3A_760 : vector<1x16xf32> to vector<16xf32>
        %add3A_762 = arith.addf %add3A_755, %get3A_761 : vector<16xf32>
        %add3A_763 = arith.constant 7 : i32
        %add3A_764 = arith.addi %add3A_378, %add3A_763 : i32
        %get3A_765 = arith.index_cast %add3A_764 : i32 to index
        %get3A_766 = arith.constant 96 : index
        %get3A_767 = tpu.vector_load %arg6[%get3A_765, %get3A_766] {strides = array<i32>} : memref<400x128xf32, #tpu.memory_space<vmem>>, vector<1x16xf32>,
        %get3A_768 = vector.shape_cast %get3A_767 : vector<1x16xf32> to vector<16xf32>
        %add3A_769 = arith.addf %add3A_762, %get3A_768 : vector<16xf32>
        %add3A_770 = arith.constant 0 : i32
        %add3A_771 = arith.addi %add3A_378, %add3A_770 : i32
        %get3A_772 = arith.index_cast %add3A_771 : i32 to index
        %get3A_773 = arith.constant 112 : index
        %get3A_774 = tpu.vector_load %arg6[%get3A_772, %get3A_773] {strides = array<i32>} : memref<400x128xf32, #tpu.memory_space<vmem>>, vector<1x16xf32>,
        %get3A_775 = vector.shape_cast %get3A_774 : vector<1x16xf32> to vector<16xf32>
        %add3A_776 = arith.addf %scan3A_374, %get3A_775 : vector<16xf32>
        %add3A_777 = arith.constant 1 : i32
        %add3A_778 = arith.addi %add3A_378, %add3A_777 : i32
        %get3A_779 = arith.index_cast %add3A_778 : i32 to index
        %get3A_780 = arith.constant 112 : index
        %get3A_781 = tpu.vector_load %arg6[%get3A_779, %get3A_780] {strides = array<i32>} : memref<400x128xf32, #tpu.memory_space<vmem>>, vector<1x16xf32>,
        %get3A_782 = vector.shape_cast %get3A_781 : vector<1x16xf32> to vector<16xf32>
        %add3A_783 = arith.addf %add3A_776, %get3A_782 : vector<16xf32>
        %add3A_784 = arith.constant 2 : i32
        %add3A_785 = arith.addi %add3A_378, %add3A_784 : i32
        %get3A_786 = arith.index_cast %add3A_785 : i32 to index
        %get3A_787 = arith.constant 112 : index
        %get3A_788 = tpu.vector_load %arg6[%get3A_786, %get3A_787] {strides = array<i32>} : memref<400x128xf32, #tpu.memory_space<vmem>>, vector<1x16xf32>,
        %get3A_789 = vector.shape_cast %get3A_788 : vector<1x16xf32> to vector<16xf32>
        %add3A_790 = arith.addf %add3A_783, %get3A_789 : vector<16xf32>
        %add3A_791 = arith.constant 3 : i32
        %add3A_792 = arith.addi %add3A_378, %add3A_791 : i32
        %get3A_793 = arith.index_cast %add3A_792 : i32 to index
        %get3A_794 = arith.constant 112 : index
        %get3A_795 = tpu.vector_load %arg6[%get3A_793, %get3A_794] {strides = array<i32>} : memref<400x128xf32, #tpu.memory_space<vmem>>, vector<1x16xf32>,
        %get3A_796 = vector.shape_cast %get3A_795 : vector<1x16xf32> to vector<16xf32>
        %add3A_797 = arith.addf %add3A_790, %get3A_796 : vector<16xf32>
        %add3A_798 = arith.constant 4 : i32
        %add3A_799 = arith.addi %add3A_378, %add3A_798 : i32
        %get3A_800 = arith.index_cast %add3A_799 : i32 to index
        %get3A_801 = arith.constant 112 : index
        %get3A_802 = tpu.vector_load %arg6[%get3A_800, %get3A_801] {strides = array<i32>} : memref<400x128xf32, #tpu.memory_space<vmem>>, vector<1x16xf32>,
        %get3A_803 = vector.shape_cast %get3A_802 : vector<1x16xf32> to vector<16xf32>
        %add3A_804 = arith.addf %add3A_797, %get3A_803 : vector<16xf32>
        %add3A_805 = arith.constant 5 : i32
        %add3A_806 = arith.addi %add3A_378, %add3A_805 : i32
        %get3A_807 = arith.index_cast %add3A_806 : i32 to index
        %get3A_808 = arith.constant 112 : index
        %get3A_809 = tpu.vector_load %arg6[%get3A_807, %get3A_808] {strides = array<i32>} : memref<400x128xf32, #tpu.memory_space<vmem>>, vector<1x16xf32>,
        %get3A_810 = vector.shape_cast %get3A_809 : vector<1x16xf32> to vector<16xf32>
        %add3A_811 = arith.addf %add3A_804, %get3A_810 : vector<16xf32>
        %add3A_812 = arith.constant 6 : i32
        %add3A_813 = arith.addi %add3A_378, %add3A_812 : i32
        %get3A_814 = arith.index_cast %add3A_813 : i32 to index
        %get3A_815 = arith.constant 112 : index
        %get3A_816 = tpu.vector_load %arg6[%get3A_814, %get3A_815] {strides = array<i32>} : memref<400x128xf32, #tpu.memory_space<vmem>>, vector<1x16xf32>,
        %get3A_817 = vector.shape_cast %get3A_816 : vector<1x16xf32> to vector<16xf32>
        %add3A_818 = arith.addf %add3A_811, %get3A_817 : vector<16xf32>
        %add3A_819 = arith.constant 7 : i32
        %add3A_820 = arith.addi %add3A_378, %add3A_819 : i32
        %get3A_821 = arith.index_cast %add3A_820 : i32 to index
        %get3A_822 = arith.constant 112 : index
        %get3A_823 = tpu.vector_load %arg6[%get3A_821, %get3A_822] {strides = array<i32>} : memref<400x128xf32, #tpu.memory_space<vmem>>, vector<1x16xf32>,
        %get3A_824 = vector.shape_cast %get3A_823 : vector<1x16xf32> to vector<16xf32>
        %add3A_825 = arith.addf %add3A_818, %get3A_824 : vector<16xf32>
        scf.yield %add3A_433, %add3A_489, %add3A_545, %add3A_601, %add3A_657, %add3A_713, %add3A_769, %add3A_825 : vector<16xf32>, vector<16xf32>, vector<16xf32>, vector<16xf32>, vector<16xf32>, vector<16xf32>, vector<16xf32>, vector<16xf32>
      }
      %scan3A_132 = arith.constant 25 : i32
      %swap3A_133 = arith.constant 1 : i32
      %swap3A_134 = arith.index_cast %swap3A_133 : i32 to index
      %swap3A_135 = arith.constant 0 : index
      %swap3A_136 = tpu.vector_load %arg8[%swap3A_134, %swap3A_135] {strides = array<i32>} : memref<2x128xf32, #tpu.memory_space<vmem>>, vector<1x16xf32>,
      %swap3A_137 = vector.shape_cast %swap3A_136 : vector<1x16xf32> to vector<16xf32>
      %swap3A_138 = vector.shape_cast %scan3A_131#0 : vector<16xf32> to vector<1x16xf32>
      tpu.vector_store %arg8[%swap3A_134, %swap3A_135], %swap3A_138 {strides = array<i32>} : memref<2x128xf32, #tpu.memory_space<vmem>>, vector<1x16xf32>,
      %swap3A_139 = arith.constant 1 : i32
      %swap3A_140 = arith.index_cast %swap3A_139 : i32 to index
      %swap3A_141 = arith.constant 16 : index
      %swap3A_142 = tpu.vector_load %arg8[%swap3A_140, %swap3A_141] {strides = array<i32>} : memref<2x128xf32, #tpu.memory_space<vmem>>, vector<1x16xf32>,
      %swap3A_143 = vector.shape_cast %swap3A_142 : vector<1x16xf32> to vector<16xf32>
      %swap3A_144 = vector.shape_cast %scan3A_131#1 : vector<16xf32> to vector<1x16xf32>
      tpu.vector_store %arg8[%swap3A_140, %swap3A_141], %swap3A_144 {strides = array<i32>} : memref<2x128xf32, #tpu.memory_space<vmem>>, vector<1x16xf32>,
      %swap3A_145 = arith.constant 1 : i32
      %swap3A_146 = arith.index_cast %swap3A_145 : i32 to index
      %swap3A_147 = arith.constant 32 : index
      %swap3A_148 = tpu.vector_load %arg8[%swap3A_146, %swap3A_147] {strides = array<i32>} : memref<2x128xf32, #tpu.memory_space<vmem>>, vector<1x16xf32>,
      %swap3A_149 = vector.shape_cast %swap3A_148 : vector<1x16xf32> to vector<16xf32>
      %swap3A_150 = vector.shape_cast %scan3A_131#2 : vector<16xf32> to vector<1x16xf32>
      tpu.vector_store %arg8[%swap3A_146, %swap3A_147], %swap3A_150 {strides = array<i32>} : memref<2x128xf32, #tpu.memory_space<vmem>>, vector<1x16xf32>,
      %swap3A_151 = arith.constant 1 : i32
      %swap3A_152 = arith.index_cast %swap3A_151 : i32 to index
      %swap3A_153 = arith.constant 48 : index
      %swap3A_154 = tpu.vector_load %arg8[%swap3A_152, %swap3A_153] {strides = array<i32>} : memref<2x128xf32, #tpu.memory_space<vmem>>, vector<1x16xf32>,
      %swap3A_155 = vector.shape_cast %swap3A_154 : vector<1x16xf32> to vector<16xf32>
      %swap3A_156 = vector.shape_cast %scan3A_131#3 : vector<16xf32> to vector<1x16xf32>
      tpu.vector_store %arg8[%swap3A_152, %swap3A_153], %swap3A_156 {strides = array<i32>} : memref<2x128xf32, #tpu.memory_space<vmem>>, vector<1x16xf32>,
      %swap3A_157 = arith.constant 1 : i32
      %swap3A_158 = arith.index_cast %swap3A_157 : i32 to index
      %swap3A_159 = arith.constant 64 : index
      %swap3A_160 = tpu.vector_load %arg8[%swap3A_158, %swap3A_159] {strides = array<i32>} : memref<2x128xf32, #tpu.memory_space<vmem>>, vector<1x16xf32>,
      %swap3A_161 = vector.shape_cast %swap3A_160 : vector<1x16xf32> to vector<16xf32>
      %swap3A_162 = vector.shape_cast %scan3A_131#4 : vector<16xf32> to vector<1x16xf32>
      tpu.vector_store %arg8[%swap3A_158, %swap3A_159], %swap3A_162 {strides = array<i32>} : memref<2x128xf32, #tpu.memory_space<vmem>>, vector<1x16xf32>,
      %swap3A_163 = arith.constant 1 : i32
      %swap3A_164 = arith.index_cast %swap3A_163 : i32 to index
      %swap3A_165 = arith.constant 80 : index
      %swap3A_166 = tpu.vector_load %arg8[%swap3A_164, %swap3A_165] {strides = array<i32>} : memref<2x128xf32, #tpu.memory_space<vmem>>, vector<1x16xf32>,
      %swap3A_167 = vector.shape_cast %swap3A_166 : vector<1x16xf32> to vector<16xf32>
      %swap3A_168 = vector.shape_cast %scan3A_131#5 : vector<16xf32> to vector<1x16xf32>
      tpu.vector_store %arg8[%swap3A_164, %swap3A_165], %swap3A_168 {strides = array<i32>} : memref<2x128xf32, #tpu.memory_space<vmem>>, vector<1x16xf32>,
      %swap3A_169 = arith.constant 1 : i32
      %swap3A_170 = arith.index_cast %swap3A_169 : i32 to index
      %swap3A_171 = arith.constant 96 : index
      %swap3A_172 = tpu.vector_load %arg8[%swap3A_170, %swap3A_171] {strides = array<i32>} : memref<2x128xf32, #tpu.memory_space<vmem>>, vector<1x16xf32>,
      %swap3A_173 = vector.shape_cast %swap3A_172 : vector<1x16xf32> to vector<16xf32>
      %swap3A_174 = vector.shape_cast %scan3A_131#6 : vector<16xf32> to vector<1x16xf32>
      tpu.vector_store %arg8[%swap3A_170, %swap3A_171], %swap3A_174 {strides = array<i32>} : memref<2x128xf32, #tpu.memory_space<vmem>>, vector<1x16xf32>,
      %swap3A_175 = arith.constant 1 : i32
      %swap3A_176 = arith.index_cast %swap3A_175 : i32 to index
      %swap3A_177 = arith.constant 112 : index
      %swap3A_178 = tpu.vector_load %arg8[%swap3A_176, %swap3A_177] {strides = array<i32>} : memref<2x128xf32, #tpu.memory_space<vmem>>, vector<1x16xf32>,
      %swap3A_179 = vector.shape_cast %swap3A_178 : vector<1x16xf32> to vector<16xf32>
      %swap3A_180 = vector.shape_cast %scan3A_131#7 : vector<16xf32> to vector<1x16xf32>
      tpu.vector_store %arg8[%swap3A_176, %swap3A_177], %swap3A_180 {strides = array<i32>} : memref<2x128xf32, #tpu.memory_space<vmem>>, vector<1x16xf32>,
      %ge3A = arith.constant 2 : i32
      %ge3A_181 = arith.cmpi sge, %add3A_36, %ge3A : i32
      %convert_element_type3A = arith.extui %ge3A_181 : i1 to i32
      %cond3A = arith.constant 0 : i32
      %cond3A_182 = arith.cmpi ne, %convert_element_type3A, %cond3A : i32
      scf.if %cond3A_182 {
        %sub3A = arith.constant 2 : i32
        %sub3A_366 = arith.subi %add3A_36, %sub3A : i32
        %mul3A_367 = arith.constant 2 : i32
        %mul3A_368 = arith.muli %sub3A_366, %mul3A_367 : i32
        %add3A_369 = arith.addi %mul3A_4, %mul3A_368 : i32
        %dma_wait3A_370 = arith.constant 0 : i32
        %dma_wait3A_371 = tpu.memref_slice %arg4[%add3A_369, %dma_wait3A_370] : memref<4096x128xf32, #tpu.memory_space<hbm>> -> memref<2x128xf32, #tpu.memory_space<hbm>>
        %dma_wait3A_372 = arith.constant 0 : i32
        %dma_wait3A_373 = tpu.memref_slice %arg4[%add3A_369, %dma_wait3A_372] : memref<4096x128xf32, #tpu.memory_space<hbm>> -> memref<2x128xf32, #tpu.memory_space<hbm>>
        tpu.wait_dma2 semaphore(%arg12 : memref<!tpu.dma_semaphore, #tpu.memory_space<semaphore_mem>>) src(%arg8 : memref<2x128xf32, #tpu.memory_space<vmem>>) dst(%dma_wait3A_373 : memref<2x128xf32, #tpu.memory_space<hbm>>)
      } else {
      }
      %mul3A_183 = arith.constant 2 : i32
      %mul3A_184 = arith.muli %add3A_36, %mul3A_183 : i32
      %add3A_185 = arith.addi %mul3A_4, %mul3A_184 : i32
      %dma_start3A_186 = arith.constant 0 : i32
      %dma_start3A_187 = tpu.memref_slice %arg4[%add3A_185, %dma_start3A_186] : memref<4096x128xf32, #tpu.memory_space<hbm>> -> memref<2x128xf32, #tpu.memory_space<hbm>>
      %dma_start3A_188 = arith.constant 0 : i32
      %dma_start3A_189 = tpu.memref_slice %arg4[%add3A_185, %dma_start3A_188] : memref<4096x128xf32, #tpu.memory_space<hbm>> -> memref<2x128xf32, #tpu.memory_space<hbm>>
      tpu.enqueue_dma source(%arg8 : memref<2x128xf32, #tpu.memory_space<vmem>>) target(%dma_start3A_189 : memref<2x128xf32, #tpu.memory_space<hbm>>) target_semaphore(%arg12 : memref<!tpu.dma_semaphore, #tpu.memory_space<semaphore_mem>>)
      %add3A_190 = arith.constant 2 : i32
      %add3A_191 = arith.addi %add3A_36, %add3A_190 : i32
      %lt3A = arith.constant 64 : i32
      %lt3A_192 = arith.cmpi slt, %add3A_191, %lt3A : i32
      %convert_element_type3A_193 = arith.extui %lt3A_192 : i1 to i32
      %cond3A_194 = arith.constant 0 : i32
      %cond3A_195 = arith.cmpi ne, %convert_element_type3A_193, %cond3A_194 : i32
      scf.if %cond3A_195 {
        %add3A_366 = arith.constant 2 : i32
        %add3A_367 = arith.addi %add3A_36, %add3A_366 : i32
        %mul3A_368 = arith.constant 400 : i32
        %mul3A_369 = arith.muli %add3A_367, %mul3A_368 : i32
        %dma_start3A_370 = tpu.memref_slice %arg5[%mul3A_369] : memref<25600xi32, #tpu.memory_space<vmem>> -> memref<400xi32, #tpu.memory_space<vmem>>
        %dma_start3A_371 = arith.constant 0 : i32
        %dma_start3A_372 = arith.constant 0 : i32
        %dma_start3A_373 = tpu.memref_slice %arg3[%dma_start3A_371, %dma_start3A_372] : memref<100000x128xf32, #tpu.memory_space<hbm>> -> memref<100000x128xf32, #tpu.memory_space<hbm>>
        tpu.enqueue_indirect_dma source(%dma_start3A_373 : memref<100000x128xf32, #tpu.memory_space<hbm>>) target(%arg6 : memref<400x128xf32, #tpu.memory_space<vmem>>) offsets(%dma_start3A_370 : memref<400xi32, #tpu.memory_space<vmem>>) semaphore(%arg10 : memref<!tpu.dma_semaphore, #tpu.memory_space<semaphore_mem>>)
      } else {
      }
      %mul3A_196 = arith.constant 2 : i32
      %mul3A_197 = arith.muli %scan3A_31, %mul3A_196 : i32
      %add3A_198 = arith.constant 1 : i32
      %add3A_199 = arith.addi %mul3A_197, %add3A_198 : i32
      %mul3A_200 = arith.constant 400 : i32
      %mul3A_201 = arith.muli %add3A_199, %mul3A_200 : i32
      %dma_wait3A_202 = tpu.memref_slice %arg5[%mul3A_201] : memref<25600xi32, #tpu.memory_space<vmem>> -> memref<400xi32, #tpu.memory_space<vmem>>
      %dma_wait3A_203 = arith.constant 0 : i32
      %dma_wait3A_204 = arith.constant 0 : i32
      %dma_wait3A_205 = tpu.memref_slice %arg3[%dma_wait3A_203, %dma_wait3A_204] : memref<100000x128xf32, #tpu.memory_space<hbm>> -> memref<100000x128xf32, #tpu.memory_space<hbm>>
      tpu.wait_indirect_dma semaphore(%arg11 : memref<!tpu.dma_semaphore, #tpu.memory_space<semaphore_mem>>) src(%dma_wait3A_205 : memref<100000x128xf32, #tpu.memory_space<hbm>>) dst(%arg7 : memref<400x128xf32, #tpu.memory_space<vmem>>)
      %broadcast_in_dim3A_206 = arith.constant 0.000000e+00 : f32
      %broadcast_in_dim3A_207 = vector.broadcast %broadcast_in_dim3A_206 : f32 to vector<16xf32>
      %broadcast_in_dim3A_208 = arith.constant 0.000000e+00 : f32
      %broadcast_in_dim3A_209 = vector.broadcast %broadcast_in_dim3A_208 : f32 to vector<16xf32>
      %broadcast_in_dim3A_210 = arith.constant 0.000000e+00 : f32
      %broadcast_in_dim3A_211 = vector.broadcast %broadcast_in_dim3A_210 : f32 to vector<16xf32>
      %broadcast_in_dim3A_212 = arith.constant 0.000000e+00 : f32
      %broadcast_in_dim3A_213 = vector.broadcast %broadcast_in_dim3A_212 : f32 to vector<16xf32>
      %broadcast_in_dim3A_214 = arith.constant 0.000000e+00 : f32
      %broadcast_in_dim3A_215 = vector.broadcast %broadcast_in_dim3A_214 : f32 to vector<16xf32>
      %broadcast_in_dim3A_216 = arith.constant 0.000000e+00 : f32
      %broadcast_in_dim3A_217 = vector.broadcast %broadcast_in_dim3A_216 : f32 to vector<16xf32>
      %broadcast_in_dim3A_218 = arith.constant 0.000000e+00 : f32
      %broadcast_in_dim3A_219 = vector.broadcast %broadcast_in_dim3A_218 : f32 to vector<16xf32>
      %broadcast_in_dim3A_220 = arith.constant 0.000000e+00 : f32
      %broadcast_in_dim3A_221 = vector.broadcast %broadcast_in_dim3A_220 : f32 to vector<16xf32>
      %scan3A_222 = arith.constant 0 : i32
      %scan3A_223 = arith.constant 25 : i32
      %scan3A_224 = arith.addi %scan3A_222, %scan3A_223 : i32
      %scan3A_225 = arith.constant 1 : i32
      %scan3A_226:8 = scf.for %scan3A_366 = %scan3A_222 to %scan3A_224 step %scan3A_225 iter_args(%scan3A_367 = %broadcast_in_dim3A_207, %scan3A_368 = %broadcast_in_dim3A_209, %scan3A_369 = %broadcast_in_dim3A_211, %scan3A_370 = %broadcast_in_dim3A_213, %scan3A_371 = %broadcast_in_dim3A_215, %scan3A_372 = %broadcast_in_dim3A_217, %scan3A_373 = %broadcast_in_dim3A_219, %scan3A_374 = %broadcast_in_dim3A_221) -> (vector<16xf32>, vector<16xf32>, vector<16xf32>, vector<16xf32>, vector<16xf32>, vector<16xf32>, vector<16xf32>, vector<16xf32>)  : i32 {
        %mul3A_375 = arith.constant 8 : i32
        %mul3A_376 = arith.muli %scan3A_366, %mul3A_375 : i32
        %add3A_377 = arith.constant 0 : i32
        %add3A_378 = arith.addi %add3A_377, %mul3A_376 : i32
        %add3A_379 = arith.constant 0 : i32
        %add3A_380 = arith.addi %add3A_378, %add3A_379 : i32
        %get3A = arith.index_cast %add3A_380 : i32 to index
        %get3A_381 = arith.constant 0 : index
        %get3A_382 = tpu.vector_load %arg7[%get3A, %get3A_381] {strides = array<i32>} : memref<400x128xf32, #tpu.memory_space<vmem>>, vector<1x16xf32>,
        %get3A_383 = vector.shape_cast %get3A_382 : vector<1x16xf32> to vector<16xf32>
        %add3A_384 = arith.addf %scan3A_367, %get3A_383 : vector<16xf32>
        %add3A_385 = arith.constant 1 : i32
        %add3A_386 = arith.addi %add3A_378, %add3A_385 : i32
        %get3A_387 = arith.index_cast %add3A_386 : i32 to index
        %get3A_388 = arith.constant 0 : index
        %get3A_389 = tpu.vector_load %arg7[%get3A_387, %get3A_388] {strides = array<i32>} : memref<400x128xf32, #tpu.memory_space<vmem>>, vector<1x16xf32>,
        %get3A_390 = vector.shape_cast %get3A_389 : vector<1x16xf32> to vector<16xf32>
        %add3A_391 = arith.addf %add3A_384, %get3A_390 : vector<16xf32>
        %add3A_392 = arith.constant 2 : i32
        %add3A_393 = arith.addi %add3A_378, %add3A_392 : i32
        %get3A_394 = arith.index_cast %add3A_393 : i32 to index
        %get3A_395 = arith.constant 0 : index
        %get3A_396 = tpu.vector_load %arg7[%get3A_394, %get3A_395] {strides = array<i32>} : memref<400x128xf32, #tpu.memory_space<vmem>>, vector<1x16xf32>,
        %get3A_397 = vector.shape_cast %get3A_396 : vector<1x16xf32> to vector<16xf32>
        %add3A_398 = arith.addf %add3A_391, %get3A_397 : vector<16xf32>
        %add3A_399 = arith.constant 3 : i32
        %add3A_400 = arith.addi %add3A_378, %add3A_399 : i32
        %get3A_401 = arith.index_cast %add3A_400 : i32 to index
        %get3A_402 = arith.constant 0 : index
        %get3A_403 = tpu.vector_load %arg7[%get3A_401, %get3A_402] {strides = array<i32>} : memref<400x128xf32, #tpu.memory_space<vmem>>, vector<1x16xf32>,
        %get3A_404 = vector.shape_cast %get3A_403 : vector<1x16xf32> to vector<16xf32>
        %add3A_405 = arith.addf %add3A_398, %get3A_404 : vector<16xf32>
        %add3A_406 = arith.constant 4 : i32
        %add3A_407 = arith.addi %add3A_378, %add3A_406 : i32
        %get3A_408 = arith.index_cast %add3A_407 : i32 to index
        %get3A_409 = arith.constant 0 : index
        %get3A_410 = tpu.vector_load %arg7[%get3A_408, %get3A_409] {strides = array<i32>} : memref<400x128xf32, #tpu.memory_space<vmem>>, vector<1x16xf32>,
        %get3A_411 = vector.shape_cast %get3A_410 : vector<1x16xf32> to vector<16xf32>
        %add3A_412 = arith.addf %add3A_405, %get3A_411 : vector<16xf32>
        %add3A_413 = arith.constant 5 : i32
        %add3A_414 = arith.addi %add3A_378, %add3A_413 : i32
        %get3A_415 = arith.index_cast %add3A_414 : i32 to index
        %get3A_416 = arith.constant 0 : index
        %get3A_417 = tpu.vector_load %arg7[%get3A_415, %get3A_416] {strides = array<i32>} : memref<400x128xf32, #tpu.memory_space<vmem>>, vector<1x16xf32>,
        %get3A_418 = vector.shape_cast %get3A_417 : vector<1x16xf32> to vector<16xf32>
        %add3A_419 = arith.addf %add3A_412, %get3A_418 : vector<16xf32>
        %add3A_420 = arith.constant 6 : i32
        %add3A_421 = arith.addi %add3A_378, %add3A_420 : i32
        %get3A_422 = arith.index_cast %add3A_421 : i32 to index
        %get3A_423 = arith.constant 0 : index
        %get3A_424 = tpu.vector_load %arg7[%get3A_422, %get3A_423] {strides = array<i32>} : memref<400x128xf32, #tpu.memory_space<vmem>>, vector<1x16xf32>,
        %get3A_425 = vector.shape_cast %get3A_424 : vector<1x16xf32> to vector<16xf32>
        %add3A_426 = arith.addf %add3A_419, %get3A_425 : vector<16xf32>
        %add3A_427 = arith.constant 7 : i32
        %add3A_428 = arith.addi %add3A_378, %add3A_427 : i32
        %get3A_429 = arith.index_cast %add3A_428 : i32 to index
        %get3A_430 = arith.constant 0 : index
        %get3A_431 = tpu.vector_load %arg7[%get3A_429, %get3A_430] {strides = array<i32>} : memref<400x128xf32, #tpu.memory_space<vmem>>, vector<1x16xf32>,
        %get3A_432 = vector.shape_cast %get3A_431 : vector<1x16xf32> to vector<16xf32>
        %add3A_433 = arith.addf %add3A_426, %get3A_432 : vector<16xf32>
        %add3A_434 = arith.constant 0 : i32
        %add3A_435 = arith.addi %add3A_378, %add3A_434 : i32
        %get3A_436 = arith.index_cast %add3A_435 : i32 to index
        %get3A_437 = arith.constant 16 : index
        %get3A_438 = tpu.vector_load %arg7[%get3A_436, %get3A_437] {strides = array<i32>} : memref<400x128xf32, #tpu.memory_space<vmem>>, vector<1x16xf32>,
        %get3A_439 = vector.shape_cast %get3A_438 : vector<1x16xf32> to vector<16xf32>
        %add3A_440 = arith.addf %scan3A_368, %get3A_439 : vector<16xf32>
        %add3A_441 = arith.constant 1 : i32
        %add3A_442 = arith.addi %add3A_378, %add3A_441 : i32
        %get3A_443 = arith.index_cast %add3A_442 : i32 to index
        %get3A_444 = arith.constant 16 : index
        %get3A_445 = tpu.vector_load %arg7[%get3A_443, %get3A_444] {strides = array<i32>} : memref<400x128xf32, #tpu.memory_space<vmem>>, vector<1x16xf32>,
        %get3A_446 = vector.shape_cast %get3A_445 : vector<1x16xf32> to vector<16xf32>
        %add3A_447 = arith.addf %add3A_440, %get3A_446 : vector<16xf32>
        %add3A_448 = arith.constant 2 : i32
        %add3A_449 = arith.addi %add3A_378, %add3A_448 : i32
        %get3A_450 = arith.index_cast %add3A_449 : i32 to index
        %get3A_451 = arith.constant 16 : index
        %get3A_452 = tpu.vector_load %arg7[%get3A_450, %get3A_451] {strides = array<i32>} : memref<400x128xf32, #tpu.memory_space<vmem>>, vector<1x16xf32>,
        %get3A_453 = vector.shape_cast %get3A_452 : vector<1x16xf32> to vector<16xf32>
        %add3A_454 = arith.addf %add3A_447, %get3A_453 : vector<16xf32>
        %add3A_455 = arith.constant 3 : i32
        %add3A_456 = arith.addi %add3A_378, %add3A_455 : i32
        %get3A_457 = arith.index_cast %add3A_456 : i32 to index
        %get3A_458 = arith.constant 16 : index
        %get3A_459 = tpu.vector_load %arg7[%get3A_457, %get3A_458] {strides = array<i32>} : memref<400x128xf32, #tpu.memory_space<vmem>>, vector<1x16xf32>,
        %get3A_460 = vector.shape_cast %get3A_459 : vector<1x16xf32> to vector<16xf32>
        %add3A_461 = arith.addf %add3A_454, %get3A_460 : vector<16xf32>
        %add3A_462 = arith.constant 4 : i32
        %add3A_463 = arith.addi %add3A_378, %add3A_462 : i32
        %get3A_464 = arith.index_cast %add3A_463 : i32 to index
        %get3A_465 = arith.constant 16 : index
        %get3A_466 = tpu.vector_load %arg7[%get3A_464, %get3A_465] {strides = array<i32>} : memref<400x128xf32, #tpu.memory_space<vmem>>, vector<1x16xf32>,
        %get3A_467 = vector.shape_cast %get3A_466 : vector<1x16xf32> to vector<16xf32>
        %add3A_468 = arith.addf %add3A_461, %get3A_467 : vector<16xf32>
        %add3A_469 = arith.constant 5 : i32
        %add3A_470 = arith.addi %add3A_378, %add3A_469 : i32
        %get3A_471 = arith.index_cast %add3A_470 : i32 to index
        %get3A_472 = arith.constant 16 : index
        %get3A_473 = tpu.vector_load %arg7[%get3A_471, %get3A_472] {strides = array<i32>} : memref<400x128xf32, #tpu.memory_space<vmem>>, vector<1x16xf32>,
        %get3A_474 = vector.shape_cast %get3A_473 : vector<1x16xf32> to vector<16xf32>
        %add3A_475 = arith.addf %add3A_468, %get3A_474 : vector<16xf32>
        %add3A_476 = arith.constant 6 : i32
        %add3A_477 = arith.addi %add3A_378, %add3A_476 : i32
        %get3A_478 = arith.index_cast %add3A_477 : i32 to index
        %get3A_479 = arith.constant 16 : index
        %get3A_480 = tpu.vector_load %arg7[%get3A_478, %get3A_479] {strides = array<i32>} : memref<400x128xf32, #tpu.memory_space<vmem>>, vector<1x16xf32>,
        %get3A_481 = vector.shape_cast %get3A_480 : vector<1x16xf32> to vector<16xf32>
        %add3A_482 = arith.addf %add3A_475, %get3A_481 : vector<16xf32>
        %add3A_483 = arith.constant 7 : i32
        %add3A_484 = arith.addi %add3A_378, %add3A_483 : i32
        %get3A_485 = arith.index_cast %add3A_484 : i32 to index
        %get3A_486 = arith.constant 16 : index
        %get3A_487 = tpu.vector_load %arg7[%get3A_485, %get3A_486] {strides = array<i32>} : memref<400x128xf32, #tpu.memory_space<vmem>>, vector<1x16xf32>,
        %get3A_488 = vector.shape_cast %get3A_487 : vector<1x16xf32> to vector<16xf32>
        %add3A_489 = arith.addf %add3A_482, %get3A_488 : vector<16xf32>
        %add3A_490 = arith.constant 0 : i32
        %add3A_491 = arith.addi %add3A_378, %add3A_490 : i32
        %get3A_492 = arith.index_cast %add3A_491 : i32 to index
        %get3A_493 = arith.constant 32 : index
        %get3A_494 = tpu.vector_load %arg7[%get3A_492, %get3A_493] {strides = array<i32>} : memref<400x128xf32, #tpu.memory_space<vmem>>, vector<1x16xf32>,
        %get3A_495 = vector.shape_cast %get3A_494 : vector<1x16xf32> to vector<16xf32>
        %add3A_496 = arith.addf %scan3A_369, %get3A_495 : vector<16xf32>
        %add3A_497 = arith.constant 1 : i32
        %add3A_498 = arith.addi %add3A_378, %add3A_497 : i32
        %get3A_499 = arith.index_cast %add3A_498 : i32 to index
        %get3A_500 = arith.constant 32 : index
        %get3A_501 = tpu.vector_load %arg7[%get3A_499, %get3A_500] {strides = array<i32>} : memref<400x128xf32, #tpu.memory_space<vmem>>, vector<1x16xf32>,
        %get3A_502 = vector.shape_cast %get3A_501 : vector<1x16xf32> to vector<16xf32>
        %add3A_503 = arith.addf %add3A_496, %get3A_502 : vector<16xf32>
        %add3A_504 = arith.constant 2 : i32
        %add3A_505 = arith.addi %add3A_378, %add3A_504 : i32
        %get3A_506 = arith.index_cast %add3A_505 : i32 to index
        %get3A_507 = arith.constant 32 : index
        %get3A_508 = tpu.vector_load %arg7[%get3A_506, %get3A_507] {strides = array<i32>} : memref<400x128xf32, #tpu.memory_space<vmem>>, vector<1x16xf32>,
        %get3A_509 = vector.shape_cast %get3A_508 : vector<1x16xf32> to vector<16xf32>
        %add3A_510 = arith.addf %add3A_503, %get3A_509 : vector<16xf32>
        %add3A_511 = arith.constant 3 : i32
        %add3A_512 = arith.addi %add3A_378, %add3A_511 : i32
        %get3A_513 = arith.index_cast %add3A_512 : i32 to index
        %get3A_514 = arith.constant 32 : index
        %get3A_515 = tpu.vector_load %arg7[%get3A_513, %get3A_514] {strides = array<i32>} : memref<400x128xf32, #tpu.memory_space<vmem>>, vector<1x16xf32>,
        %get3A_516 = vector.shape_cast %get3A_515 : vector<1x16xf32> to vector<16xf32>
        %add3A_517 = arith.addf %add3A_510, %get3A_516 : vector<16xf32>
        %add3A_518 = arith.constant 4 : i32
        %add3A_519 = arith.addi %add3A_378, %add3A_518 : i32
        %get3A_520 = arith.index_cast %add3A_519 : i32 to index
        %get3A_521 = arith.constant 32 : index
        %get3A_522 = tpu.vector_load %arg7[%get3A_520, %get3A_521] {strides = array<i32>} : memref<400x128xf32, #tpu.memory_space<vmem>>, vector<1x16xf32>,
        %get3A_523 = vector.shape_cast %get3A_522 : vector<1x16xf32> to vector<16xf32>
        %add3A_524 = arith.addf %add3A_517, %get3A_523 : vector<16xf32>
        %add3A_525 = arith.constant 5 : i32
        %add3A_526 = arith.addi %add3A_378, %add3A_525 : i32
        %get3A_527 = arith.index_cast %add3A_526 : i32 to index
        %get3A_528 = arith.constant 32 : index
        %get3A_529 = tpu.vector_load %arg7[%get3A_527, %get3A_528] {strides = array<i32>} : memref<400x128xf32, #tpu.memory_space<vmem>>, vector<1x16xf32>,
        %get3A_530 = vector.shape_cast %get3A_529 : vector<1x16xf32> to vector<16xf32>
        %add3A_531 = arith.addf %add3A_524, %get3A_530 : vector<16xf32>
        %add3A_532 = arith.constant 6 : i32
        %add3A_533 = arith.addi %add3A_378, %add3A_532 : i32
        %get3A_534 = arith.index_cast %add3A_533 : i32 to index
        %get3A_535 = arith.constant 32 : index
        %get3A_536 = tpu.vector_load %arg7[%get3A_534, %get3A_535] {strides = array<i32>} : memref<400x128xf32, #tpu.memory_space<vmem>>, vector<1x16xf32>,
        %get3A_537 = vector.shape_cast %get3A_536 : vector<1x16xf32> to vector<16xf32>
        %add3A_538 = arith.addf %add3A_531, %get3A_537 : vector<16xf32>
        %add3A_539 = arith.constant 7 : i32
        %add3A_540 = arith.addi %add3A_378, %add3A_539 : i32
        %get3A_541 = arith.index_cast %add3A_540 : i32 to index
        %get3A_542 = arith.constant 32 : index
        %get3A_543 = tpu.vector_load %arg7[%get3A_541, %get3A_542] {strides = array<i32>} : memref<400x128xf32, #tpu.memory_space<vmem>>, vector<1x16xf32>,
        %get3A_544 = vector.shape_cast %get3A_543 : vector<1x16xf32> to vector<16xf32>
        %add3A_545 = arith.addf %add3A_538, %get3A_544 : vector<16xf32>
        %add3A_546 = arith.constant 0 : i32
        %add3A_547 = arith.addi %add3A_378, %add3A_546 : i32
        %get3A_548 = arith.index_cast %add3A_547 : i32 to index
        %get3A_549 = arith.constant 48 : index
        %get3A_550 = tpu.vector_load %arg7[%get3A_548, %get3A_549] {strides = array<i32>} : memref<400x128xf32, #tpu.memory_space<vmem>>, vector<1x16xf32>,
        %get3A_551 = vector.shape_cast %get3A_550 : vector<1x16xf32> to vector<16xf32>
        %add3A_552 = arith.addf %scan3A_370, %get3A_551 : vector<16xf32>
        %add3A_553 = arith.constant 1 : i32
        %add3A_554 = arith.addi %add3A_378, %add3A_553 : i32
        %get3A_555 = arith.index_cast %add3A_554 : i32 to index
        %get3A_556 = arith.constant 48 : index
        %get3A_557 = tpu.vector_load %arg7[%get3A_555, %get3A_556] {strides = array<i32>} : memref<400x128xf32, #tpu.memory_space<vmem>>, vector<1x16xf32>,
        %get3A_558 = vector.shape_cast %get3A_557 : vector<1x16xf32> to vector<16xf32>
        %add3A_559 = arith.addf %add3A_552, %get3A_558 : vector<16xf32>
        %add3A_560 = arith.constant 2 : i32
        %add3A_561 = arith.addi %add3A_378, %add3A_560 : i32
        %get3A_562 = arith.index_cast %add3A_561 : i32 to index
        %get3A_563 = arith.constant 48 : index
        %get3A_564 = tpu.vector_load %arg7[%get3A_562, %get3A_563] {strides = array<i32>} : memref<400x128xf32, #tpu.memory_space<vmem>>, vector<1x16xf32>,
        %get3A_565 = vector.shape_cast %get3A_564 : vector<1x16xf32> to vector<16xf32>
        %add3A_566 = arith.addf %add3A_559, %get3A_565 : vector<16xf32>
        %add3A_567 = arith.constant 3 : i32
        %add3A_568 = arith.addi %add3A_378, %add3A_567 : i32
        %get3A_569 = arith.index_cast %add3A_568 : i32 to index
        %get3A_570 = arith.constant 48 : index
        %get3A_571 = tpu.vector_load %arg7[%get3A_569, %get3A_570] {strides = array<i32>} : memref<400x128xf32, #tpu.memory_space<vmem>>, vector<1x16xf32>,
        %get3A_572 = vector.shape_cast %get3A_571 : vector<1x16xf32> to vector<16xf32>
        %add3A_573 = arith.addf %add3A_566, %get3A_572 : vector<16xf32>
        %add3A_574 = arith.constant 4 : i32
        %add3A_575 = arith.addi %add3A_378, %add3A_574 : i32
        %get3A_576 = arith.index_cast %add3A_575 : i32 to index
        %get3A_577 = arith.constant 48 : index
        %get3A_578 = tpu.vector_load %arg7[%get3A_576, %get3A_577] {strides = array<i32>} : memref<400x128xf32, #tpu.memory_space<vmem>>, vector<1x16xf32>,
        %get3A_579 = vector.shape_cast %get3A_578 : vector<1x16xf32> to vector<16xf32>
        %add3A_580 = arith.addf %add3A_573, %get3A_579 : vector<16xf32>
        %add3A_581 = arith.constant 5 : i32
        %add3A_582 = arith.addi %add3A_378, %add3A_581 : i32
        %get3A_583 = arith.index_cast %add3A_582 : i32 to index
        %get3A_584 = arith.constant 48 : index
        %get3A_585 = tpu.vector_load %arg7[%get3A_583, %get3A_584] {strides = array<i32>} : memref<400x128xf32, #tpu.memory_space<vmem>>, vector<1x16xf32>,
        %get3A_586 = vector.shape_cast %get3A_585 : vector<1x16xf32> to vector<16xf32>
        %add3A_587 = arith.addf %add3A_580, %get3A_586 : vector<16xf32>
        %add3A_588 = arith.constant 6 : i32
        %add3A_589 = arith.addi %add3A_378, %add3A_588 : i32
        %get3A_590 = arith.index_cast %add3A_589 : i32 to index
        %get3A_591 = arith.constant 48 : index
        %get3A_592 = tpu.vector_load %arg7[%get3A_590, %get3A_591] {strides = array<i32>} : memref<400x128xf32, #tpu.memory_space<vmem>>, vector<1x16xf32>,
        %get3A_593 = vector.shape_cast %get3A_592 : vector<1x16xf32> to vector<16xf32>
        %add3A_594 = arith.addf %add3A_587, %get3A_593 : vector<16xf32>
        %add3A_595 = arith.constant 7 : i32
        %add3A_596 = arith.addi %add3A_378, %add3A_595 : i32
        %get3A_597 = arith.index_cast %add3A_596 : i32 to index
        %get3A_598 = arith.constant 48 : index
        %get3A_599 = tpu.vector_load %arg7[%get3A_597, %get3A_598] {strides = array<i32>} : memref<400x128xf32, #tpu.memory_space<vmem>>, vector<1x16xf32>,
        %get3A_600 = vector.shape_cast %get3A_599 : vector<1x16xf32> to vector<16xf32>
        %add3A_601 = arith.addf %add3A_594, %get3A_600 : vector<16xf32>
        %add3A_602 = arith.constant 0 : i32
        %add3A_603 = arith.addi %add3A_378, %add3A_602 : i32
        %get3A_604 = arith.index_cast %add3A_603 : i32 to index
        %get3A_605 = arith.constant 64 : index
        %get3A_606 = tpu.vector_load %arg7[%get3A_604, %get3A_605] {strides = array<i32>} : memref<400x128xf32, #tpu.memory_space<vmem>>, vector<1x16xf32>,
        %get3A_607 = vector.shape_cast %get3A_606 : vector<1x16xf32> to vector<16xf32>
        %add3A_608 = arith.addf %scan3A_371, %get3A_607 : vector<16xf32>
        %add3A_609 = arith.constant 1 : i32
        %add3A_610 = arith.addi %add3A_378, %add3A_609 : i32
        %get3A_611 = arith.index_cast %add3A_610 : i32 to index
        %get3A_612 = arith.constant 64 : index
        %get3A_613 = tpu.vector_load %arg7[%get3A_611, %get3A_612] {strides = array<i32>} : memref<400x128xf32, #tpu.memory_space<vmem>>, vector<1x16xf32>,
        %get3A_614 = vector.shape_cast %get3A_613 : vector<1x16xf32> to vector<16xf32>
        %add3A_615 = arith.addf %add3A_608, %get3A_614 : vector<16xf32>
        %add3A_616 = arith.constant 2 : i32
        %add3A_617 = arith.addi %add3A_378, %add3A_616 : i32
        %get3A_618 = arith.index_cast %add3A_617 : i32 to index
        %get3A_619 = arith.constant 64 : index
        %get3A_620 = tpu.vector_load %arg7[%get3A_618, %get3A_619] {strides = array<i32>} : memref<400x128xf32, #tpu.memory_space<vmem>>, vector<1x16xf32>,
        %get3A_621 = vector.shape_cast %get3A_620 : vector<1x16xf32> to vector<16xf32>
        %add3A_622 = arith.addf %add3A_615, %get3A_621 : vector<16xf32>
        %add3A_623 = arith.constant 3 : i32
        %add3A_624 = arith.addi %add3A_378, %add3A_623 : i32
        %get3A_625 = arith.index_cast %add3A_624 : i32 to index
        %get3A_626 = arith.constant 64 : index
        %get3A_627 = tpu.vector_load %arg7[%get3A_625, %get3A_626] {strides = array<i32>} : memref<400x128xf32, #tpu.memory_space<vmem>>, vector<1x16xf32>,
        %get3A_628 = vector.shape_cast %get3A_627 : vector<1x16xf32> to vector<16xf32>
        %add3A_629 = arith.addf %add3A_622, %get3A_628 : vector<16xf32>
        %add3A_630 = arith.constant 4 : i32
        %add3A_631 = arith.addi %add3A_378, %add3A_630 : i32
        %get3A_632 = arith.index_cast %add3A_631 : i32 to index
        %get3A_633 = arith.constant 64 : index
        %get3A_634 = tpu.vector_load %arg7[%get3A_632, %get3A_633] {strides = array<i32>} : memref<400x128xf32, #tpu.memory_space<vmem>>, vector<1x16xf32>,
        %get3A_635 = vector.shape_cast %get3A_634 : vector<1x16xf32> to vector<16xf32>
        %add3A_636 = arith.addf %add3A_629, %get3A_635 : vector<16xf32>
        %add3A_637 = arith.constant 5 : i32
        %add3A_638 = arith.addi %add3A_378, %add3A_637 : i32
        %get3A_639 = arith.index_cast %add3A_638 : i32 to index
        %get3A_640 = arith.constant 64 : index
        %get3A_641 = tpu.vector_load %arg7[%get3A_639, %get3A_640] {strides = array<i32>} : memref<400x128xf32, #tpu.memory_space<vmem>>, vector<1x16xf32>,
        %get3A_642 = vector.shape_cast %get3A_641 : vector<1x16xf32> to vector<16xf32>
        %add3A_643 = arith.addf %add3A_636, %get3A_642 : vector<16xf32>
        %add3A_644 = arith.constant 6 : i32
        %add3A_645 = arith.addi %add3A_378, %add3A_644 : i32
        %get3A_646 = arith.index_cast %add3A_645 : i32 to index
        %get3A_647 = arith.constant 64 : index
        %get3A_648 = tpu.vector_load %arg7[%get3A_646, %get3A_647] {strides = array<i32>} : memref<400x128xf32, #tpu.memory_space<vmem>>, vector<1x16xf32>,
        %get3A_649 = vector.shape_cast %get3A_648 : vector<1x16xf32> to vector<16xf32>
        %add3A_650 = arith.addf %add3A_643, %get3A_649 : vector<16xf32>
        %add3A_651 = arith.constant 7 : i32
        %add3A_652 = arith.addi %add3A_378, %add3A_651 : i32
        %get3A_653 = arith.index_cast %add3A_652 : i32 to index
        %get3A_654 = arith.constant 64 : index
        %get3A_655 = tpu.vector_load %arg7[%get3A_653, %get3A_654] {strides = array<i32>} : memref<400x128xf32, #tpu.memory_space<vmem>>, vector<1x16xf32>,
        %get3A_656 = vector.shape_cast %get3A_655 : vector<1x16xf32> to vector<16xf32>
        %add3A_657 = arith.addf %add3A_650, %get3A_656 : vector<16xf32>
        %add3A_658 = arith.constant 0 : i32
        %add3A_659 = arith.addi %add3A_378, %add3A_658 : i32
        %get3A_660 = arith.index_cast %add3A_659 : i32 to index
        %get3A_661 = arith.constant 80 : index
        %get3A_662 = tpu.vector_load %arg7[%get3A_660, %get3A_661] {strides = array<i32>} : memref<400x128xf32, #tpu.memory_space<vmem>>, vector<1x16xf32>,
        %get3A_663 = vector.shape_cast %get3A_662 : vector<1x16xf32> to vector<16xf32>
        %add3A_664 = arith.addf %scan3A_372, %get3A_663 : vector<16xf32>
        %add3A_665 = arith.constant 1 : i32
        %add3A_666 = arith.addi %add3A_378, %add3A_665 : i32
        %get3A_667 = arith.index_cast %add3A_666 : i32 to index
        %get3A_668 = arith.constant 80 : index
        %get3A_669 = tpu.vector_load %arg7[%get3A_667, %get3A_668] {strides = array<i32>} : memref<400x128xf32, #tpu.memory_space<vmem>>, vector<1x16xf32>,
        %get3A_670 = vector.shape_cast %get3A_669 : vector<1x16xf32> to vector<16xf32>
        %add3A_671 = arith.addf %add3A_664, %get3A_670 : vector<16xf32>
        %add3A_672 = arith.constant 2 : i32
        %add3A_673 = arith.addi %add3A_378, %add3A_672 : i32
        %get3A_674 = arith.index_cast %add3A_673 : i32 to index
        %get3A_675 = arith.constant 80 : index
        %get3A_676 = tpu.vector_load %arg7[%get3A_674, %get3A_675] {strides = array<i32>} : memref<400x128xf32, #tpu.memory_space<vmem>>, vector<1x16xf32>,
        %get3A_677 = vector.shape_cast %get3A_676 : vector<1x16xf32> to vector<16xf32>
        %add3A_678 = arith.addf %add3A_671, %get3A_677 : vector<16xf32>
        %add3A_679 = arith.constant 3 : i32
        %add3A_680 = arith.addi %add3A_378, %add3A_679 : i32
        %get3A_681 = arith.index_cast %add3A_680 : i32 to index
        %get3A_682 = arith.constant 80 : index
        %get3A_683 = tpu.vector_load %arg7[%get3A_681, %get3A_682] {strides = array<i32>} : memref<400x128xf32, #tpu.memory_space<vmem>>, vector<1x16xf32>,
        %get3A_684 = vector.shape_cast %get3A_683 : vector<1x16xf32> to vector<16xf32>
        %add3A_685 = arith.addf %add3A_678, %get3A_684 : vector<16xf32>
        %add3A_686 = arith.constant 4 : i32
        %add3A_687 = arith.addi %add3A_378, %add3A_686 : i32
        %get3A_688 = arith.index_cast %add3A_687 : i32 to index
        %get3A_689 = arith.constant 80 : index
        %get3A_690 = tpu.vector_load %arg7[%get3A_688, %get3A_689] {strides = array<i32>} : memref<400x128xf32, #tpu.memory_space<vmem>>, vector<1x16xf32>,
        %get3A_691 = vector.shape_cast %get3A_690 : vector<1x16xf32> to vector<16xf32>
        %add3A_692 = arith.addf %add3A_685, %get3A_691 : vector<16xf32>
        %add3A_693 = arith.constant 5 : i32
        %add3A_694 = arith.addi %add3A_378, %add3A_693 : i32
        %get3A_695 = arith.index_cast %add3A_694 : i32 to index
        %get3A_696 = arith.constant 80 : index
        %get3A_697 = tpu.vector_load %arg7[%get3A_695, %get3A_696] {strides = array<i32>} : memref<400x128xf32, #tpu.memory_space<vmem>>, vector<1x16xf32>,
        %get3A_698 = vector.shape_cast %get3A_697 : vector<1x16xf32> to vector<16xf32>
        %add3A_699 = arith.addf %add3A_692, %get3A_698 : vector<16xf32>
        %add3A_700 = arith.constant 6 : i32
        %add3A_701 = arith.addi %add3A_378, %add3A_700 : i32
        %get3A_702 = arith.index_cast %add3A_701 : i32 to index
        %get3A_703 = arith.constant 80 : index
        %get3A_704 = tpu.vector_load %arg7[%get3A_702, %get3A_703] {strides = array<i32>} : memref<400x128xf32, #tpu.memory_space<vmem>>, vector<1x16xf32>,
        %get3A_705 = vector.shape_cast %get3A_704 : vector<1x16xf32> to vector<16xf32>
        %add3A_706 = arith.addf %add3A_699, %get3A_705 : vector<16xf32>
        %add3A_707 = arith.constant 7 : i32
        %add3A_708 = arith.addi %add3A_378, %add3A_707 : i32
        %get3A_709 = arith.index_cast %add3A_708 : i32 to index
        %get3A_710 = arith.constant 80 : index
        %get3A_711 = tpu.vector_load %arg7[%get3A_709, %get3A_710] {strides = array<i32>} : memref<400x128xf32, #tpu.memory_space<vmem>>, vector<1x16xf32>,
        %get3A_712 = vector.shape_cast %get3A_711 : vector<1x16xf32> to vector<16xf32>
        %add3A_713 = arith.addf %add3A_706, %get3A_712 : vector<16xf32>
        %add3A_714 = arith.constant 0 : i32
        %add3A_715 = arith.addi %add3A_378, %add3A_714 : i32
        %get3A_716 = arith.index_cast %add3A_715 : i32 to index
        %get3A_717 = arith.constant 96 : index
        %get3A_718 = tpu.vector_load %arg7[%get3A_716, %get3A_717] {strides = array<i32>} : memref<400x128xf32, #tpu.memory_space<vmem>>, vector<1x16xf32>,
        %get3A_719 = vector.shape_cast %get3A_718 : vector<1x16xf32> to vector<16xf32>
        %add3A_720 = arith.addf %scan3A_373, %get3A_719 : vector<16xf32>
        %add3A_721 = arith.constant 1 : i32
        %add3A_722 = arith.addi %add3A_378, %add3A_721 : i32
        %get3A_723 = arith.index_cast %add3A_722 : i32 to index
        %get3A_724 = arith.constant 96 : index
        %get3A_725 = tpu.vector_load %arg7[%get3A_723, %get3A_724] {strides = array<i32>} : memref<400x128xf32, #tpu.memory_space<vmem>>, vector<1x16xf32>,
        %get3A_726 = vector.shape_cast %get3A_725 : vector<1x16xf32> to vector<16xf32>
        %add3A_727 = arith.addf %add3A_720, %get3A_726 : vector<16xf32>
        %add3A_728 = arith.constant 2 : i32
        %add3A_729 = arith.addi %add3A_378, %add3A_728 : i32
        %get3A_730 = arith.index_cast %add3A_729 : i32 to index
        %get3A_731 = arith.constant 96 : index
        %get3A_732 = tpu.vector_load %arg7[%get3A_730, %get3A_731] {strides = array<i32>} : memref<400x128xf32, #tpu.memory_space<vmem>>, vector<1x16xf32>,
        %get3A_733 = vector.shape_cast %get3A_732 : vector<1x16xf32> to vector<16xf32>
        %add3A_734 = arith.addf %add3A_727, %get3A_733 : vector<16xf32>
        %add3A_735 = arith.constant 3 : i32
        %add3A_736 = arith.addi %add3A_378, %add3A_735 : i32
        %get3A_737 = arith.index_cast %add3A_736 : i32 to index
        %get3A_738 = arith.constant 96 : index
        %get3A_739 = tpu.vector_load %arg7[%get3A_737, %get3A_738] {strides = array<i32>} : memref<400x128xf32, #tpu.memory_space<vmem>>, vector<1x16xf32>,
        %get3A_740 = vector.shape_cast %get3A_739 : vector<1x16xf32> to vector<16xf32>
        %add3A_741 = arith.addf %add3A_734, %get3A_740 : vector<16xf32>
        %add3A_742 = arith.constant 4 : i32
        %add3A_743 = arith.addi %add3A_378, %add3A_742 : i32
        %get3A_744 = arith.index_cast %add3A_743 : i32 to index
        %get3A_745 = arith.constant 96 : index
        %get3A_746 = tpu.vector_load %arg7[%get3A_744, %get3A_745] {strides = array<i32>} : memref<400x128xf32, #tpu.memory_space<vmem>>, vector<1x16xf32>,
        %get3A_747 = vector.shape_cast %get3A_746 : vector<1x16xf32> to vector<16xf32>
        %add3A_748 = arith.addf %add3A_741, %get3A_747 : vector<16xf32>
        %add3A_749 = arith.constant 5 : i32
        %add3A_750 = arith.addi %add3A_378, %add3A_749 : i32
        %get3A_751 = arith.index_cast %add3A_750 : i32 to index
        %get3A_752 = arith.constant 96 : index
        %get3A_753 = tpu.vector_load %arg7[%get3A_751, %get3A_752] {strides = array<i32>} : memref<400x128xf32, #tpu.memory_space<vmem>>, vector<1x16xf32>,
        %get3A_754 = vector.shape_cast %get3A_753 : vector<1x16xf32> to vector<16xf32>
        %add3A_755 = arith.addf %add3A_748, %get3A_754 : vector<16xf32>
        %add3A_756 = arith.constant 6 : i32
        %add3A_757 = arith.addi %add3A_378, %add3A_756 : i32
        %get3A_758 = arith.index_cast %add3A_757 : i32 to index
        %get3A_759 = arith.constant 96 : index
        %get3A_760 = tpu.vector_load %arg7[%get3A_758, %get3A_759] {strides = array<i32>} : memref<400x128xf32, #tpu.memory_space<vmem>>, vector<1x16xf32>,
        %get3A_761 = vector.shape_cast %get3A_760 : vector<1x16xf32> to vector<16xf32>
        %add3A_762 = arith.addf %add3A_755, %get3A_761 : vector<16xf32>
        %add3A_763 = arith.constant 7 : i32
        %add3A_764 = arith.addi %add3A_378, %add3A_763 : i32
        %get3A_765 = arith.index_cast %add3A_764 : i32 to index
        %get3A_766 = arith.constant 96 : index
        %get3A_767 = tpu.vector_load %arg7[%get3A_765, %get3A_766] {strides = array<i32>} : memref<400x128xf32, #tpu.memory_space<vmem>>, vector<1x16xf32>,
        %get3A_768 = vector.shape_cast %get3A_767 : vector<1x16xf32> to vector<16xf32>
        %add3A_769 = arith.addf %add3A_762, %get3A_768 : vector<16xf32>
        %add3A_770 = arith.constant 0 : i32
        %add3A_771 = arith.addi %add3A_378, %add3A_770 : i32
        %get3A_772 = arith.index_cast %add3A_771 : i32 to index
        %get3A_773 = arith.constant 112 : index
        %get3A_774 = tpu.vector_load %arg7[%get3A_772, %get3A_773] {strides = array<i32>} : memref<400x128xf32, #tpu.memory_space<vmem>>, vector<1x16xf32>,
        %get3A_775 = vector.shape_cast %get3A_774 : vector<1x16xf32> to vector<16xf32>
        %add3A_776 = arith.addf %scan3A_374, %get3A_775 : vector<16xf32>
        %add3A_777 = arith.constant 1 : i32
        %add3A_778 = arith.addi %add3A_378, %add3A_777 : i32
        %get3A_779 = arith.index_cast %add3A_778 : i32 to index
        %get3A_780 = arith.constant 112 : index
        %get3A_781 = tpu.vector_load %arg7[%get3A_779, %get3A_780] {strides = array<i32>} : memref<400x128xf32, #tpu.memory_space<vmem>>, vector<1x16xf32>,
        %get3A_782 = vector.shape_cast %get3A_781 : vector<1x16xf32> to vector<16xf32>
        %add3A_783 = arith.addf %add3A_776, %get3A_782 : vector<16xf32>
        %add3A_784 = arith.constant 2 : i32
        %add3A_785 = arith.addi %add3A_378, %add3A_784 : i32
        %get3A_786 = arith.index_cast %add3A_785 : i32 to index
        %get3A_787 = arith.constant 112 : index
        %get3A_788 = tpu.vector_load %arg7[%get3A_786, %get3A_787] {strides = array<i32>} : memref<400x128xf32, #tpu.memory_space<vmem>>, vector<1x16xf32>,
        %get3A_789 = vector.shape_cast %get3A_788 : vector<1x16xf32> to vector<16xf32>
        %add3A_790 = arith.addf %add3A_783, %get3A_789 : vector<16xf32>
        %add3A_791 = arith.constant 3 : i32
        %add3A_792 = arith.addi %add3A_378, %add3A_791 : i32
        %get3A_793 = arith.index_cast %add3A_792 : i32 to index
        %get3A_794 = arith.constant 112 : index
        %get3A_795 = tpu.vector_load %arg7[%get3A_793, %get3A_794] {strides = array<i32>} : memref<400x128xf32, #tpu.memory_space<vmem>>, vector<1x16xf32>,
        %get3A_796 = vector.shape_cast %get3A_795 : vector<1x16xf32> to vector<16xf32>
        %add3A_797 = arith.addf %add3A_790, %get3A_796 : vector<16xf32>
        %add3A_798 = arith.constant 4 : i32
        %add3A_799 = arith.addi %add3A_378, %add3A_798 : i32
        %get3A_800 = arith.index_cast %add3A_799 : i32 to index
        %get3A_801 = arith.constant 112 : index
        %get3A_802 = tpu.vector_load %arg7[%get3A_800, %get3A_801] {strides = array<i32>} : memref<400x128xf32, #tpu.memory_space<vmem>>, vector<1x16xf32>,
        %get3A_803 = vector.shape_cast %get3A_802 : vector<1x16xf32> to vector<16xf32>
        %add3A_804 = arith.addf %add3A_797, %get3A_803 : vector<16xf32>
        %add3A_805 = arith.constant 5 : i32
        %add3A_806 = arith.addi %add3A_378, %add3A_805 : i32
        %get3A_807 = arith.index_cast %add3A_806 : i32 to index
        %get3A_808 = arith.constant 112 : index
        %get3A_809 = tpu.vector_load %arg7[%get3A_807, %get3A_808] {strides = array<i32>} : memref<400x128xf32, #tpu.memory_space<vmem>>, vector<1x16xf32>,
        %get3A_810 = vector.shape_cast %get3A_809 : vector<1x16xf32> to vector<16xf32>
        %add3A_811 = arith.addf %add3A_804, %get3A_810 : vector<16xf32>
        %add3A_812 = arith.constant 6 : i32
        %add3A_813 = arith.addi %add3A_378, %add3A_812 : i32
        %get3A_814 = arith.index_cast %add3A_813 : i32 to index
        %get3A_815 = arith.constant 112 : index
        %get3A_816 = tpu.vector_load %arg7[%get3A_814, %get3A_815] {strides = array<i32>} : memref<400x128xf32, #tpu.memory_space<vmem>>, vector<1x16xf32>,
        %get3A_817 = vector.shape_cast %get3A_816 : vector<1x16xf32> to vector<16xf32>
        %add3A_818 = arith.addf %add3A_811, %get3A_817 : vector<16xf32>
        %add3A_819 = arith.constant 7 : i32
        %add3A_820 = arith.addi %add3A_378, %add3A_819 : i32
        %get3A_821 = arith.index_cast %add3A_820 : i32 to index
        %get3A_822 = arith.constant 112 : index
        %get3A_823 = tpu.vector_load %arg7[%get3A_821, %get3A_822] {strides = array<i32>} : memref<400x128xf32, #tpu.memory_space<vmem>>, vector<1x16xf32>,
        %get3A_824 = vector.shape_cast %get3A_823 : vector<1x16xf32> to vector<16xf32>
        %add3A_825 = arith.addf %add3A_818, %get3A_824 : vector<16xf32>
        scf.yield %add3A_433, %add3A_489, %add3A_545, %add3A_601, %add3A_657, %add3A_713, %add3A_769, %add3A_825 : vector<16xf32>, vector<16xf32>, vector<16xf32>, vector<16xf32>, vector<16xf32>, vector<16xf32>, vector<16xf32>, vector<16xf32>
      }
      %scan3A_227 = arith.constant 25 : i32
      %swap3A_228 = arith.constant 0 : i32
      %swap3A_229 = arith.index_cast %swap3A_228 : i32 to index
      %swap3A_230 = arith.constant 0 : index
      %swap3A_231 = tpu.vector_load %arg9[%swap3A_229, %swap3A_230] {strides = array<i32>} : memref<2x128xf32, #tpu.memory_space<vmem>>, vector<1x16xf32>,
      %swap3A_232 = vector.shape_cast %swap3A_231 : vector<1x16xf32> to vector<16xf32>
      %swap3A_233 = vector.shape_cast %scan3A_226#0 : vector<16xf32> to vector<1x16xf32>
      tpu.vector_store %arg9[%swap3A_229, %swap3A_230], %swap3A_233 {strides = array<i32>} : memref<2x128xf32, #tpu.memory_space<vmem>>, vector<1x16xf32>,
      %swap3A_234 = arith.constant 0 : i32
      %swap3A_235 = arith.index_cast %swap3A_234 : i32 to index
      %swap3A_236 = arith.constant 16 : index
      %swap3A_237 = tpu.vector_load %arg9[%swap3A_235, %swap3A_236] {strides = array<i32>} : memref<2x128xf32, #tpu.memory_space<vmem>>, vector<1x16xf32>,
      %swap3A_238 = vector.shape_cast %swap3A_237 : vector<1x16xf32> to vector<16xf32>
      %swap3A_239 = vector.shape_cast %scan3A_226#1 : vector<16xf32> to vector<1x16xf32>
      tpu.vector_store %arg9[%swap3A_235, %swap3A_236], %swap3A_239 {strides = array<i32>} : memref<2x128xf32, #tpu.memory_space<vmem>>, vector<1x16xf32>,
      %swap3A_240 = arith.constant 0 : i32
      %swap3A_241 = arith.index_cast %swap3A_240 : i32 to index
      %swap3A_242 = arith.constant 32 : index
      %swap3A_243 = tpu.vector_load %arg9[%swap3A_241, %swap3A_242] {strides = array<i32>} : memref<2x128xf32, #tpu.memory_space<vmem>>, vector<1x16xf32>,
      %swap3A_244 = vector.shape_cast %swap3A_243 : vector<1x16xf32> to vector<16xf32>
      %swap3A_245 = vector.shape_cast %scan3A_226#2 : vector<16xf32> to vector<1x16xf32>
      tpu.vector_store %arg9[%swap3A_241, %swap3A_242], %swap3A_245 {strides = array<i32>} : memref<2x128xf32, #tpu.memory_space<vmem>>, vector<1x16xf32>,
      %swap3A_246 = arith.constant 0 : i32
      %swap3A_247 = arith.index_cast %swap3A_246 : i32 to index
      %swap3A_248 = arith.constant 48 : index
      %swap3A_249 = tpu.vector_load %arg9[%swap3A_247, %swap3A_248] {strides = array<i32>} : memref<2x128xf32, #tpu.memory_space<vmem>>, vector<1x16xf32>,
      %swap3A_250 = vector.shape_cast %swap3A_249 : vector<1x16xf32> to vector<16xf32>
      %swap3A_251 = vector.shape_cast %scan3A_226#3 : vector<16xf32> to vector<1x16xf32>
      tpu.vector_store %arg9[%swap3A_247, %swap3A_248], %swap3A_251 {strides = array<i32>} : memref<2x128xf32, #tpu.memory_space<vmem>>, vector<1x16xf32>,
      %swap3A_252 = arith.constant 0 : i32
      %swap3A_253 = arith.index_cast %swap3A_252 : i32 to index
      %swap3A_254 = arith.constant 64 : index
      %swap3A_255 = tpu.vector_load %arg9[%swap3A_253, %swap3A_254] {strides = array<i32>} : memref<2x128xf32, #tpu.memory_space<vmem>>, vector<1x16xf32>,
      %swap3A_256 = vector.shape_cast %swap3A_255 : vector<1x16xf32> to vector<16xf32>
      %swap3A_257 = vector.shape_cast %scan3A_226#4 : vector<16xf32> to vector<1x16xf32>
      tpu.vector_store %arg9[%swap3A_253, %swap3A_254], %swap3A_257 {strides = array<i32>} : memref<2x128xf32, #tpu.memory_space<vmem>>, vector<1x16xf32>,
      %swap3A_258 = arith.constant 0 : i32
      %swap3A_259 = arith.index_cast %swap3A_258 : i32 to index
      %swap3A_260 = arith.constant 80 : index
      %swap3A_261 = tpu.vector_load %arg9[%swap3A_259, %swap3A_260] {strides = array<i32>} : memref<2x128xf32, #tpu.memory_space<vmem>>, vector<1x16xf32>,
      %swap3A_262 = vector.shape_cast %swap3A_261 : vector<1x16xf32> to vector<16xf32>
      %swap3A_263 = vector.shape_cast %scan3A_226#5 : vector<16xf32> to vector<1x16xf32>
      tpu.vector_store %arg9[%swap3A_259, %swap3A_260], %swap3A_263 {strides = array<i32>} : memref<2x128xf32, #tpu.memory_space<vmem>>, vector<1x16xf32>,
      %swap3A_264 = arith.constant 0 : i32
      %swap3A_265 = arith.index_cast %swap3A_264 : i32 to index
      %swap3A_266 = arith.constant 96 : index
      %swap3A_267 = tpu.vector_load %arg9[%swap3A_265, %swap3A_266] {strides = array<i32>} : memref<2x128xf32, #tpu.memory_space<vmem>>, vector<1x16xf32>,
      %swap3A_268 = vector.shape_cast %swap3A_267 : vector<1x16xf32> to vector<16xf32>
      %swap3A_269 = vector.shape_cast %scan3A_226#6 : vector<16xf32> to vector<1x16xf32>
      tpu.vector_store %arg9[%swap3A_265, %swap3A_266], %swap3A_269 {strides = array<i32>} : memref<2x128xf32, #tpu.memory_space<vmem>>, vector<1x16xf32>,
      %swap3A_270 = arith.constant 0 : i32
      %swap3A_271 = arith.index_cast %swap3A_270 : i32 to index
      %swap3A_272 = arith.constant 112 : index
      %swap3A_273 = tpu.vector_load %arg9[%swap3A_271, %swap3A_272] {strides = array<i32>} : memref<2x128xf32, #tpu.memory_space<vmem>>, vector<1x16xf32>,
      %swap3A_274 = vector.shape_cast %swap3A_273 : vector<1x16xf32> to vector<16xf32>
      %swap3A_275 = vector.shape_cast %scan3A_226#7 : vector<16xf32> to vector<1x16xf32>
      tpu.vector_store %arg9[%swap3A_271, %swap3A_272], %swap3A_275 {strides = array<i32>} : memref<2x128xf32, #tpu.memory_space<vmem>>, vector<1x16xf32>,
      %broadcast_in_dim3A_276 = arith.constant 0.000000e+00 : f32
      %broadcast_in_dim3A_277 = vector.broadcast %broadcast_in_dim3A_276 : f32 to vector<16xf32>
      %broadcast_in_dim3A_278 = arith.constant 0.000000e+00 : f32
      %broadcast_in_dim3A_279 = vector.broadcast %broadcast_in_dim3A_278 : f32 to vector<16xf32>
      %broadcast_in_dim3A_280 = arith.constant 0.000000e+00 : f32
      %broadcast_in_dim3A_281 = vector.broadcast %broadcast_in_dim3A_280 : f32 to vector<16xf32>
      %broadcast_in_dim3A_282 = arith.constant 0.000000e+00 : f32
      %broadcast_in_dim3A_283 = vector.broadcast %broadcast_in_dim3A_282 : f32 to vector<16xf32>
      %broadcast_in_dim3A_284 = arith.constant 0.000000e+00 : f32
      %broadcast_in_dim3A_285 = vector.broadcast %broadcast_in_dim3A_284 : f32 to vector<16xf32>
      %broadcast_in_dim3A_286 = arith.constant 0.000000e+00 : f32
      %broadcast_in_dim3A_287 = vector.broadcast %broadcast_in_dim3A_286 : f32 to vector<16xf32>
      %broadcast_in_dim3A_288 = arith.constant 0.000000e+00 : f32
      %broadcast_in_dim3A_289 = vector.broadcast %broadcast_in_dim3A_288 : f32 to vector<16xf32>
      %broadcast_in_dim3A_290 = arith.constant 0.000000e+00 : f32
      %broadcast_in_dim3A_291 = vector.broadcast %broadcast_in_dim3A_290 : f32 to vector<16xf32>
      %scan3A_292 = arith.constant 0 : i32
      %scan3A_293 = arith.constant 25 : i32
      %scan3A_294 = arith.addi %scan3A_292, %scan3A_293 : i32
      %scan3A_295 = arith.constant 1 : i32
      %scan3A_296:8 = scf.for %scan3A_366 = %scan3A_292 to %scan3A_294 step %scan3A_295 iter_args(%scan3A_367 = %broadcast_in_dim3A_277, %scan3A_368 = %broadcast_in_dim3A_279, %scan3A_369 = %broadcast_in_dim3A_281, %scan3A_370 = %broadcast_in_dim3A_283, %scan3A_371 = %broadcast_in_dim3A_285, %scan3A_372 = %broadcast_in_dim3A_287, %scan3A_373 = %broadcast_in_dim3A_289, %scan3A_374 = %broadcast_in_dim3A_291) -> (vector<16xf32>, vector<16xf32>, vector<16xf32>, vector<16xf32>, vector<16xf32>, vector<16xf32>, vector<16xf32>, vector<16xf32>)  : i32 {
        %mul3A_375 = arith.constant 8 : i32
        %mul3A_376 = arith.muli %scan3A_366, %mul3A_375 : i32
        %add3A_377 = arith.constant 200 : i32
        %add3A_378 = arith.addi %add3A_377, %mul3A_376 : i32
        %add3A_379 = arith.constant 0 : i32
        %add3A_380 = arith.addi %add3A_378, %add3A_379 : i32
        %get3A = arith.index_cast %add3A_380 : i32 to index
        %get3A_381 = arith.constant 0 : index
        %get3A_382 = tpu.vector_load %arg7[%get3A, %get3A_381] {strides = array<i32>} : memref<400x128xf32, #tpu.memory_space<vmem>>, vector<1x16xf32>,
        %get3A_383 = vector.shape_cast %get3A_382 : vector<1x16xf32> to vector<16xf32>
        %add3A_384 = arith.addf %scan3A_367, %get3A_383 : vector<16xf32>
        %add3A_385 = arith.constant 1 : i32
        %add3A_386 = arith.addi %add3A_378, %add3A_385 : i32
        %get3A_387 = arith.index_cast %add3A_386 : i32 to index
        %get3A_388 = arith.constant 0 : index
        %get3A_389 = tpu.vector_load %arg7[%get3A_387, %get3A_388] {strides = array<i32>} : memref<400x128xf32, #tpu.memory_space<vmem>>, vector<1x16xf32>,
        %get3A_390 = vector.shape_cast %get3A_389 : vector<1x16xf32> to vector<16xf32>
        %add3A_391 = arith.addf %add3A_384, %get3A_390 : vector<16xf32>
        %add3A_392 = arith.constant 2 : i32
        %add3A_393 = arith.addi %add3A_378, %add3A_392 : i32
        %get3A_394 = arith.index_cast %add3A_393 : i32 to index
        %get3A_395 = arith.constant 0 : index
        %get3A_396 = tpu.vector_load %arg7[%get3A_394, %get3A_395] {strides = array<i32>} : memref<400x128xf32, #tpu.memory_space<vmem>>, vector<1x16xf32>,
        %get3A_397 = vector.shape_cast %get3A_396 : vector<1x16xf32> to vector<16xf32>
        %add3A_398 = arith.addf %add3A_391, %get3A_397 : vector<16xf32>
        %add3A_399 = arith.constant 3 : i32
        %add3A_400 = arith.addi %add3A_378, %add3A_399 : i32
        %get3A_401 = arith.index_cast %add3A_400 : i32 to index
        %get3A_402 = arith.constant 0 : index
        %get3A_403 = tpu.vector_load %arg7[%get3A_401, %get3A_402] {strides = array<i32>} : memref<400x128xf32, #tpu.memory_space<vmem>>, vector<1x16xf32>,
        %get3A_404 = vector.shape_cast %get3A_403 : vector<1x16xf32> to vector<16xf32>
        %add3A_405 = arith.addf %add3A_398, %get3A_404 : vector<16xf32>
        %add3A_406 = arith.constant 4 : i32
        %add3A_407 = arith.addi %add3A_378, %add3A_406 : i32
        %get3A_408 = arith.index_cast %add3A_407 : i32 to index
        %get3A_409 = arith.constant 0 : index
        %get3A_410 = tpu.vector_load %arg7[%get3A_408, %get3A_409] {strides = array<i32>} : memref<400x128xf32, #tpu.memory_space<vmem>>, vector<1x16xf32>,
        %get3A_411 = vector.shape_cast %get3A_410 : vector<1x16xf32> to vector<16xf32>
        %add3A_412 = arith.addf %add3A_405, %get3A_411 : vector<16xf32>
        %add3A_413 = arith.constant 5 : i32
        %add3A_414 = arith.addi %add3A_378, %add3A_413 : i32
        %get3A_415 = arith.index_cast %add3A_414 : i32 to index
        %get3A_416 = arith.constant 0 : index
        %get3A_417 = tpu.vector_load %arg7[%get3A_415, %get3A_416] {strides = array<i32>} : memref<400x128xf32, #tpu.memory_space<vmem>>, vector<1x16xf32>,
        %get3A_418 = vector.shape_cast %get3A_417 : vector<1x16xf32> to vector<16xf32>
        %add3A_419 = arith.addf %add3A_412, %get3A_418 : vector<16xf32>
        %add3A_420 = arith.constant 6 : i32
        %add3A_421 = arith.addi %add3A_378, %add3A_420 : i32
        %get3A_422 = arith.index_cast %add3A_421 : i32 to index
        %get3A_423 = arith.constant 0 : index
        %get3A_424 = tpu.vector_load %arg7[%get3A_422, %get3A_423] {strides = array<i32>} : memref<400x128xf32, #tpu.memory_space<vmem>>, vector<1x16xf32>,
        %get3A_425 = vector.shape_cast %get3A_424 : vector<1x16xf32> to vector<16xf32>
        %add3A_426 = arith.addf %add3A_419, %get3A_425 : vector<16xf32>
        %add3A_427 = arith.constant 7 : i32
        %add3A_428 = arith.addi %add3A_378, %add3A_427 : i32
        %get3A_429 = arith.index_cast %add3A_428 : i32 to index
        %get3A_430 = arith.constant 0 : index
        %get3A_431 = tpu.vector_load %arg7[%get3A_429, %get3A_430] {strides = array<i32>} : memref<400x128xf32, #tpu.memory_space<vmem>>, vector<1x16xf32>,
        %get3A_432 = vector.shape_cast %get3A_431 : vector<1x16xf32> to vector<16xf32>
        %add3A_433 = arith.addf %add3A_426, %get3A_432 : vector<16xf32>
        %add3A_434 = arith.constant 0 : i32
        %add3A_435 = arith.addi %add3A_378, %add3A_434 : i32
        %get3A_436 = arith.index_cast %add3A_435 : i32 to index
        %get3A_437 = arith.constant 16 : index
        %get3A_438 = tpu.vector_load %arg7[%get3A_436, %get3A_437] {strides = array<i32>} : memref<400x128xf32, #tpu.memory_space<vmem>>, vector<1x16xf32>,
        %get3A_439 = vector.shape_cast %get3A_438 : vector<1x16xf32> to vector<16xf32>
        %add3A_440 = arith.addf %scan3A_368, %get3A_439 : vector<16xf32>
        %add3A_441 = arith.constant 1 : i32
        %add3A_442 = arith.addi %add3A_378, %add3A_441 : i32
        %get3A_443 = arith.index_cast %add3A_442 : i32 to index
        %get3A_444 = arith.constant 16 : index
        %get3A_445 = tpu.vector_load %arg7[%get3A_443, %get3A_444] {strides = array<i32>} : memref<400x128xf32, #tpu.memory_space<vmem>>, vector<1x16xf32>,
        %get3A_446 = vector.shape_cast %get3A_445 : vector<1x16xf32> to vector<16xf32>
        %add3A_447 = arith.addf %add3A_440, %get3A_446 : vector<16xf32>
        %add3A_448 = arith.constant 2 : i32
        %add3A_449 = arith.addi %add3A_378, %add3A_448 : i32
        %get3A_450 = arith.index_cast %add3A_449 : i32 to index
        %get3A_451 = arith.constant 16 : index
        %get3A_452 = tpu.vector_load %arg7[%get3A_450, %get3A_451] {strides = array<i32>} : memref<400x128xf32, #tpu.memory_space<vmem>>, vector<1x16xf32>,
        %get3A_453 = vector.shape_cast %get3A_452 : vector<1x16xf32> to vector<16xf32>
        %add3A_454 = arith.addf %add3A_447, %get3A_453 : vector<16xf32>
        %add3A_455 = arith.constant 3 : i32
        %add3A_456 = arith.addi %add3A_378, %add3A_455 : i32
        %get3A_457 = arith.index_cast %add3A_456 : i32 to index
        %get3A_458 = arith.constant 16 : index
        %get3A_459 = tpu.vector_load %arg7[%get3A_457, %get3A_458] {strides = array<i32>} : memref<400x128xf32, #tpu.memory_space<vmem>>, vector<1x16xf32>,
        %get3A_460 = vector.shape_cast %get3A_459 : vector<1x16xf32> to vector<16xf32>
        %add3A_461 = arith.addf %add3A_454, %get3A_460 : vector<16xf32>
        %add3A_462 = arith.constant 4 : i32
        %add3A_463 = arith.addi %add3A_378, %add3A_462 : i32
        %get3A_464 = arith.index_cast %add3A_463 : i32 to index
        %get3A_465 = arith.constant 16 : index
        %get3A_466 = tpu.vector_load %arg7[%get3A_464, %get3A_465] {strides = array<i32>} : memref<400x128xf32, #tpu.memory_space<vmem>>, vector<1x16xf32>,
        %get3A_467 = vector.shape_cast %get3A_466 : vector<1x16xf32> to vector<16xf32>
        %add3A_468 = arith.addf %add3A_461, %get3A_467 : vector<16xf32>
        %add3A_469 = arith.constant 5 : i32
        %add3A_470 = arith.addi %add3A_378, %add3A_469 : i32
        %get3A_471 = arith.index_cast %add3A_470 : i32 to index
        %get3A_472 = arith.constant 16 : index
        %get3A_473 = tpu.vector_load %arg7[%get3A_471, %get3A_472] {strides = array<i32>} : memref<400x128xf32, #tpu.memory_space<vmem>>, vector<1x16xf32>,
        %get3A_474 = vector.shape_cast %get3A_473 : vector<1x16xf32> to vector<16xf32>
        %add3A_475 = arith.addf %add3A_468, %get3A_474 : vector<16xf32>
        %add3A_476 = arith.constant 6 : i32
        %add3A_477 = arith.addi %add3A_378, %add3A_476 : i32
        %get3A_478 = arith.index_cast %add3A_477 : i32 to index
        %get3A_479 = arith.constant 16 : index
        %get3A_480 = tpu.vector_load %arg7[%get3A_478, %get3A_479] {strides = array<i32>} : memref<400x128xf32, #tpu.memory_space<vmem>>, vector<1x16xf32>,
        %get3A_481 = vector.shape_cast %get3A_480 : vector<1x16xf32> to vector<16xf32>
        %add3A_482 = arith.addf %add3A_475, %get3A_481 : vector<16xf32>
        %add3A_483 = arith.constant 7 : i32
        %add3A_484 = arith.addi %add3A_378, %add3A_483 : i32
        %get3A_485 = arith.index_cast %add3A_484 : i32 to index
        %get3A_486 = arith.constant 16 : index
        %get3A_487 = tpu.vector_load %arg7[%get3A_485, %get3A_486] {strides = array<i32>} : memref<400x128xf32, #tpu.memory_space<vmem>>, vector<1x16xf32>,
        %get3A_488 = vector.shape_cast %get3A_487 : vector<1x16xf32> to vector<16xf32>
        %add3A_489 = arith.addf %add3A_482, %get3A_488 : vector<16xf32>
        %add3A_490 = arith.constant 0 : i32
        %add3A_491 = arith.addi %add3A_378, %add3A_490 : i32
        %get3A_492 = arith.index_cast %add3A_491 : i32 to index
        %get3A_493 = arith.constant 32 : index
        %get3A_494 = tpu.vector_load %arg7[%get3A_492, %get3A_493] {strides = array<i32>} : memref<400x128xf32, #tpu.memory_space<vmem>>, vector<1x16xf32>,
        %get3A_495 = vector.shape_cast %get3A_494 : vector<1x16xf32> to vector<16xf32>
        %add3A_496 = arith.addf %scan3A_369, %get3A_495 : vector<16xf32>
        %add3A_497 = arith.constant 1 : i32
        %add3A_498 = arith.addi %add3A_378, %add3A_497 : i32
        %get3A_499 = arith.index_cast %add3A_498 : i32 to index
        %get3A_500 = arith.constant 32 : index
        %get3A_501 = tpu.vector_load %arg7[%get3A_499, %get3A_500] {strides = array<i32>} : memref<400x128xf32, #tpu.memory_space<vmem>>, vector<1x16xf32>,
        %get3A_502 = vector.shape_cast %get3A_501 : vector<1x16xf32> to vector<16xf32>
        %add3A_503 = arith.addf %add3A_496, %get3A_502 : vector<16xf32>
        %add3A_504 = arith.constant 2 : i32
        %add3A_505 = arith.addi %add3A_378, %add3A_504 : i32
        %get3A_506 = arith.index_cast %add3A_505 : i32 to index
        %get3A_507 = arith.constant 32 : index
        %get3A_508 = tpu.vector_load %arg7[%get3A_506, %get3A_507] {strides = array<i32>} : memref<400x128xf32, #tpu.memory_space<vmem>>, vector<1x16xf32>,
        %get3A_509 = vector.shape_cast %get3A_508 : vector<1x16xf32> to vector<16xf32>
        %add3A_510 = arith.addf %add3A_503, %get3A_509 : vector<16xf32>
        %add3A_511 = arith.constant 3 : i32
        %add3A_512 = arith.addi %add3A_378, %add3A_511 : i32
        %get3A_513 = arith.index_cast %add3A_512 : i32 to index
        %get3A_514 = arith.constant 32 : index
        %get3A_515 = tpu.vector_load %arg7[%get3A_513, %get3A_514] {strides = array<i32>} : memref<400x128xf32, #tpu.memory_space<vmem>>, vector<1x16xf32>,
        %get3A_516 = vector.shape_cast %get3A_515 : vector<1x16xf32> to vector<16xf32>
        %add3A_517 = arith.addf %add3A_510, %get3A_516 : vector<16xf32>
        %add3A_518 = arith.constant 4 : i32
        %add3A_519 = arith.addi %add3A_378, %add3A_518 : i32
        %get3A_520 = arith.index_cast %add3A_519 : i32 to index
        %get3A_521 = arith.constant 32 : index
        %get3A_522 = tpu.vector_load %arg7[%get3A_520, %get3A_521] {strides = array<i32>} : memref<400x128xf32, #tpu.memory_space<vmem>>, vector<1x16xf32>,
        %get3A_523 = vector.shape_cast %get3A_522 : vector<1x16xf32> to vector<16xf32>
        %add3A_524 = arith.addf %add3A_517, %get3A_523 : vector<16xf32>
        %add3A_525 = arith.constant 5 : i32
        %add3A_526 = arith.addi %add3A_378, %add3A_525 : i32
        %get3A_527 = arith.index_cast %add3A_526 : i32 to index
        %get3A_528 = arith.constant 32 : index
        %get3A_529 = tpu.vector_load %arg7[%get3A_527, %get3A_528] {strides = array<i32>} : memref<400x128xf32, #tpu.memory_space<vmem>>, vector<1x16xf32>,
        %get3A_530 = vector.shape_cast %get3A_529 : vector<1x16xf32> to vector<16xf32>
        %add3A_531 = arith.addf %add3A_524, %get3A_530 : vector<16xf32>
        %add3A_532 = arith.constant 6 : i32
        %add3A_533 = arith.addi %add3A_378, %add3A_532 : i32
        %get3A_534 = arith.index_cast %add3A_533 : i32 to index
        %get3A_535 = arith.constant 32 : index
        %get3A_536 = tpu.vector_load %arg7[%get3A_534, %get3A_535] {strides = array<i32>} : memref<400x128xf32, #tpu.memory_space<vmem>>, vector<1x16xf32>,
        %get3A_537 = vector.shape_cast %get3A_536 : vector<1x16xf32> to vector<16xf32>
        %add3A_538 = arith.addf %add3A_531, %get3A_537 : vector<16xf32>
        %add3A_539 = arith.constant 7 : i32
        %add3A_540 = arith.addi %add3A_378, %add3A_539 : i32
        %get3A_541 = arith.index_cast %add3A_540 : i32 to index
        %get3A_542 = arith.constant 32 : index
        %get3A_543 = tpu.vector_load %arg7[%get3A_541, %get3A_542] {strides = array<i32>} : memref<400x128xf32, #tpu.memory_space<vmem>>, vector<1x16xf32>,
        %get3A_544 = vector.shape_cast %get3A_543 : vector<1x16xf32> to vector<16xf32>
        %add3A_545 = arith.addf %add3A_538, %get3A_544 : vector<16xf32>
        %add3A_546 = arith.constant 0 : i32
        %add3A_547 = arith.addi %add3A_378, %add3A_546 : i32
        %get3A_548 = arith.index_cast %add3A_547 : i32 to index
        %get3A_549 = arith.constant 48 : index
        %get3A_550 = tpu.vector_load %arg7[%get3A_548, %get3A_549] {strides = array<i32>} : memref<400x128xf32, #tpu.memory_space<vmem>>, vector<1x16xf32>,
        %get3A_551 = vector.shape_cast %get3A_550 : vector<1x16xf32> to vector<16xf32>
        %add3A_552 = arith.addf %scan3A_370, %get3A_551 : vector<16xf32>
        %add3A_553 = arith.constant 1 : i32
        %add3A_554 = arith.addi %add3A_378, %add3A_553 : i32
        %get3A_555 = arith.index_cast %add3A_554 : i32 to index
        %get3A_556 = arith.constant 48 : index
        %get3A_557 = tpu.vector_load %arg7[%get3A_555, %get3A_556] {strides = array<i32>} : memref<400x128xf32, #tpu.memory_space<vmem>>, vector<1x16xf32>,
        %get3A_558 = vector.shape_cast %get3A_557 : vector<1x16xf32> to vector<16xf32>
        %add3A_559 = arith.addf %add3A_552, %get3A_558 : vector<16xf32>
        %add3A_560 = arith.constant 2 : i32
        %add3A_561 = arith.addi %add3A_378, %add3A_560 : i32
        %get3A_562 = arith.index_cast %add3A_561 : i32 to index
        %get3A_563 = arith.constant 48 : index
        %get3A_564 = tpu.vector_load %arg7[%get3A_562, %get3A_563] {strides = array<i32>} : memref<400x128xf32, #tpu.memory_space<vmem>>, vector<1x16xf32>,
        %get3A_565 = vector.shape_cast %get3A_564 : vector<1x16xf32> to vector<16xf32>
        %add3A_566 = arith.addf %add3A_559, %get3A_565 : vector<16xf32>
        %add3A_567 = arith.constant 3 : i32
        %add3A_568 = arith.addi %add3A_378, %add3A_567 : i32
        %get3A_569 = arith.index_cast %add3A_568 : i32 to index
        %get3A_570 = arith.constant 48 : index
        %get3A_571 = tpu.vector_load %arg7[%get3A_569, %get3A_570] {strides = array<i32>} : memref<400x128xf32, #tpu.memory_space<vmem>>, vector<1x16xf32>,
        %get3A_572 = vector.shape_cast %get3A_571 : vector<1x16xf32> to vector<16xf32>
        %add3A_573 = arith.addf %add3A_566, %get3A_572 : vector<16xf32>
        %add3A_574 = arith.constant 4 : i32
        %add3A_575 = arith.addi %add3A_378, %add3A_574 : i32
        %get3A_576 = arith.index_cast %add3A_575 : i32 to index
        %get3A_577 = arith.constant 48 : index
        %get3A_578 = tpu.vector_load %arg7[%get3A_576, %get3A_577] {strides = array<i32>} : memref<400x128xf32, #tpu.memory_space<vmem>>, vector<1x16xf32>,
        %get3A_579 = vector.shape_cast %get3A_578 : vector<1x16xf32> to vector<16xf32>
        %add3A_580 = arith.addf %add3A_573, %get3A_579 : vector<16xf32>
        %add3A_581 = arith.constant 5 : i32
        %add3A_582 = arith.addi %add3A_378, %add3A_581 : i32
        %get3A_583 = arith.index_cast %add3A_582 : i32 to index
        %get3A_584 = arith.constant 48 : index
        %get3A_585 = tpu.vector_load %arg7[%get3A_583, %get3A_584] {strides = array<i32>} : memref<400x128xf32, #tpu.memory_space<vmem>>, vector<1x16xf32>,
        %get3A_586 = vector.shape_cast %get3A_585 : vector<1x16xf32> to vector<16xf32>
        %add3A_587 = arith.addf %add3A_580, %get3A_586 : vector<16xf32>
        %add3A_588 = arith.constant 6 : i32
        %add3A_589 = arith.addi %add3A_378, %add3A_588 : i32
        %get3A_590 = arith.index_cast %add3A_589 : i32 to index
        %get3A_591 = arith.constant 48 : index
        %get3A_592 = tpu.vector_load %arg7[%get3A_590, %get3A_591] {strides = array<i32>} : memref<400x128xf32, #tpu.memory_space<vmem>>, vector<1x16xf32>,
        %get3A_593 = vector.shape_cast %get3A_592 : vector<1x16xf32> to vector<16xf32>
        %add3A_594 = arith.addf %add3A_587, %get3A_593 : vector<16xf32>
        %add3A_595 = arith.constant 7 : i32
        %add3A_596 = arith.addi %add3A_378, %add3A_595 : i32
        %get3A_597 = arith.index_cast %add3A_596 : i32 to index
        %get3A_598 = arith.constant 48 : index
        %get3A_599 = tpu.vector_load %arg7[%get3A_597, %get3A_598] {strides = array<i32>} : memref<400x128xf32, #tpu.memory_space<vmem>>, vector<1x16xf32>,
        %get3A_600 = vector.shape_cast %get3A_599 : vector<1x16xf32> to vector<16xf32>
        %add3A_601 = arith.addf %add3A_594, %get3A_600 : vector<16xf32>
        %add3A_602 = arith.constant 0 : i32
        %add3A_603 = arith.addi %add3A_378, %add3A_602 : i32
        %get3A_604 = arith.index_cast %add3A_603 : i32 to index
        %get3A_605 = arith.constant 64 : index
        %get3A_606 = tpu.vector_load %arg7[%get3A_604, %get3A_605] {strides = array<i32>} : memref<400x128xf32, #tpu.memory_space<vmem>>, vector<1x16xf32>,
        %get3A_607 = vector.shape_cast %get3A_606 : vector<1x16xf32> to vector<16xf32>
        %add3A_608 = arith.addf %scan3A_371, %get3A_607 : vector<16xf32>
        %add3A_609 = arith.constant 1 : i32
        %add3A_610 = arith.addi %add3A_378, %add3A_609 : i32
        %get3A_611 = arith.index_cast %add3A_610 : i32 to index
        %get3A_612 = arith.constant 64 : index
        %get3A_613 = tpu.vector_load %arg7[%get3A_611, %get3A_612] {strides = array<i32>} : memref<400x128xf32, #tpu.memory_space<vmem>>, vector<1x16xf32>,
        %get3A_614 = vector.shape_cast %get3A_613 : vector<1x16xf32> to vector<16xf32>
        %add3A_615 = arith.addf %add3A_608, %get3A_614 : vector<16xf32>
        %add3A_616 = arith.constant 2 : i32
        %add3A_617 = arith.addi %add3A_378, %add3A_616 : i32
        %get3A_618 = arith.index_cast %add3A_617 : i32 to index
        %get3A_619 = arith.constant 64 : index
        %get3A_620 = tpu.vector_load %arg7[%get3A_618, %get3A_619] {strides = array<i32>} : memref<400x128xf32, #tpu.memory_space<vmem>>, vector<1x16xf32>,
        %get3A_621 = vector.shape_cast %get3A_620 : vector<1x16xf32> to vector<16xf32>
        %add3A_622 = arith.addf %add3A_615, %get3A_621 : vector<16xf32>
        %add3A_623 = arith.constant 3 : i32
        %add3A_624 = arith.addi %add3A_378, %add3A_623 : i32
        %get3A_625 = arith.index_cast %add3A_624 : i32 to index
        %get3A_626 = arith.constant 64 : index
        %get3A_627 = tpu.vector_load %arg7[%get3A_625, %get3A_626] {strides = array<i32>} : memref<400x128xf32, #tpu.memory_space<vmem>>, vector<1x16xf32>,
        %get3A_628 = vector.shape_cast %get3A_627 : vector<1x16xf32> to vector<16xf32>
        %add3A_629 = arith.addf %add3A_622, %get3A_628 : vector<16xf32>
        %add3A_630 = arith.constant 4 : i32
        %add3A_631 = arith.addi %add3A_378, %add3A_630 : i32
        %get3A_632 = arith.index_cast %add3A_631 : i32 to index
        %get3A_633 = arith.constant 64 : index
        %get3A_634 = tpu.vector_load %arg7[%get3A_632, %get3A_633] {strides = array<i32>} : memref<400x128xf32, #tpu.memory_space<vmem>>, vector<1x16xf32>,
        %get3A_635 = vector.shape_cast %get3A_634 : vector<1x16xf32> to vector<16xf32>
        %add3A_636 = arith.addf %add3A_629, %get3A_635 : vector<16xf32>
        %add3A_637 = arith.constant 5 : i32
        %add3A_638 = arith.addi %add3A_378, %add3A_637 : i32
        %get3A_639 = arith.index_cast %add3A_638 : i32 to index
        %get3A_640 = arith.constant 64 : index
        %get3A_641 = tpu.vector_load %arg7[%get3A_639, %get3A_640] {strides = array<i32>} : memref<400x128xf32, #tpu.memory_space<vmem>>, vector<1x16xf32>,
        %get3A_642 = vector.shape_cast %get3A_641 : vector<1x16xf32> to vector<16xf32>
        %add3A_643 = arith.addf %add3A_636, %get3A_642 : vector<16xf32>
        %add3A_644 = arith.constant 6 : i32
        %add3A_645 = arith.addi %add3A_378, %add3A_644 : i32
        %get3A_646 = arith.index_cast %add3A_645 : i32 to index
        %get3A_647 = arith.constant 64 : index
        %get3A_648 = tpu.vector_load %arg7[%get3A_646, %get3A_647] {strides = array<i32>} : memref<400x128xf32, #tpu.memory_space<vmem>>, vector<1x16xf32>,
        %get3A_649 = vector.shape_cast %get3A_648 : vector<1x16xf32> to vector<16xf32>
        %add3A_650 = arith.addf %add3A_643, %get3A_649 : vector<16xf32>
        %add3A_651 = arith.constant 7 : i32
        %add3A_652 = arith.addi %add3A_378, %add3A_651 : i32
        %get3A_653 = arith.index_cast %add3A_652 : i32 to index
        %get3A_654 = arith.constant 64 : index
        %get3A_655 = tpu.vector_load %arg7[%get3A_653, %get3A_654] {strides = array<i32>} : memref<400x128xf32, #tpu.memory_space<vmem>>, vector<1x16xf32>,
        %get3A_656 = vector.shape_cast %get3A_655 : vector<1x16xf32> to vector<16xf32>
        %add3A_657 = arith.addf %add3A_650, %get3A_656 : vector<16xf32>
        %add3A_658 = arith.constant 0 : i32
        %add3A_659 = arith.addi %add3A_378, %add3A_658 : i32
        %get3A_660 = arith.index_cast %add3A_659 : i32 to index
        %get3A_661 = arith.constant 80 : index
        %get3A_662 = tpu.vector_load %arg7[%get3A_660, %get3A_661] {strides = array<i32>} : memref<400x128xf32, #tpu.memory_space<vmem>>, vector<1x16xf32>,
        %get3A_663 = vector.shape_cast %get3A_662 : vector<1x16xf32> to vector<16xf32>
        %add3A_664 = arith.addf %scan3A_372, %get3A_663 : vector<16xf32>
        %add3A_665 = arith.constant 1 : i32
        %add3A_666 = arith.addi %add3A_378, %add3A_665 : i32
        %get3A_667 = arith.index_cast %add3A_666 : i32 to index
        %get3A_668 = arith.constant 80 : index
        %get3A_669 = tpu.vector_load %arg7[%get3A_667, %get3A_668] {strides = array<i32>} : memref<400x128xf32, #tpu.memory_space<vmem>>, vector<1x16xf32>,
        %get3A_670 = vector.shape_cast %get3A_669 : vector<1x16xf32> to vector<16xf32>
        %add3A_671 = arith.addf %add3A_664, %get3A_670 : vector<16xf32>
        %add3A_672 = arith.constant 2 : i32
        %add3A_673 = arith.addi %add3A_378, %add3A_672 : i32
        %get3A_674 = arith.index_cast %add3A_673 : i32 to index
        %get3A_675 = arith.constant 80 : index
        %get3A_676 = tpu.vector_load %arg7[%get3A_674, %get3A_675] {strides = array<i32>} : memref<400x128xf32, #tpu.memory_space<vmem>>, vector<1x16xf32>,
        %get3A_677 = vector.shape_cast %get3A_676 : vector<1x16xf32> to vector<16xf32>
        %add3A_678 = arith.addf %add3A_671, %get3A_677 : vector<16xf32>
        %add3A_679 = arith.constant 3 : i32
        %add3A_680 = arith.addi %add3A_378, %add3A_679 : i32
        %get3A_681 = arith.index_cast %add3A_680 : i32 to index
        %get3A_682 = arith.constant 80 : index
        %get3A_683 = tpu.vector_load %arg7[%get3A_681, %get3A_682] {strides = array<i32>} : memref<400x128xf32, #tpu.memory_space<vmem>>, vector<1x16xf32>,
        %get3A_684 = vector.shape_cast %get3A_683 : vector<1x16xf32> to vector<16xf32>
        %add3A_685 = arith.addf %add3A_678, %get3A_684 : vector<16xf32>
        %add3A_686 = arith.constant 4 : i32
        %add3A_687 = arith.addi %add3A_378, %add3A_686 : i32
        %get3A_688 = arith.index_cast %add3A_687 : i32 to index
        %get3A_689 = arith.constant 80 : index
        %get3A_690 = tpu.vector_load %arg7[%get3A_688, %get3A_689] {strides = array<i32>} : memref<400x128xf32, #tpu.memory_space<vmem>>, vector<1x16xf32>,
        %get3A_691 = vector.shape_cast %get3A_690 : vector<1x16xf32> to vector<16xf32>
        %add3A_692 = arith.addf %add3A_685, %get3A_691 : vector<16xf32>
        %add3A_693 = arith.constant 5 : i32
        %add3A_694 = arith.addi %add3A_378, %add3A_693 : i32
        %get3A_695 = arith.index_cast %add3A_694 : i32 to index
        %get3A_696 = arith.constant 80 : index
        %get3A_697 = tpu.vector_load %arg7[%get3A_695, %get3A_696] {strides = array<i32>} : memref<400x128xf32, #tpu.memory_space<vmem>>, vector<1x16xf32>,
        %get3A_698 = vector.shape_cast %get3A_697 : vector<1x16xf32> to vector<16xf32>
        %add3A_699 = arith.addf %add3A_692, %get3A_698 : vector<16xf32>
        %add3A_700 = arith.constant 6 : i32
        %add3A_701 = arith.addi %add3A_378, %add3A_700 : i32
        %get3A_702 = arith.index_cast %add3A_701 : i32 to index
        %get3A_703 = arith.constant 80 : index
        %get3A_704 = tpu.vector_load %arg7[%get3A_702, %get3A_703] {strides = array<i32>} : memref<400x128xf32, #tpu.memory_space<vmem>>, vector<1x16xf32>,
        %get3A_705 = vector.shape_cast %get3A_704 : vector<1x16xf32> to vector<16xf32>
        %add3A_706 = arith.addf %add3A_699, %get3A_705 : vector<16xf32>
        %add3A_707 = arith.constant 7 : i32
        %add3A_708 = arith.addi %add3A_378, %add3A_707 : i32
        %get3A_709 = arith.index_cast %add3A_708 : i32 to index
        %get3A_710 = arith.constant 80 : index
        %get3A_711 = tpu.vector_load %arg7[%get3A_709, %get3A_710] {strides = array<i32>} : memref<400x128xf32, #tpu.memory_space<vmem>>, vector<1x16xf32>,
        %get3A_712 = vector.shape_cast %get3A_711 : vector<1x16xf32> to vector<16xf32>
        %add3A_713 = arith.addf %add3A_706, %get3A_712 : vector<16xf32>
        %add3A_714 = arith.constant 0 : i32
        %add3A_715 = arith.addi %add3A_378, %add3A_714 : i32
        %get3A_716 = arith.index_cast %add3A_715 : i32 to index
        %get3A_717 = arith.constant 96 : index
        %get3A_718 = tpu.vector_load %arg7[%get3A_716, %get3A_717] {strides = array<i32>} : memref<400x128xf32, #tpu.memory_space<vmem>>, vector<1x16xf32>,
        %get3A_719 = vector.shape_cast %get3A_718 : vector<1x16xf32> to vector<16xf32>
        %add3A_720 = arith.addf %scan3A_373, %get3A_719 : vector<16xf32>
        %add3A_721 = arith.constant 1 : i32
        %add3A_722 = arith.addi %add3A_378, %add3A_721 : i32
        %get3A_723 = arith.index_cast %add3A_722 : i32 to index
        %get3A_724 = arith.constant 96 : index
        %get3A_725 = tpu.vector_load %arg7[%get3A_723, %get3A_724] {strides = array<i32>} : memref<400x128xf32, #tpu.memory_space<vmem>>, vector<1x16xf32>,
        %get3A_726 = vector.shape_cast %get3A_725 : vector<1x16xf32> to vector<16xf32>
        %add3A_727 = arith.addf %add3A_720, %get3A_726 : vector<16xf32>
        %add3A_728 = arith.constant 2 : i32
        %add3A_729 = arith.addi %add3A_378, %add3A_728 : i32
        %get3A_730 = arith.index_cast %add3A_729 : i32 to index
        %get3A_731 = arith.constant 96 : index
        %get3A_732 = tpu.vector_load %arg7[%get3A_730, %get3A_731] {strides = array<i32>} : memref<400x128xf32, #tpu.memory_space<vmem>>, vector<1x16xf32>,
        %get3A_733 = vector.shape_cast %get3A_732 : vector<1x16xf32> to vector<16xf32>
        %add3A_734 = arith.addf %add3A_727, %get3A_733 : vector<16xf32>
        %add3A_735 = arith.constant 3 : i32
        %add3A_736 = arith.addi %add3A_378, %add3A_735 : i32
        %get3A_737 = arith.index_cast %add3A_736 : i32 to index
        %get3A_738 = arith.constant 96 : index
        %get3A_739 = tpu.vector_load %arg7[%get3A_737, %get3A_738] {strides = array<i32>} : memref<400x128xf32, #tpu.memory_space<vmem>>, vector<1x16xf32>,
        %get3A_740 = vector.shape_cast %get3A_739 : vector<1x16xf32> to vector<16xf32>
        %add3A_741 = arith.addf %add3A_734, %get3A_740 : vector<16xf32>
        %add3A_742 = arith.constant 4 : i32
        %add3A_743 = arith.addi %add3A_378, %add3A_742 : i32
        %get3A_744 = arith.index_cast %add3A_743 : i32 to index
        %get3A_745 = arith.constant 96 : index
        %get3A_746 = tpu.vector_load %arg7[%get3A_744, %get3A_745] {strides = array<i32>} : memref<400x128xf32, #tpu.memory_space<vmem>>, vector<1x16xf32>,
        %get3A_747 = vector.shape_cast %get3A_746 : vector<1x16xf32> to vector<16xf32>
        %add3A_748 = arith.addf %add3A_741, %get3A_747 : vector<16xf32>
        %add3A_749 = arith.constant 5 : i32
        %add3A_750 = arith.addi %add3A_378, %add3A_749 : i32
        %get3A_751 = arith.index_cast %add3A_750 : i32 to index
        %get3A_752 = arith.constant 96 : index
        %get3A_753 = tpu.vector_load %arg7[%get3A_751, %get3A_752] {strides = array<i32>} : memref<400x128xf32, #tpu.memory_space<vmem>>, vector<1x16xf32>,
        %get3A_754 = vector.shape_cast %get3A_753 : vector<1x16xf32> to vector<16xf32>
        %add3A_755 = arith.addf %add3A_748, %get3A_754 : vector<16xf32>
        %add3A_756 = arith.constant 6 : i32
        %add3A_757 = arith.addi %add3A_378, %add3A_756 : i32
        %get3A_758 = arith.index_cast %add3A_757 : i32 to index
        %get3A_759 = arith.constant 96 : index
        %get3A_760 = tpu.vector_load %arg7[%get3A_758, %get3A_759] {strides = array<i32>} : memref<400x128xf32, #tpu.memory_space<vmem>>, vector<1x16xf32>,
        %get3A_761 = vector.shape_cast %get3A_760 : vector<1x16xf32> to vector<16xf32>
        %add3A_762 = arith.addf %add3A_755, %get3A_761 : vector<16xf32>
        %add3A_763 = arith.constant 7 : i32
        %add3A_764 = arith.addi %add3A_378, %add3A_763 : i32
        %get3A_765 = arith.index_cast %add3A_764 : i32 to index
        %get3A_766 = arith.constant 96 : index
        %get3A_767 = tpu.vector_load %arg7[%get3A_765, %get3A_766] {strides = array<i32>} : memref<400x128xf32, #tpu.memory_space<vmem>>, vector<1x16xf32>,
        %get3A_768 = vector.shape_cast %get3A_767 : vector<1x16xf32> to vector<16xf32>
        %add3A_769 = arith.addf %add3A_762, %get3A_768 : vector<16xf32>
        %add3A_770 = arith.constant 0 : i32
        %add3A_771 = arith.addi %add3A_378, %add3A_770 : i32
        %get3A_772 = arith.index_cast %add3A_771 : i32 to index
        %get3A_773 = arith.constant 112 : index
        %get3A_774 = tpu.vector_load %arg7[%get3A_772, %get3A_773] {strides = array<i32>} : memref<400x128xf32, #tpu.memory_space<vmem>>, vector<1x16xf32>,
        %get3A_775 = vector.shape_cast %get3A_774 : vector<1x16xf32> to vector<16xf32>
        %add3A_776 = arith.addf %scan3A_374, %get3A_775 : vector<16xf32>
        %add3A_777 = arith.constant 1 : i32
        %add3A_778 = arith.addi %add3A_378, %add3A_777 : i32
        %get3A_779 = arith.index_cast %add3A_778 : i32 to index
        %get3A_780 = arith.constant 112 : index
        %get3A_781 = tpu.vector_load %arg7[%get3A_779, %get3A_780] {strides = array<i32>} : memref<400x128xf32, #tpu.memory_space<vmem>>, vector<1x16xf32>,
        %get3A_782 = vector.shape_cast %get3A_781 : vector<1x16xf32> to vector<16xf32>
        %add3A_783 = arith.addf %add3A_776, %get3A_782 : vector<16xf32>
        %add3A_784 = arith.constant 2 : i32
        %add3A_785 = arith.addi %add3A_378, %add3A_784 : i32
        %get3A_786 = arith.index_cast %add3A_785 : i32 to index
        %get3A_787 = arith.constant 112 : index
        %get3A_788 = tpu.vector_load %arg7[%get3A_786, %get3A_787] {strides = array<i32>} : memref<400x128xf32, #tpu.memory_space<vmem>>, vector<1x16xf32>,
        %get3A_789 = vector.shape_cast %get3A_788 : vector<1x16xf32> to vector<16xf32>
        %add3A_790 = arith.addf %add3A_783, %get3A_789 : vector<16xf32>
        %add3A_791 = arith.constant 3 : i32
        %add3A_792 = arith.addi %add3A_378, %add3A_791 : i32
        %get3A_793 = arith.index_cast %add3A_792 : i32 to index
        %get3A_794 = arith.constant 112 : index
        %get3A_795 = tpu.vector_load %arg7[%get3A_793, %get3A_794] {strides = array<i32>} : memref<400x128xf32, #tpu.memory_space<vmem>>, vector<1x16xf32>,
        %get3A_796 = vector.shape_cast %get3A_795 : vector<1x16xf32> to vector<16xf32>
        %add3A_797 = arith.addf %add3A_790, %get3A_796 : vector<16xf32>
        %add3A_798 = arith.constant 4 : i32
        %add3A_799 = arith.addi %add3A_378, %add3A_798 : i32
        %get3A_800 = arith.index_cast %add3A_799 : i32 to index
        %get3A_801 = arith.constant 112 : index
        %get3A_802 = tpu.vector_load %arg7[%get3A_800, %get3A_801] {strides = array<i32>} : memref<400x128xf32, #tpu.memory_space<vmem>>, vector<1x16xf32>,
        %get3A_803 = vector.shape_cast %get3A_802 : vector<1x16xf32> to vector<16xf32>
        %add3A_804 = arith.addf %add3A_797, %get3A_803 : vector<16xf32>
        %add3A_805 = arith.constant 5 : i32
        %add3A_806 = arith.addi %add3A_378, %add3A_805 : i32
        %get3A_807 = arith.index_cast %add3A_806 : i32 to index
        %get3A_808 = arith.constant 112 : index
        %get3A_809 = tpu.vector_load %arg7[%get3A_807, %get3A_808] {strides = array<i32>} : memref<400x128xf32, #tpu.memory_space<vmem>>, vector<1x16xf32>,
        %get3A_810 = vector.shape_cast %get3A_809 : vector<1x16xf32> to vector<16xf32>
        %add3A_811 = arith.addf %add3A_804, %get3A_810 : vector<16xf32>
        %add3A_812 = arith.constant 6 : i32
        %add3A_813 = arith.addi %add3A_378, %add3A_812 : i32
        %get3A_814 = arith.index_cast %add3A_813 : i32 to index
        %get3A_815 = arith.constant 112 : index
        %get3A_816 = tpu.vector_load %arg7[%get3A_814, %get3A_815] {strides = array<i32>} : memref<400x128xf32, #tpu.memory_space<vmem>>, vector<1x16xf32>,
        %get3A_817 = vector.shape_cast %get3A_816 : vector<1x16xf32> to vector<16xf32>
        %add3A_818 = arith.addf %add3A_811, %get3A_817 : vector<16xf32>
        %add3A_819 = arith.constant 7 : i32
        %add3A_820 = arith.addi %add3A_378, %add3A_819 : i32
        %get3A_821 = arith.index_cast %add3A_820 : i32 to index
        %get3A_822 = arith.constant 112 : index
        %get3A_823 = tpu.vector_load %arg7[%get3A_821, %get3A_822] {strides = array<i32>} : memref<400x128xf32, #tpu.memory_space<vmem>>, vector<1x16xf32>,
        %get3A_824 = vector.shape_cast %get3A_823 : vector<1x16xf32> to vector<16xf32>
        %add3A_825 = arith.addf %add3A_818, %get3A_824 : vector<16xf32>
        scf.yield %add3A_433, %add3A_489, %add3A_545, %add3A_601, %add3A_657, %add3A_713, %add3A_769, %add3A_825 : vector<16xf32>, vector<16xf32>, vector<16xf32>, vector<16xf32>, vector<16xf32>, vector<16xf32>, vector<16xf32>, vector<16xf32>
      }
      %scan3A_297 = arith.constant 25 : i32
      %swap3A_298 = arith.constant 1 : i32
      %swap3A_299 = arith.index_cast %swap3A_298 : i32 to index
      %swap3A_300 = arith.constant 0 : index
      %swap3A_301 = tpu.vector_load %arg9[%swap3A_299, %swap3A_300] {strides = array<i32>} : memref<2x128xf32, #tpu.memory_space<vmem>>, vector<1x16xf32>,
      %swap3A_302 = vector.shape_cast %swap3A_301 : vector<1x16xf32> to vector<16xf32>
      %swap3A_303 = vector.shape_cast %scan3A_296#0 : vector<16xf32> to vector<1x16xf32>
      tpu.vector_store %arg9[%swap3A_299, %swap3A_300], %swap3A_303 {strides = array<i32>} : memref<2x128xf32, #tpu.memory_space<vmem>>, vector<1x16xf32>,
      %swap3A_304 = arith.constant 1 : i32
      %swap3A_305 = arith.index_cast %swap3A_304 : i32 to index
      %swap3A_306 = arith.constant 16 : index
      %swap3A_307 = tpu.vector_load %arg9[%swap3A_305, %swap3A_306] {strides = array<i32>} : memref<2x128xf32, #tpu.memory_space<vmem>>, vector<1x16xf32>,
      %swap3A_308 = vector.shape_cast %swap3A_307 : vector<1x16xf32> to vector<16xf32>
      %swap3A_309 = vector.shape_cast %scan3A_296#1 : vector<16xf32> to vector<1x16xf32>
      tpu.vector_store %arg9[%swap3A_305, %swap3A_306], %swap3A_309 {strides = array<i32>} : memref<2x128xf32, #tpu.memory_space<vmem>>, vector<1x16xf32>,
      %swap3A_310 = arith.constant 1 : i32
      %swap3A_311 = arith.index_cast %swap3A_310 : i32 to index
      %swap3A_312 = arith.constant 32 : index
      %swap3A_313 = tpu.vector_load %arg9[%swap3A_311, %swap3A_312] {strides = array<i32>} : memref<2x128xf32, #tpu.memory_space<vmem>>, vector<1x16xf32>,
      %swap3A_314 = vector.shape_cast %swap3A_313 : vector<1x16xf32> to vector<16xf32>
      %swap3A_315 = vector.shape_cast %scan3A_296#2 : vector<16xf32> to vector<1x16xf32>
      tpu.vector_store %arg9[%swap3A_311, %swap3A_312], %swap3A_315 {strides = array<i32>} : memref<2x128xf32, #tpu.memory_space<vmem>>, vector<1x16xf32>,
      %swap3A_316 = arith.constant 1 : i32
      %swap3A_317 = arith.index_cast %swap3A_316 : i32 to index
      %swap3A_318 = arith.constant 48 : index
      %swap3A_319 = tpu.vector_load %arg9[%swap3A_317, %swap3A_318] {strides = array<i32>} : memref<2x128xf32, #tpu.memory_space<vmem>>, vector<1x16xf32>,
      %swap3A_320 = vector.shape_cast %swap3A_319 : vector<1x16xf32> to vector<16xf32>
      %swap3A_321 = vector.shape_cast %scan3A_296#3 : vector<16xf32> to vector<1x16xf32>
      tpu.vector_store %arg9[%swap3A_317, %swap3A_318], %swap3A_321 {strides = array<i32>} : memref<2x128xf32, #tpu.memory_space<vmem>>, vector<1x16xf32>,
      %swap3A_322 = arith.constant 1 : i32
      %swap3A_323 = arith.index_cast %swap3A_322 : i32 to index
      %swap3A_324 = arith.constant 64 : index
      %swap3A_325 = tpu.vector_load %arg9[%swap3A_323, %swap3A_324] {strides = array<i32>} : memref<2x128xf32, #tpu.memory_space<vmem>>, vector<1x16xf32>,
      %swap3A_326 = vector.shape_cast %swap3A_325 : vector<1x16xf32> to vector<16xf32>
      %swap3A_327 = vector.shape_cast %scan3A_296#4 : vector<16xf32> to vector<1x16xf32>
      tpu.vector_store %arg9[%swap3A_323, %swap3A_324], %swap3A_327 {strides = array<i32>} : memref<2x128xf32, #tpu.memory_space<vmem>>, vector<1x16xf32>,
      %swap3A_328 = arith.constant 1 : i32
      %swap3A_329 = arith.index_cast %swap3A_328 : i32 to index
      %swap3A_330 = arith.constant 80 : index
      %swap3A_331 = tpu.vector_load %arg9[%swap3A_329, %swap3A_330] {strides = array<i32>} : memref<2x128xf32, #tpu.memory_space<vmem>>, vector<1x16xf32>,
      %swap3A_332 = vector.shape_cast %swap3A_331 : vector<1x16xf32> to vector<16xf32>
      %swap3A_333 = vector.shape_cast %scan3A_296#5 : vector<16xf32> to vector<1x16xf32>
      tpu.vector_store %arg9[%swap3A_329, %swap3A_330], %swap3A_333 {strides = array<i32>} : memref<2x128xf32, #tpu.memory_space<vmem>>, vector<1x16xf32>,
      %swap3A_334 = arith.constant 1 : i32
      %swap3A_335 = arith.index_cast %swap3A_334 : i32 to index
      %swap3A_336 = arith.constant 96 : index
      %swap3A_337 = tpu.vector_load %arg9[%swap3A_335, %swap3A_336] {strides = array<i32>} : memref<2x128xf32, #tpu.memory_space<vmem>>, vector<1x16xf32>,
      %swap3A_338 = vector.shape_cast %swap3A_337 : vector<1x16xf32> to vector<16xf32>
      %swap3A_339 = vector.shape_cast %scan3A_296#6 : vector<16xf32> to vector<1x16xf32>
      tpu.vector_store %arg9[%swap3A_335, %swap3A_336], %swap3A_339 {strides = array<i32>} : memref<2x128xf32, #tpu.memory_space<vmem>>, vector<1x16xf32>,
      %swap3A_340 = arith.constant 1 : i32
      %swap3A_341 = arith.index_cast %swap3A_340 : i32 to index
      %swap3A_342 = arith.constant 112 : index
      %swap3A_343 = tpu.vector_load %arg9[%swap3A_341, %swap3A_342] {strides = array<i32>} : memref<2x128xf32, #tpu.memory_space<vmem>>, vector<1x16xf32>,
      %swap3A_344 = vector.shape_cast %swap3A_343 : vector<1x16xf32> to vector<16xf32>
      %swap3A_345 = vector.shape_cast %scan3A_296#7 : vector<16xf32> to vector<1x16xf32>
      tpu.vector_store %arg9[%swap3A_341, %swap3A_342], %swap3A_345 {strides = array<i32>} : memref<2x128xf32, #tpu.memory_space<vmem>>, vector<1x16xf32>,
      %ge3A_346 = arith.constant 2 : i32
      %ge3A_347 = arith.cmpi sge, %add3A_199, %ge3A_346 : i32
      %convert_element_type3A_348 = arith.extui %ge3A_347 : i1 to i32
      %cond3A_349 = arith.constant 0 : i32
      %cond3A_350 = arith.cmpi ne, %convert_element_type3A_348, %cond3A_349 : i32
      scf.if %cond3A_350 {
        %sub3A = arith.constant 2 : i32
        %sub3A_366 = arith.subi %add3A_199, %sub3A : i32
        %mul3A_367 = arith.constant 2 : i32
        %mul3A_368 = arith.muli %sub3A_366, %mul3A_367 : i32
        %add3A_369 = arith.addi %mul3A_4, %mul3A_368 : i32
        %dma_wait3A_370 = arith.constant 0 : i32
        %dma_wait3A_371 = tpu.memref_slice %arg4[%add3A_369, %dma_wait3A_370] : memref<4096x128xf32, #tpu.memory_space<hbm>> -> memref<2x128xf32, #tpu.memory_space<hbm>>
        %dma_wait3A_372 = arith.constant 0 : i32
        %dma_wait3A_373 = tpu.memref_slice %arg4[%add3A_369, %dma_wait3A_372] : memref<4096x128xf32, #tpu.memory_space<hbm>> -> memref<2x128xf32, #tpu.memory_space<hbm>>
        tpu.wait_dma2 semaphore(%arg13 : memref<!tpu.dma_semaphore, #tpu.memory_space<semaphore_mem>>) src(%arg9 : memref<2x128xf32, #tpu.memory_space<vmem>>) dst(%dma_wait3A_373 : memref<2x128xf32, #tpu.memory_space<hbm>>)
      } else {
      }
      %mul3A_351 = arith.constant 2 : i32
      %mul3A_352 = arith.muli %add3A_199, %mul3A_351 : i32
      %add3A_353 = arith.addi %mul3A_4, %mul3A_352 : i32
      %dma_start3A_354 = arith.constant 0 : i32
      %dma_start3A_355 = tpu.memref_slice %arg4[%add3A_353, %dma_start3A_354] : memref<4096x128xf32, #tpu.memory_space<hbm>> -> memref<2x128xf32, #tpu.memory_space<hbm>>
      %dma_start3A_356 = arith.constant 0 : i32
      %dma_start3A_357 = tpu.memref_slice %arg4[%add3A_353, %dma_start3A_356] : memref<4096x128xf32, #tpu.memory_space<hbm>> -> memref<2x128xf32, #tpu.memory_space<hbm>>
      tpu.enqueue_dma source(%arg9 : memref<2x128xf32, #tpu.memory_space<vmem>>) target(%dma_start3A_357 : memref<2x128xf32, #tpu.memory_space<hbm>>) target_semaphore(%arg13 : memref<!tpu.dma_semaphore, #tpu.memory_space<semaphore_mem>>)
      %add3A_358 = arith.constant 2 : i32
      %add3A_359 = arith.addi %add3A_199, %add3A_358 : i32
      %lt3A_360 = arith.constant 64 : i32
      %lt3A_361 = arith.cmpi slt, %add3A_359, %lt3A_360 : i32
      %convert_element_type3A_362 = arith.extui %lt3A_361 : i1 to i32
      %cond3A_363 = arith.constant 0 : i32
      %cond3A_364 = arith.cmpi ne, %convert_element_type3A_362, %cond3A_363 : i32
      scf.if %cond3A_364 {
        %add3A_366 = arith.constant 2 : i32
        %add3A_367 = arith.addi %add3A_199, %add3A_366 : i32
        %mul3A_368 = arith.constant 400 : i32
        %mul3A_369 = arith.muli %add3A_367, %mul3A_368 : i32
        %dma_start3A_370 = tpu.memref_slice %arg5[%mul3A_369] : memref<25600xi32, #tpu.memory_space<vmem>> -> memref<400xi32, #tpu.memory_space<vmem>>
        %dma_start3A_371 = arith.constant 0 : i32
        %dma_start3A_372 = arith.constant 0 : i32
        %dma_start3A_373 = tpu.memref_slice %arg3[%dma_start3A_371, %dma_start3A_372] : memref<100000x128xf32, #tpu.memory_space<hbm>> -> memref<100000x128xf32, #tpu.memory_space<hbm>>
        tpu.enqueue_indirect_dma source(%dma_start3A_373 : memref<100000x128xf32, #tpu.memory_space<hbm>>) target(%arg7 : memref<400x128xf32, #tpu.memory_space<vmem>>) offsets(%dma_start3A_370 : memref<400xi32, #tpu.memory_space<vmem>>) semaphore(%arg11 : memref<!tpu.dma_semaphore, #tpu.memory_space<semaphore_mem>>)
      } else {
      }
      %scan3A_365 = arith.constant 0 : i32
      scf.yield %scan3A_365 : i32
    }
    %scan3A_19 = arith.constant 32 : i32
    %add3A_20 = arith.constant 124 : i32
    %add3A_21 = arith.addi %mul3A_4, %add3A_20 : i32
    %dma_wait3A = arith.constant 0 : i32
    %dma_wait3A_22 = tpu.memref_slice %arg4[%add3A_21, %dma_wait3A] : memref<4096x128xf32, #tpu.memory_space<hbm>> -> memref<2x128xf32, #tpu.memory_space<hbm>>
    %dma_wait3A_23 = arith.constant 0 : i32
    %dma_wait3A_24 = tpu.memref_slice %arg4[%add3A_21, %dma_wait3A_23] : memref<4096x128xf32, #tpu.memory_space<hbm>> -> memref<2x128xf32, #tpu.memory_space<hbm>>
    tpu.wait_dma2 semaphore(%arg12 : memref<!tpu.dma_semaphore, #tpu.memory_space<semaphore_mem>>) src(%arg8 : memref<2x128xf32, #tpu.memory_space<vmem>>) dst(%dma_wait3A_24 : memref<2x128xf32, #tpu.memory_space<hbm>>)
    %add3A_25 = arith.constant 126 : i32
    %add3A_26 = arith.addi %mul3A_4, %add3A_25 : i32
    %dma_wait3A_27 = arith.constant 0 : i32
    %dma_wait3A_28 = tpu.memref_slice %arg4[%add3A_26, %dma_wait3A_27] : memref<4096x128xf32, #tpu.memory_space<hbm>> -> memref<2x128xf32, #tpu.memory_space<hbm>>
    %dma_wait3A_29 = arith.constant 0 : i32
    %dma_wait3A_30 = tpu.memref_slice %arg4[%add3A_26, %dma_wait3A_29] : memref<4096x128xf32, #tpu.memory_space<hbm>> -> memref<2x128xf32, #tpu.memory_space<hbm>>
    tpu.wait_dma2 semaphore(%arg13 : memref<!tpu.dma_semaphore, #tpu.memory_space<semaphore_mem>>) src(%arg9 : memref<2x128xf32, #tpu.memory_space<vmem>>) dst(%dma_wait3A_30 : memref<2x128xf32, #tpu.memory_space<hbm>>)
    return
  }
}

module attributes {stable_mosaic.version = 14 : i64} {
  func.func @_tc_mlp_body(%arg0: i32, %arg1: memref<512x200xi32, #tpu.memory_space<vmem>>, %arg2: memref<512x128xf32, #tpu.memory_space<vmem>>, %arg3: memref<128x512xf32, #tpu.memory_space<vmem>>, %arg4: memref<1x512xf32, #tpu.memory_space<vmem>>, %arg5: memref<512x256xf32, #tpu.memory_space<vmem>>, %arg6: memref<1x256xf32, #tpu.memory_space<vmem>>, %arg7: memref<256x128xf32, #tpu.memory_space<vmem>>, %arg8: memref<1x128xf32, #tpu.memory_space<vmem>>, %arg9: memref<512x128xf32, #tpu.memory_space<vmem>>) attributes {dimension_semantics = [#tpu.dimension_semantics<arbitrary>], iteration_bounds = array<i64: 8>, scalar_prefetch = 0 : i64, scratch_operands = 0 : i64, tpu.core_type = #tpu.core_type<tc>, window_params = [{transform_indices = @transform_0, window_bounds = array<i64: 512, 200>}, {transform_indices = @transform_1, window_bounds = array<i64: 512, 128>}, {pipeline_mode = #tpu.pipeline_mode<synchronous>, transform_indices = @transform_2, window_bounds = array<i64: 128, 512>}, {pipeline_mode = #tpu.pipeline_mode<synchronous>, transform_indices = @transform_3, window_bounds = array<i64: 1, 512>}, {pipeline_mode = #tpu.pipeline_mode<synchronous>, transform_indices = @transform_4, window_bounds = array<i64: 512, 256>}, {pipeline_mode = #tpu.pipeline_mode<synchronous>, transform_indices = @transform_5, window_bounds = array<i64: 1, 256>}, {pipeline_mode = #tpu.pipeline_mode<synchronous>, transform_indices = @transform_6, window_bounds = array<i64: 256, 128>}, {pipeline_mode = #tpu.pipeline_mode<synchronous>, transform_indices = @transform_7, window_bounds = array<i64: 1, 128>}, {transform_indices = @transform_8, window_bounds = array<i64: 512, 128>}]} {
    %get3A = arith.constant 0 : index
    %get3A_0 = arith.constant 0 : index
    %get3A_1 = vector.load %arg1[%get3A, %get3A_0] : memref<512x200xi32, #tpu.memory_space<vmem>>, vector<512x200xi32>
    %ne3A = arith.constant 0 : i32
    %ne3A_2 = vector.broadcast %ne3A : i32 to vector<512x200xi32>
    %ne3A_3 = arith.cmpi ne, %get3A_1, %ne3A_2 : vector<512x200xi32>
    %convert_element_type3A = arith.extui %ne3A_3 : vector<512x200xi1> to vector<512x200xi32>
    %convert_element_type3A_4 = arith.sitofp %convert_element_type3A : vector<512x200xi32> to vector<512x200xf32>
    %reduce_sum3A = arith.constant dense<0.000000e+00> : vector<512xf32>
    %reduce_sum3A_5 = vector.multi_reduction <add>, %convert_element_type3A_4, %reduce_sum3A [1] : vector<512x200xf32> to vector<512xf32>
    %broadcast_in_dim3A = vector.shape_cast %reduce_sum3A_5 : vector<512xf32> to vector<512x1xf32>
    %get3A_6 = arith.constant 0 : index
    %get3A_7 = arith.constant 0 : index
    %get3A_8 = vector.load %arg2[%get3A_6, %get3A_7] : memref<512x128xf32, #tpu.memory_space<vmem>>, vector<512x128xf32>
    %max3A = arith.constant 1.000000e+00 : f32
    %max3A_9 = vector.broadcast %max3A : f32 to vector<512x1xf32>
    %max3A_10 = arith.maximumf %broadcast_in_dim3A, %max3A_9 : vector<512x1xf32>
    %div3A = vector.broadcast %max3A_10 : vector<512x1xf32> to vector<512x128xf32>
    %div3A_11 = arith.divf %get3A_8, %div3A : vector<512x128xf32>
    %get3A_12 = arith.constant 0 : index
    %get3A_13 = arith.constant 0 : index
    %get3A_14 = vector.load %arg3[%get3A_12, %get3A_13] : memref<128x512xf32, #tpu.memory_space<vmem>>, vector<128x512xf32>
    %dot_general3A = arith.constant dense<0.000000e+00> : vector<512x512xf32>
    %dot_general3A_15 = tpu.matmul %div3A_11, %get3A_14, %dot_general3A {dimension_numbers = #tpu.dot_dimension_numbers<[1], [0], [0], [1], [0, 0, 1, 1], [], []>, transpose_lhs_hint = false} : vector<512x128xf32>, vector<128x512xf32>, vector<512x512xf32> -> vector<512x512xf32>
    %get3A_16 = arith.constant 0 : index
    %get3A_17 = arith.constant 0 : index
    %get3A_18 = vector.load %arg4[%get3A_16, %get3A_17] : memref<1x512xf32, #tpu.memory_space<vmem>>, vector<1x512xf32>
    %add3A = vector.broadcast %get3A_18 : vector<1x512xf32> to vector<512x512xf32>
    %add3A_19 = arith.addf %dot_general3A_15, %add3A : vector<512x512xf32>
    %max3A_20 = arith.constant 0.000000e+00 : f32
    %max3A_21 = vector.broadcast %max3A_20 : f32 to vector<512x512xf32>
    %max3A_22 = arith.maximumf %add3A_19, %max3A_21 : vector<512x512xf32>
    %get3A_23 = arith.constant 0 : index
    %get3A_24 = arith.constant 0 : index
    %get3A_25 = vector.load %arg5[%get3A_23, %get3A_24] : memref<512x256xf32, #tpu.memory_space<vmem>>, vector<512x256xf32>
    %dot_general3A_26 = arith.constant dense<0.000000e+00> : vector<512x256xf32>
    %dot_general3A_27 = tpu.matmul %max3A_22, %get3A_25, %dot_general3A_26 {dimension_numbers = #tpu.dot_dimension_numbers<[1], [0], [0], [1], [0, 0, 1, 1], [], []>, transpose_lhs_hint = false} : vector<512x512xf32>, vector<512x256xf32>, vector<512x256xf32> -> vector<512x256xf32>
    %get3A_28 = arith.constant 0 : index
    %get3A_29 = arith.constant 0 : index
    %get3A_30 = vector.load %arg6[%get3A_28, %get3A_29] : memref<1x256xf32, #tpu.memory_space<vmem>>, vector<1x256xf32>
    %add3A_31 = vector.broadcast %get3A_30 : vector<1x256xf32> to vector<512x256xf32>
    %add3A_32 = arith.addf %dot_general3A_27, %add3A_31 : vector<512x256xf32>
    %max3A_33 = arith.constant 0.000000e+00 : f32
    %max3A_34 = vector.broadcast %max3A_33 : f32 to vector<512x256xf32>
    %max3A_35 = arith.maximumf %add3A_32, %max3A_34 : vector<512x256xf32>
    %get3A_36 = arith.constant 0 : index
    %get3A_37 = arith.constant 0 : index
    %get3A_38 = vector.load %arg7[%get3A_36, %get3A_37] : memref<256x128xf32, #tpu.memory_space<vmem>>, vector<256x128xf32>
    %dot_general3A_39 = arith.constant dense<0.000000e+00> : vector<512x128xf32>
    %dot_general3A_40 = tpu.matmul %max3A_35, %get3A_38, %dot_general3A_39 {dimension_numbers = #tpu.dot_dimension_numbers<[1], [0], [0], [1], [0, 0, 1, 1], [], []>, transpose_lhs_hint = false} : vector<512x256xf32>, vector<256x128xf32>, vector<512x128xf32> -> vector<512x128xf32>
    %get3A_41 = arith.constant 0 : index
    %get3A_42 = arith.constant 0 : index
    %get3A_43 = vector.load %arg8[%get3A_41, %get3A_42] : memref<1x128xf32, #tpu.memory_space<vmem>>, vector<1x128xf32>
    %add3A_44 = vector.broadcast %get3A_43 : vector<1x128xf32> to vector<512x128xf32>
    %add3A_45 = arith.addf %dot_general3A_40, %add3A_44 : vector<512x128xf32>
    %swap3A = arith.constant 0 : index
    %swap3A_46 = arith.constant 0 : index
    %swap3A_47 = vector.load %arg9[%swap3A, %swap3A_46] : memref<512x128xf32, #tpu.memory_space<vmem>>, vector<512x128xf32>
    tpu.vector_store %arg9[%swap3A, %swap3A_46], %add3A_45 {strides = array<i32>} : memref<512x128xf32, #tpu.memory_space<vmem>>, vector<512x128xf32>,
    return
  }
  func.func @transform_0(%arg0: i32) -> (i32, i32) {
    %c0_i32 = arith.constant 0 : i32
    %c0_i32_0 = arith.constant 0 : i32
    return %arg0, %c0_i32 : i32, i32
  }
  func.func @transform_1(%arg0: i32) -> (i32, i32) {
    %c0_i32 = arith.constant 0 : i32
    %c0_i32_0 = arith.constant 0 : i32
    return %arg0, %c0_i32 : i32, i32
  }
  func.func @transform_2(%arg0: i32) -> (i32, i32) {
    %c0_i32 = arith.constant 0 : i32
    %c0_i32_0 = arith.constant 0 : i32
    %c0_i32_1 = arith.constant 0 : i32
    return %c0_i32, %c0_i32_0 : i32, i32
  }
  func.func @transform_3(%arg0: i32) -> (i32, i32) {
    %c0_i32 = arith.constant 0 : i32
    %c0_i32_0 = arith.constant 0 : i32
    %c0_i32_1 = arith.constant 0 : i32
    return %c0_i32, %c0_i32_0 : i32, i32
  }
  func.func @transform_4(%arg0: i32) -> (i32, i32) {
    %c0_i32 = arith.constant 0 : i32
    %c0_i32_0 = arith.constant 0 : i32
    %c0_i32_1 = arith.constant 0 : i32
    return %c0_i32, %c0_i32_0 : i32, i32
  }
  func.func @transform_5(%arg0: i32) -> (i32, i32) {
    %c0_i32 = arith.constant 0 : i32
    %c0_i32_0 = arith.constant 0 : i32
    %c0_i32_1 = arith.constant 0 : i32
    return %c0_i32, %c0_i32_0 : i32, i32
  }
  func.func @transform_6(%arg0: i32) -> (i32, i32) {
    %c0_i32 = arith.constant 0 : i32
    %c0_i32_0 = arith.constant 0 : i32
    %c0_i32_1 = arith.constant 0 : i32
    return %c0_i32, %c0_i32_0 : i32, i32
  }
  func.func @transform_7(%arg0: i32) -> (i32, i32) {
    %c0_i32 = arith.constant 0 : i32
    %c0_i32_0 = arith.constant 0 : i32
    %c0_i32_1 = arith.constant 0 : i32
    return %c0_i32, %c0_i32_0 : i32, i32
  }
  func.func @transform_8(%arg0: i32) -> (i32, i32) {
    %c0_i32 = arith.constant 0 : i32
    %c0_i32_0 = arith.constant 0 : i32
    return %arg0, %c0_i32 : i32, i32
  }
}

</mosaic_0001>

<sc_bundles>
// kernel: kernel.4.cloned.1.call-start
scs
__scs_entry_jumppad:
0x0: {  	(pc) =	sbr.rel $0x88, $3  }
0x1: {  	(tag) =	ssettag $0x0;
	lr =	simm.s32 $0x1  }
0x2: {  	[smem:$0x3F99] =	sst lr;
	_ =	strace $0xD0000000  }
0x3: {  	_ = 	snop  }
0x4: {  	_ = 	snop  }
0x5: {  	_ = 	snop  }
0x6: {  	_ = 	snop  }
0x7: {  	_ = 	snop  }
__scs_overlays_trampoline_lowered:
0x8: {  	[smem:$0x3FA8] =	sst s0  }
0x9: {  	[smem:$0x3FA9] =	sst s1  }
0xa: {  	[smem:$0x3FAA] =	sst s2  }
0xb: {  	[smem:$0x3FAB] =	sst s3  }
0xc: {  	[smem:$0x3FAC] =	sst s4  }
0xd: {  	[smem:$0x3FAD] =	sst s5  }
0xe: {  	[smem:$0x3FAE] =	sst s6  }
0xf: {  	[smem:$0x3FAF] =	sst s7  }
0x10: {  	[smem:$0x3FB0] =	sst s8  }
0x11: {  	[smem:$0x3FB1] =	sst s9;
	s0 =	simm.s32 @!p0 $0x0  }
0x12: {  	s1 =	sld [smem:$0x3F97];
	s0 =	simm.s32 @p0 $0x1  }
0x13: {  	[smem:$0x3FB2] =	sst s0;
	s0 =	simm.s32 @!p1 $0x0  }
0x14: {  	s2 =	sld [smem:$0x3F96];
	s0 =	simm.s32 @p1 $0x1  }
0x15: {  	[smem:$0x3FB3] =	sst s0;
	s0 =	simm.s32 @!p2 $0x0  }
0x16: {  	s3 =	sld [smem:$0x3FDB];
	s0 =	simm.s32 @p2 $0x1  }
0x17: {  	s4 =	simm.s32 $0x1BF5;
	[smem:$0x3FB5] =	sst s0  }
0x18: {  	s0 =	sld [smem:$0x3F98];
	_ =	swait.ge [sflag:s4], $0x0  }
0x19: {  	s7 =	sld [smem:$0x3F99]  }
0x1a: {  	s8 =	sadd.s32 $0xFFFFE003, lr  }
0x1b: {  	s9 =	sadd.s32 $0xFFFFFEF7, lr;
	s5 =	simm.s32 $0xFFFFFFFF;
	p2 =	slt.u32 s8, $0xFFFFF086  }
0x1c: {  	p1 =	slt.u32 s9, $0xF7A;
	s5 =	simm.s32 @!p2 $0x0  }
0x1d: {  	s5 =	simm.s32 @p1 $0x1;
	p0 =	seq.s32 s7, s2  }
0x1e: {  	s7 =	smul.u32 @!p0 $0xF7A, s2;
	p2 =	seq.s32 @!p0 s5, $0x0  }
0x1f: {  	s9 =	smul.u32 $0xF7A, s1;
	s8 =	simm.s32 @!p0 $0x1BF5;
	p2 =	por !p2, p0  }
0x20: {  	[sflag:s8] =	ssyncset.s32 @!p0 $0xFFFFF086;
	s6 =	sadd.s32 @!p0 s3, s7;
	s7 =	simm.s32 @!p0 $0x108  }
0x21: {  	s3 =	sadd.s32 s3, s9;
	s6 =	sadd.s32 @!p0 $0x88, s6;
	s7 =	simm.s32 @p2 $0x1082  }
0x22: {  	[simem:s7], [sflag:s8] =	dma.local @!p0 [hbm:s6], $0xF7A  }
0x23: {  	s9 =	sor.u32 $0xD0000000, s2;
	s6 =	simm.s32 $0x108;
	_ =	swait.ge @!p0 [sflag:s8], $0x0  }
0x24: {  	s3 =	sadd.s32 $0x88, s3;
	s6 =	simm.s32 @!p1 $0x1082;
	[sflag:s4] =	ssyncset.s32 $0xFFFFF086  }
0x25: {  	[simem:s6], [sflag:s4] =	dma.local [hbm:s3], $0xF7A  }
0x26: {  	[smem:$0x3F99] =	sst s1;
	(tag) =	ssettag s2;
	_ =	strace s9  }
0x27: {  	s1 =	sld [smem:$0x3FA9]  }
0x28: {  	s2 =	sld [smem:$0x3FAA]  }
0x29: {  	s4 =	sld [smem:$0x3FAC]  }
0x2a: {  	p0 =	seq.s32 s5, $0x0;
	s5 =	sld [smem:$0x3FAD]  }
0x2b: {  	s6 =	sld [smem:$0x3FAE]  }
0x2c: {  	s7 =	sld [smem:$0x3FAF]  }
0x2d: {  	s3 =	simm.s32 $0x108;
	s8 =	sld [smem:$0x3FB0]  }
0x2e: {  	s3 =	simm.s32 @!p0 $0x1082;
	s9 =	sld [smem:$0x3FB1]  }
0x2f: {  	lr =	sadd.s32 s0, s3;
	s0 =	sld [smem:$0x3FA8]  }
0x30: {  	s3 =	sld [smem:$0x3FAB]  }
0x31: {  	[smem:$0x3FB4] =	sst s10  }
0x32: {  	s10 =	sld [smem:$0x3FB2];
	_ =	sdelay $0x3  }
0x33: {  	p0 =	seq.s32 s10, $0x1;
	s10 =	sld [smem:$0x3FB4];
	_ =	sdelay $0x3  }
0x34: {  	[smem:$0x3FB4] =	sst s10  }
0x35: {  	s10 =	sld [smem:$0x3FB3];
	_ =	sdelay $0x3  }
0x36: {  	p1 =	seq.s32 s10, $0x1;
	s10 =	sld [smem:$0x3FB4];
	_ =	sdelay $0x3  }
0x37: {  	[smem:$0x3FB4] =	sst s10  }
0x38: {  	s10 =	sld [smem:$0x3FB5]  }
0x39: {  	_ = 	snop;
	(pc) =	sbr.ind lr, $3  }
0x3a: {  	_ = 	snop  }
0x3b: {  	_ = 	snop  }
0x3c: {  	p2 =	seq.s32 s10, $0x1;
	s10 =	sld [smem:$0x3FB4]  }
0x3d: {  	_ =	shalt  }
0x3e: {  	_ =	shalt  }
0x3f: {  	_ =	shalt  }
0x40: {  	_ =	shalt  }
0x41: {  	_ =	shalt  }
0x42: {  	_ =	shalt  }
0x43: {  	_ =	shalt  }
0x44: {  	_ =	shalt  }
0x45: {  	_ =	shalt  }
0x46: {  	_ =	shalt  }
0x47: {  	_ =	shalt  }
0x48: {  	_ =	shalt  }
0x49: {  	_ =	shalt  }
0x4a: {  	_ =	shalt  }
0x4b: {  	_ =	shalt  }
0x4c: {  	_ =	shalt  }
0x4d: {  	_ =	shalt  }
0x4e: {  	_ =	shalt  }
0x4f: {  	_ =	shalt  }
0x50: {  	_ =	shalt  }
0x51: {  	_ =	shalt  }
0x52: {  	_ =	shalt  }
0x53: {  	_ =	shalt  }
0x54: {  	_ =	shalt  }
0x55: {  	_ =	shalt  }
0x56: {  	_ =	shalt  }
0x57: {  	_ =	shalt  }
0x58: {  	_ =	shalt  }
0x59: {  	_ =	shalt  }
0x5a: {  	_ =	shalt  }
0x5b: {  	_ =	shalt  }
0x5c: {  	_ =	shalt  }
0x5d: {  	_ =	shalt  }
0x5e: {  	_ =	shalt  }
0x5f: {  	_ =	shalt  }
0x60: {  	_ =	shalt  }
0x61: {  	_ =	shalt  }
0x62: {  	_ =	shalt  }
0x63: {  	_ =	shalt  }
0x64: {  	_ =	shalt  }
0x65: {  	_ =	shalt  }
0x66: {  	_ =	shalt  }
0x67: {  	_ =	shalt  }
0x68: {  	_ =	shalt  }
0x69: {  	_ =	shalt  }
0x6a: {  	_ =	shalt  }
0x6b: {  	_ =	shalt  }
0x6c: {  	_ =	shalt  }
0x6d: {  	_ =	shalt  }
0x6e: {  	_ =	shalt  }
0x6f: {  	_ =	shalt  }
0x70: {  	_ =	shalt  }
0x71: {  	_ =	shalt  }
0x72: {  	_ =	shalt  }
0x73: {  	_ =	shalt  }
0x74: {  	_ =	shalt  }
0x75: {  	_ =	shalt  }
0x76: {  	_ =	shalt  }
0x77: {  	_ =	shalt  }
0x78: {  	_ =	shalt  }
0x79: {  	_ =	shalt  }
0x7a: {  	_ =	shalt  }
0x7b: {  	_ =	shalt  }
0x7c: {  	_ =	shalt  }
0x7d: {  	_ =	shalt  }
0x7e: {  	_ =	shalt  }
0x7f: {  	_ =	shalt  }
0x80: {  	_ =	shalt  }
0x81: {  	_ =	shalt  }
0x82: {  	_ =	shalt  }
0x83: {  	_ =	shalt  }
0x84: {  	_ =	shalt  }
0x85: {  	_ =	shalt  }
0x86: {  	_ =	shalt  }
0x87: {  	_ =	shalt  }
.Lfunc_end0:
.L_simem_size_0:
called_computation_lowered:
.L_overlay_start_0:
0x88: {  	s2 =	sld [smem:$0x3FD9]  }
0x89: {  	s3 =	sld [smem:$0x3FFE];
	_ =	sdelay $0x1  }
0x8a: {  	s1 =	srdreg.scid  }
0x8b: {  	s0 =	sand.u32 $0x1, s1  }
0x8c: {  	s17 =	sshll.u32 s0, $0xA;
	s2 =	sadd.s32 s3, s2  }
0x8d: {  	s2 =	sadd.s32 s2, s17  }
0x8e: {  	[smem:$0x3FC0] =	sst s2  }
0x8f: {  	_ = 	snop  }
0x90: {  	s2 =	sld [smem:$0x3FC8];
	(tm) =	ssettm $0x1  }
0x91: {  	s18 =	sld [smem:$0x3FFB];
	_ =	sdelay $0x3  }
0x92: {  	_ =	strace s18  }
0x93: {  	s3 =	sld [smem:$0x3FFC];
	_ =	sdelay $0x3  }
0x94: {  	_ =	strace s3  }
0x95: {  	s3 =	sld [smem:$0x3FFD];
	_ =	sdelay $0x3  }
0x96: {  	_ =	strace s3  }
0x97: {  	_ =	strace $0x8FFFFFFF  }
0x98: {  	s19 =	sld [smem:$0x3FDB];
	_ =	sdelay $0x1  }
0x99: {  	s4 =	simm.s32 $_scs_section_size  }
0x9a: {  	s5 =	simm.s32 $_size__tile_overlayer_lowered;
	s6 =	simm.s32 $_tile_overlayer_lowered  }
0x9b: {  	s22 =	simm.s32 $0x1BFF;
	s21 =	sshll.u32 s6, $0x1;
	s3 =	sadd.s32 s4, s19  }
0x9c: {  	s7 =	simm.s32 $0x0;
	s20 =	sshll.u32 s5, $0x1;
	s5 =	sadd.s32 s21, s3  }
0x9d: {  	[timem:s7], [sflag:s22] =	dma.local [hbm:s5], s20  }
0x9e: {  	_ =	swait.ge [sflag:s22], s20  }
0x9f: {  	s4 =	ssub.s32 $0x0, s20;
	[sflag:s22] =	ssyncset.done $0x0  }
0xa0: {  	[sflag:s22] =	ssyncadd.s32 s4;
	_ =	sdelay $0x1  }
0xa1: {  	s23 =	simm.s32 $0x1B8B  }
0xa2: {  	_ =	swait.ge [sflag:s23], $0x1  }
0xa3: {  	[sflag:s23] =	ssyncset.done $0x0  }
0xa4: {  	s25 =	simm.s32 $0x1B8E;
	s24 =	sld [smem:$0x3FFE];
	[sflag:s23] =	ssyncadd.s32 $0xFFFFFFFF  }
0xa5: {  	s26 =	simm.s32 $execute0_lowered;
	[smem:$0x3FD2] =	sst s25  }
0xa6: {  	s5 =	sshll.u32 s26, $0x1;
	_ =	strace $0x80000046;
	[dreg:$0x1] =	wrdreg $0xFFFFFFFF  }
0xa7: {  	s28 =	simm.s32 $_size_execute0_lowered;
	s3 =	sadd.s32 s3, s5;
	[dreg:$0x0] =	wrdreg $0x0  }
0xa8: {  	s5 =	sshll.u32 s28, $0x1;
	[dreg:$0x2] =	wrdreg s3  }
0xa9: {  	[dreg:$0x3] =	wrdreg s5  }
0xaa: {  	[dreg:$0x4] =	wrdreg $0xC0  }
0xab: {  	_ =	task [dreg:s7], $0x5FFFF  }
0xac: {  	[dreg:$0x1] =	wrdreg $0xFFFFFFFF  }
0xad: {  	[dreg:$0x0] =	wrdreg $0x60  }
0xae: {  	[dreg:$0x2] =	wrdreg s24  }
0xaf: {  	[dreg:$0x3] =	wrdreg s2  }
0xb0: {  	[dreg:$0x4] =	wrdreg $0x9  }
0xb1: {  	_ =	task.clear_ibuf [dreg:s7], $0x5FFFF;
	_ =	strace $0x90000046  }
0xb2: {  	s29 =	simm.s32 $0x9;
	_ =	strace $0x80000048  }
0xb3: {  	_ =	swait.ge [sflag:s29], $0x1  }
0xb4: {  	[sflag:s29] =	ssyncadd.s32 $0xFFFFFFFF  }
0xb5: {  	_ =	strace $0x90000048  }
0xb6: {  	_ =	sfence  }
0xb7: {  	s30 =	sld [smem:$0x0];
	_ =	sdelay $0x2  }
0xb8: {  	s31 =	sshll.u32 s1, $0xD;
	s1 =	sshrl.u32 s1, $0x2  }
0xb9: {  	s3 =	sand.u32 $0x4000, s31;
	s1 =	sadd.s32 s1, s30  }
0xba: {  	s0 =	sor.u32 s3, s0;
	s1 =	sshll.u32 s1, $0x11  }
0xbb: {  	s0 =	sor.u32 s1, s0  }
0xbc: {  	s0 =	sadd.s32 $0x8F2B, s0  }
0xbd: {  	[sflag:s0] =	ssyncadd.remote.s32 $0x1  }
0xbe: {  	_ =	sfence.sel $0xFFFF  }
0xbf: {  	[dreg:$0x0] =	wrdreg $0xFFFFFFFF;
	(pc) =	sbr.abs _section_cstart, $3  }
0xc0: {  	[dreg:$0x1] =	wrdreg $0xFFFFFFFF  }
0xc1: {  	_ =	task.clear_ibuf [dreg:s7], $0x2FFFF;
	_ =	strace $0x9FFFFFFF  }
0xc2: {  	(tm) =	ssettm $0x7FFFFFFF  }
0xc3: {  	_ =	shalt  }
tec
execute0_lowered:
.L_overlay_start_1:
0x0: {  	(tag) =	ssettag $0x1  }
0x1: {  	s4 =	rddreg [dreg:$0x0];
	s1 =	srdreg.scid  }
0x2: {  	s0 =	stileid.u32;
	s2 =	rddreg [dreg:$0x1];
	s3 =	simm.s32 $0x0  }
0x3: {  	s9 =	simm.s32 $0x190;
	s10 =	simm.s32 $0x6400;
	s11 =	simm.s32 $0x12C00  }
0x4: {  	s12 =	simm.s32 $0x1;
	s13 =	simm.s32 $0x1F400;
	s14 =	simm.s32 $0x2  }
0x5: {  	s15 =	simm.s32 $0x1F500;
	s16 =	simm.s32 $0x3;
	s17 =	simm.s32 $0x4  }
0x6: {  	s18 =	simm.s32 $0x0;
	s5 =	sand.u32 $0x1, s1;
	s6 =	sshll.u32 s0, $0x1  }
.Ltmp0:
0x7: {  	s1 =	rddreg [dreg:$0x2];
	s6 =	sor.u32 s5, s6;
	(pc) =	sbr.rel .LBB2_1-.Ltmp0, $4  }
0x8: {  	[smem:$0x7FF] =	sst s3;
	s5 =	ssub.s32 $0x2, s5;
	s7 =	smul.u32 $0xC80, s6  }
0x9: {  	_ =	strace $0x80000047;
	s8 =	sshrl.u32 s5, $0x1;
	s6 =	sshll.u32 s6, $0xB  }
0xa: {  	s8 =	ssub.s32 s5, s8;
	s7 =	sadd.s32 s7, s4;
	s4 =	sadd.s32 $0x1A200, s4  }
0xb: {  	s5 =	sadd.s32 $0x1200, s7;
	s7 =	smax.u32 s8, $0x1;
	s8 =	simm.s32 $0x5  }
.LBB2_12:
0xc: {  	s18 =	sadd.s32 $0x1, s18  }
0xd: {  	_ =	swait.ge [sflag:s16], $0x100;
	p0 =	sne.s32 s18, s7  }
.Ltmp1:
0xe: {  	[sflag:s16] =	ssyncset.done $0x0;
	(pc) =	sbr.rel @!p0 .LBB2_13-.Ltmp1, $4  }
0xf: {  	[sflag:s16] =	ssyncadd.s32 $0xFFFFFF00  }
0x10: {  	_ =	swait.ge [sflag:s17], $0x100  }
0x11: {  	[sflag:s17] =	ssyncset.done $0x0  }
0x12: {  	[sflag:s17] =	ssyncadd.s32 $0xFFFFFF00  }
.LBB2_1:
0x13: {  	[tilespmem:s3], [sflag:$0x5] =	stream.linear.gather [hbm4b:s5+s3], $0x6400, $0x38;
	[tilespmem:$0x1F600] =	vst v63  }
0x14: {  	_ =	swait.ge [sflag:s8], $0x6400  }
0x15: {  	[sflag:s8] =	ssyncset.done $0x0  }
0x16: {  	[sflag:s8] =	ssyncadd.s32 $0xFFFF9C00  }
0x17: {  	[tilespmem:s10], [sflag:$0x1] =	stream.indirect.gather [hbm4b:s2+s9], $0x80, s3, s9, $0xb8;
	[tilespmem:$0x1F600] =	vst v63  }
0x18: {  	s19 =	simm.s32 $0x0  }
0x19: {  	[tilespmem:s11], [sflag:$0x2] =	stream.indirect.gather [hbm4b:s2+s9], $0x80, s9, s9, $0xb8;
	[tilespmem:$0x1F600] =	vst v63  }
.LBB2_2:
0x1a: {  	_ =	swait.ge [sflag:s12], $0xC800  }
0x1b: {  	[sflag:s12] =	ssyncset.done $0x0  }
0x1c: {  	s20 =	simm.s32 $0x0;
	[sflag:s12] =	ssyncadd.s32 $0xFFFF3800  }
0x1d: {  	v6 =	vld [tilespmem:s20+$0x6780]  }
0x1e: {  	v7 =	vld [tilespmem:s20+$0x6790]  }
0x1f: {  	v8 =	vld [tilespmem:s20+$0x67A0]  }
0x20: {  	v9 =	vld [tilespmem:s20+$0x67B0]  }
0x21: {  	v0 =	vld [tilespmem:s20+$0x67C0]  }
0x22: {  	v1 =	vld [tilespmem:s20+$0x67D0]  }
0x23: {  	v14 =	vld [tilespmem:s20+$0x6700]  }
0x24: {  	v16 =	vld [tilespmem:s20+$0x6710]  }
0x25: {  	v13 =	vld [tilespmem:s20+$0x6720]  }
0x26: {  	v15 =	vld [tilespmem:s20+$0x6730]  }
0x27: {  	v3 =	vld [tilespmem:s20+$0x6740]  }
0x28: {  	v2 =	vld [tilespmem:s20+$0x6750]  }
0x29: {  	v17 =	vld [tilespmem:s20+$0x6680]  }
0x2a: {  	v18 =	vld [tilespmem:s20+$0x6690]  }
0x2b: {  	v19 =	vld [tilespmem:s20+$0x66A0]  }
0x2c: {  	v24 =	vld [tilespmem:s20+$0x66B0]  }
0x2d: {  	v4 =	vld [tilespmem:s20+$0x66C0]  }
0x2e: {  	v5 =	vld [tilespmem:s20+$0x66D0]  }
0x2f: {  	v20 =	vld [tilespmem:s20+$0x6600]  }
0x30: {  	v22 =	vld [tilespmem:s20+$0x6610]  }
0x31: {  	v23 =	vld [tilespmem:s20+$0x6620]  }
0x32: {  	v30 =	vld [tilespmem:s20+$0x6630]  }
0x33: {  	v10 =	vld [tilespmem:s20+$0x6640]  }
0x34: {  	v27 =	vld [tilespmem:s20+$0x6580]  }
0x35: {  	v28 =	vld [tilespmem:s20+$0x6590]  }
0x36: {  	v25 =	vld [tilespmem:s20+$0x6500]  }
0x37: {  	v26 =	vld [tilespmem:s20+$0x6510]  }
0x38: {  	v11 =	vld [tilespmem:s20+$0x6480]  }
0x39: {  	v21 =	vld [tilespmem:s20+$0x6490]  }
0x3a: {  	v29 =	vld [tilespmem:s20+$0x6400]  }
0x3b: {  	v31 =	vld [tilespmem:s20+$0x6410]  }
0x3c: {  	v32 =	vld [tilespmem:s20+$0x6420]  }
0x3d: {  	v33 =	vld [tilespmem:s20+$0x6430]  }
0x3e: {  	v34 =	vld [tilespmem:s20+$0x64A0]  }
0x3f: {  	v35 =	vld [tilespmem:s20+$0x64B0]  }
0x40: {  	v12 =	vimm.f32 $0.0e+00;
	v36 =	vld [tilespmem:s20+$0x6520]  }
0x41: {  	v37 =	vld [tilespmem:s20+$0x6530];
	v29 =	vadd.f32 v29, v12;
	v31 =	vadd.f32 v31, v12  }
0x42: {  	v38 =	vld [tilespmem:s20+$0x65A0];
	v32 =	vadd.f32 v32, v12;
	v33 =	vadd.f32 v33, v12  }
0x43: {  	v39 =	vld [tilespmem:s20+$0x65B0];
	v29 =	vadd.f32 v11, v29;
	v31 =	vadd.f32 v21, v31  }
0x44: {  	v11 =	vld [tilespmem:s20+$0x6650];
	v32 =	vadd.f32 v34, v32;
	v33 =	vadd.f32 v35, v33  }
0x45: {  	v21 =	vld [tilespmem:s20+$0x65C0];
	v29 =	vadd.f32 v25, v29;
	v31 =	vadd.f32 v26, v31  }
0x46: {  	v25 =	vld [tilespmem:s20+$0x65D0];
	v32 =	vadd.f32 v36, v32;
	v33 =	vadd.f32 v37, v33  }
0x47: {  	v26 =	vld [tilespmem:s20+$0x6540];
	v29 =	vadd.f32 v27, v29;
	v31 =	vadd.f32 v28, v31  }
0x48: {  	v27 =	vld [tilespmem:s20+$0x6550];
	v32 =	vadd.f32 v38, v32;
	v33 =	vadd.f32 v39, v33  }
0x49: {  	v28 =	vld [tilespmem:s20+$0x64C0];
	v20 =	vadd.f32 v20, v29;
	v22 =	vadd.f32 v22, v31  }
0x4a: {  	v29 =	vld [tilespmem:s20+$0x64D0];
	v23 =	vadd.f32 v23, v32;
	v63 =	vadd.f32 v30, v33  }
0x4b: {  	v30 =	vld [tilespmem:s20+$0x6440];
	v20 =	vadd.f32 v17, v20;
	v22 =	vadd.f32 v18, v22  }
0x4c: {  	v31 =	vld [tilespmem:s20+$0x6450];
	v23 =	vadd.f32 v19, v23;
	v24 =	vadd.f32 v24, v63  }
0x4d: {  	s21 =	simm.s32 $0x1000;
	v32 =	vld [tilespmem:s20+$0x6460];
	v19 =	vimm.f32 $0.0e+00;
	v18 =	vimm.f32 $0.0e+00;
	v17 =	vimm.f32 $0.0e+00  }
.LBB2_3:
0x4e: {  	p0 =	sne.s32 s21, $0x18000;
	v14 =	vadd.f32 v14, v20;
	v16 =	vadd.f32 v16, v22;
	v33 =	vld [tilespmem:s20+$0x6470]  }
0x4f: {  	v13 =	vadd.f32 v13, v23;
	v15 =	vadd.f32 v15, v24;
	v34 =	vld [tilespmem:s20+$0x64E0]  }
0x50: {  	v22 =	vadd.f32 v6, v14;
	v23 =	vadd.f32 v7, v16;
	v6 =	vld [tilespmem:s20+$0x64F0]  }
0x51: {  	v24 =	vadd.f32 v8, v13;
	v20 =	vadd.f32 v9, v15;
	v7 =	vld [tilespmem:s20+$0x6560]  }
0x52: {  	v8 =	vadd.f32 v30, v12;
	v9 =	vadd.f32 v31, v19;
	v12 =	vld [tilespmem:s20+$0x6570]  }
0x53: {  	v13 =	vadd.f32 v32, v18;
	v14 =	vld [tilespmem:s20+$0x65E0];
	v15 =	vadd.f32 v33, v17  }
0x54: {  	v8 =	vadd.f32 v28, v8;
	v9 =	vadd.f32 v29, v9;
	v16 =	vld [tilespmem:s20+$0x65F0]  }
0x55: {  	v13 =	vadd.f32 v34, v13;
	v17 =	vld [tilespmem:s20+$0x6660];
	v6 =	vadd.f32 v6, v15  }
0x56: {  	v8 =	vadd.f32 v26, v8;
	v9 =	vadd.f32 v27, v9;
	v15 =	vld [tilespmem:s20+$0x6670]  }
0x57: {  	v7 =	vadd.f32 v7, v13;
	v13 =	vld [tilespmem:s20+$0x66E0];
	v6 =	vadd.f32 v12, v6  }
0x58: {  	v8 =	vadd.f32 v21, v8;
	v9 =	vadd.f32 v25, v9;
	v12 =	vld [tilespmem:s20+$0x66F0]  }
0x59: {  	v7 =	vadd.f32 v14, v7;
	v14 =	vld [tilespmem:s20+$0x6760];
	v6 =	vadd.f32 v16, v6  }
0x5a: {  	v8 =	vadd.f32 v10, v8;
	v9 =	vadd.f32 v11, v9;
	v10 =	vld [tilespmem:s20+$0x6770]  }
0x5b: {  	v7 =	vadd.f32 v17, v7;
	v11 =	vld [tilespmem:s20+$0x67E0];
	v15 =	vadd.f32 v15, v6  }
0x5c: {  	v4 =	vadd.f32 v4, v8;
	v5 =	vadd.f32 v5, v9;
	v16 =	vld [tilespmem:s20+$0x67F0];
	s20 =	sshra.s32 s21, $0x2  }
0x5d: {  	v9 =	vadd.f32 v13, v7;
	v6 =	vld [tilespmem:s20+$0x6780];
	v12 =	vadd.f32 v12, v15  }
0x5e: {  	v3 =	vadd.f32 v3, v4;
	v2 =	vadd.f32 v2, v5;
	v7 =	vld [tilespmem:s20+$0x6790]  }
0x5f: {  	v4 =	vadd.f32 v14, v9;
	v8 =	vld [tilespmem:s20+$0x67A0];
	v5 =	vadd.f32 v10, v12  }
0x60: {  	v12 =	vadd.f32 v0, v3;
	v19 =	vadd.f32 v1, v2;
	v9 =	vld [tilespmem:s20+$0x67B0]  }
0x61: {  	v18 =	vadd.f32 v11, v4;
	v0 =	vld [tilespmem:s20+$0x67C0];
	v17 =	vadd.f32 v16, v5  }
0x62: {  	v1 =	vld [tilespmem:s20+$0x67D0]  }
0x63: {  	v14 =	vld [tilespmem:s20+$0x6700]  }
0x64: {  	v16 =	vld [tilespmem:s20+$0x6710]  }
0x65: {  	v13 =	vld [tilespmem:s20+$0x6720]  }
0x66: {  	v15 =	vld [tilespmem:s20+$0x6730]  }
0x67: {  	v3 =	vld [tilespmem:s20+$0x6740]  }
0x68: {  	v2 =	vld [tilespmem:s20+$0x6750]  }
0x69: {  	v31 =	vld [tilespmem:s20+$0x6680]  }
0x6a: {  	v32 =	vld [tilespmem:s20+$0x6690]  }
0x6b: {  	v33 =	vld [tilespmem:s20+$0x66A0]  }
0x6c: {  	v34 =	vld [tilespmem:s20+$0x66B0]  }
0x6d: {  	v4 =	vld [tilespmem:s20+$0x66C0]  }
0x6e: {  	v5 =	vld [tilespmem:s20+$0x66D0]  }
0x6f: {  	v29 =	vld [tilespmem:s20+$0x6600]  }
0x70: {  	v30 =	vld [tilespmem:s20+$0x6610]  }
0x71: {  	v35 =	vld [tilespmem:s20+$0x6620]  }
0x72: {  	v36 =	vld [tilespmem:s20+$0x6630]  }
0x73: {  	v10 =	vld [tilespmem:s20+$0x6640]  }
0x74: {  	v11 =	vld [tilespmem:s20+$0x6650]  }
0x75: {  	v27 =	vld [tilespmem:s20+$0x6580]  }
0x76: {  	v28 =	vld [tilespmem:s20+$0x6590]  }
0x77: {  	v25 =	vld [tilespmem:s20+$0x6500]  }
0x78: {  	v26 =	vld [tilespmem:s20+$0x6510]  }
0x79: {  	v21 =	vld [tilespmem:s20+$0x6480]  }
0x7a: {  	v37 =	vld [tilespmem:s20+$0x6490]  }
0x7b: {  	v38 =	vld [tilespmem:s20+$0x6400]  }
0x7c: {  	v39 =	vld [tilespmem:s20+$0x6410]  }
0x7d: {  	v40 =	vld [tilespmem:s20+$0x6420]  }
0x7e: {  	v41 =	vld [tilespmem:s20+$0x6430]  }
0x7f: {  	v42 =	vld [tilespmem:s20+$0x64A0]  }
0x80: {  	v43 =	vld [tilespmem:s20+$0x64B0]  }
0x81: {  	v44 =	vld [tilespmem:s20+$0x6520]  }
0x82: {  	v22 =	vadd.f32 v38, v22;
	v23 =	vadd.f32 v39, v23;
	v38 =	vld [tilespmem:s20+$0x6530]  }
0x83: {  	v24 =	vadd.f32 v40, v24;
	v39 =	vld [tilespmem:s20+$0x65A0];
	v20 =	vadd.f32 v41, v20  }
0x84: {  	v22 =	vadd.f32 v21, v22;
	v23 =	vadd.f32 v37, v23;
	v37 =	vld [tilespmem:s20+$0x65B0]  }
0x85: {  	v24 =	vadd.f32 v42, v24;
	v20 =	vadd.f32 v43, v20;
	v21 =	vld [tilespmem:s20+$0x65C0]  }
0x86: {  	v22 =	vadd.f32 v25, v22;
	v23 =	vadd.f32 v26, v23;
	v25 =	vld [tilespmem:s20+$0x65D0]  }
0x87: {  	v24 =	vadd.f32 v44, v24;
	v20 =	vadd.f32 v38, v20;
	v26 =	vld [tilespmem:s20+$0x6540]  }
0x88: {  	v22 =	vadd.f32 v27, v22;
	v23 =	vadd.f32 v28, v23;
	v27 =	vld [tilespmem:s20+$0x6550]  }
.Ltmp2:
0x89: {  	v24 =	vadd.f32 v39, v24;
	v20 =	vadd.f32 v37, v20;
	v28 =	vld [tilespmem:s20+$0x64C0];
	(pc) =	sbr.rel @p0 .LBB2_3-.Ltmp2, $4  }
0x8a: {  	v22 =	vadd.f32 v29, v22;
	v23 =	vadd.f32 v30, v23;
	v29 =	vld [tilespmem:s20+$0x64D0]  }
0x8b: {  	v24 =	vadd.f32 v35, v24;
	v35 =	vadd.f32 v36, v20;
	v30 =	vld [tilespmem:s20+$0x6440]  }
0x8c: {  	v20 =	vadd.f32 v31, v22;
	v22 =	vadd.f32 v32, v23;
	v31 =	vld [tilespmem:s20+$0x6450]  }
0x8d: {  	s21 =	sadd.s32 $0x1000, s21;
	v23 =	vadd.f32 v33, v24;
	v24 =	vadd.f32 v34, v35;
	v32 =	vld [tilespmem:s20+$0x6460]  }
0x8e: {  	v14 =	vadd.f32 v14, v20;
	v16 =	vadd.f32 v16, v22  }
0x8f: {  	v20 =	vld [tilespmem:s20+$0x6470];
	v13 =	vadd.f32 v13, v23;
	v15 =	vadd.f32 v15, v24  }
0x90: {  	v22 =	vld [tilespmem:s20+$0x64E0];
	v6 =	vadd.f32 v6, v14;
	v7 =	vadd.f32 v7, v16  }
0x91: {  	v14 =	vld [tilespmem:s20+$0x64F0];
	v12 =	vadd.f32 v30, v12;
	v8 =	vadd.f32 v8, v13  }
0x92: {  	v13 =	vld [tilespmem:s20+$0x6560];
	v9 =	vadd.f32 v9, v15;
	v15 =	vadd.f32 v31, v19  }
0x93: {  	v16 =	vld [tilespmem:s20+$0x6570];
	v18 =	vadd.f32 v32, v18;
	v12 =	vadd.f32 v28, v12  }
0x94: {  	v19 =	vld [tilespmem:s20+$0x65E0];
	v17 =	vadd.f32 v20, v17;
	v15 =	vadd.f32 v29, v15  }
0x95: {  	v20 =	vld [tilespmem:s20+$0x65F0];
	v18 =	vadd.f32 v22, v18;
	v12 =	vadd.f32 v26, v12  }
0x96: {  	v22 =	vld [tilespmem:s20+$0x6660];
	v14 =	vadd.f32 v14, v17;
	v15 =	vadd.f32 v27, v15  }
0x97: {  	v17 =	vld [tilespmem:s20+$0x6670];
	v13 =	vadd.f32 v13, v18;
	v12 =	vadd.f32 v21, v12  }
0x98: {  	v18 =	vld [tilespmem:s20+$0x66E0];
	v14 =	vadd.f32 v16, v14;
	v15 =	vadd.f32 v25, v15  }
0x99: {  	v16 =	vld [tilespmem:s20+$0x66F0];
	v13 =	vadd.f32 v19, v13;
	v10 =	vadd.f32 v10, v12  }
0x9a: {  	v19 =	vld [tilespmem:s20+$0x6760];
	v12 =	vadd.f32 v20, v14;
	v11 =	vadd.f32 v11, v15  }
0x9b: {  	v14 =	vld [tilespmem:s20+$0x6770];
	v13 =	vadd.f32 v22, v13;
	v4 =	vadd.f32 v4, v10  }
0x9c: {  	v15 =	vld [tilespmem:s20+$0x67E0];
	v10 =	vadd.f32 v17, v12;
	v5 =	vadd.f32 v5, v11  }
0x9d: {  	v11 =	vld [tilespmem:s20+$0x67F0];
	[tilespmem:$0x1F400] =	vst v6;
	v12 =	vadd.f32 v18, v13;
	v3 =	vadd.f32 v3, v4  }
0x9e: {  	[tilespmem:$0x1F410] =	vst v7;
	v4 =	vadd.f32 v16, v10;
	v2 =	vadd.f32 v2, v5  }
0x9f: {  	[tilespmem:$0x1F420] =	vst v8;
	v5 =	vadd.f32 v19, v12;
	v0 =	vadd.f32 v0, v3  }
0xa0: {  	[tilespmem:$0x1F430] =	vst v9;
	v3 =	vadd.f32 v14, v4;
	v1 =	vadd.f32 v1, v2  }
0xa1: {  	v2 =	vadd.f32 v15, v5;
	[tilespmem:$0x1F440] =	vst v0  }
0xa2: {  	v0 =	vadd.f32 v11, v3;
	[tilespmem:$0x1F450] =	vst v1  }
0xa3: {  	[tilespmem:$0x1F460] =	vst v2  }
0xa4: {  	s20 =	simm.s32 $0x0;
	[tilespmem:$0x1F470] =	vst v0  }
0xa5: {  	v6 =	vld [tilespmem:s20+$0xCB80]  }
0xa6: {  	v7 =	vld [tilespmem:s20+$0xCB90]  }
0xa7: {  	v8 =	vld [tilespmem:s20+$0xCBA0]  }
0xa8: {  	v9 =	vld [tilespmem:s20+$0xCBB0]  }
0xa9: {  	v0 =	vld [tilespmem:s20+$0xCBC0]  }
0xaa: {  	v1 =	vld [tilespmem:s20+$0xCBD0]  }
0xab: {  	v14 =	vld [tilespmem:s20+$0xCB00]  }
0xac: {  	v16 =	vld [tilespmem:s20+$0xCB10]  }
0xad: {  	v13 =	vld [tilespmem:s20+$0xCB20]  }
0xae: {  	v15 =	vld [tilespmem:s20+$0xCB30]  }
0xaf: {  	v3 =	vld [tilespmem:s20+$0xCB40]  }
0xb0: {  	v2 =	vld [tilespmem:s20+$0xCB50]  }
0xb1: {  	v17 =	vld [tilespmem:s20+$0xCA80]  }
0xb2: {  	v18 =	vld [tilespmem:s20+$0xCA90]  }
0xb3: {  	v19 =	vld [tilespmem:s20+$0xCAA0]  }
0xb4: {  	v24 =	vld [tilespmem:s20+$0xCAB0]  }
0xb5: {  	v4 =	vld [tilespmem:s20+$0xCAC0]  }
0xb6: {  	v5 =	vld [tilespmem:s20+$0xCAD0]  }
0xb7: {  	v20 =	vld [tilespmem:s20+$0xCA00]  }
0xb8: {  	v22 =	vld [tilespmem:s20+$0xCA10]  }
0xb9: {  	v23 =	vld [tilespmem:s20+$0xCA20]  }
0xba: {  	v30 =	vld [tilespmem:s20+$0xCA30]  }
0xbb: {  	v10 =	vld [tilespmem:s20+$0xCA40]  }
0xbc: {  	v27 =	vld [tilespmem:s20+$0xC980]  }
0xbd: {  	v28 =	vld [tilespmem:s20+$0xC990]  }
0xbe: {  	v25 =	vld [tilespmem:s20+$0xC900]  }
0xbf: {  	v26 =	vld [tilespmem:s20+$0xC910]  }
0xc0: {  	v11 =	vld [tilespmem:s20+$0xC880]  }
0xc1: {  	v21 =	vld [tilespmem:s20+$0xC890]  }
0xc2: {  	v29 =	vld [tilespmem:s20+$0xC800]  }
0xc3: {  	v31 =	vld [tilespmem:s20+$0xC810]  }
0xc4: {  	v62 =	vld [tilespmem:s20+$0xC820]  }
0xc5: {  	v33 =	vld [tilespmem:s20+$0xC830]  }
0xc6: {  	v34 =	vld [tilespmem:s20+$0xC8A0]  }
0xc7: {  	v35 =	vld [tilespmem:s20+$0xC8B0]  }
0xc8: {  	v12 =	vimm.f32 $0.0e+00;
	v36 =	vld [tilespmem:s20+$0xC920]  }
0xc9: {  	v37 =	vld [tilespmem:s20+$0xC930];
	v29 =	vadd.f32 v29, v12;
	v31 =	vadd.f32 v31, v12  }
0xca: {  	v38 =	vld [tilespmem:s20+$0xC9A0];
	v32 =	vadd.f32 v62, v12;
	v33 =	vadd.f32 v33, v12  }
0xcb: {  	v39 =	vld [tilespmem:s20+$0xC9B0];
	v29 =	vadd.f32 v11, v29;
	v31 =	vadd.f32 v21, v31  }
0xcc: {  	v11 =	vld [tilespmem:s20+$0xCA50];
	v32 =	vadd.f32 v34, v32;
	v33 =	vadd.f32 v35, v33  }
0xcd: {  	v21 =	vld [tilespmem:s20+$0xC9C0];
	v29 =	vadd.f32 v25, v29;
	v31 =	vadd.f32 v26, v31  }
0xce: {  	v25 =	vld [tilespmem:s20+$0xC9D0];
	v32 =	vadd.f32 v36, v32;
	v33 =	vadd.f32 v37, v33  }
0xcf: {  	v26 =	vld [tilespmem:s20+$0xC940];
	v29 =	vadd.f32 v27, v29;
	v31 =	vadd.f32 v28, v31  }
0xd0: {  	v27 =	vld [tilespmem:s20+$0xC950];
	v32 =	vadd.f32 v38, v32;
	v33 =	vadd.f32 v39, v33  }
0xd1: {  	v28 =	vld [tilespmem:s20+$0xC8C0];
	v20 =	vadd.f32 v20, v29;
	v22 =	vadd.f32 v22, v31  }
0xd2: {  	v29 =	vld [tilespmem:s20+$0xC8D0];
	v23 =	vadd.f32 v23, v32;
	v63 =	vadd.f32 v30, v33  }
0xd3: {  	v30 =	vld [tilespmem:s20+$0xC840];
	v20 =	vadd.f32 v17, v20;
	v22 =	vadd.f32 v18, v22  }
0xd4: {  	v31 =	vld [tilespmem:s20+$0xC850];
	v23 =	vadd.f32 v19, v23;
	v24 =	vadd.f32 v24, v63  }
0xd5: {  	s21 =	simm.s32 $0x1000;
	v32 =	vld [tilespmem:s20+$0xC860];
	v19 =	vimm.f32 $0.0e+00;
	v18 =	vimm.f32 $0.0e+00;
	v17 =	vimm.f32 $0.0e+00  }
.LBB2_5:
0xd6: {  	p0 =	sne.s32 s21, $0x18000;
	v14 =	vadd.f32 v14, v20;
	v16 =	vadd.f32 v16, v22;
	v33 =	vld [tilespmem:s20+$0xC870]  }
0xd7: {  	v13 =	vadd.f32 v13, v23;
	v15 =	vadd.f32 v15, v24;
	v34 =	vld [tilespmem:s20+$0xC8E0]  }
0xd8: {  	v22 =	vadd.f32 v6, v14;
	v23 =	vadd.f32 v7, v16;
	v6 =	vld [tilespmem:s20+$0xC8F0]  }
0xd9: {  	v24 =	vadd.f32 v8, v13;
	v20 =	vadd.f32 v9, v15;
	v7 =	vld [tilespmem:s20+$0xC960]  }
0xda: {  	v8 =	vadd.f32 v30, v12;
	v9 =	vadd.f32 v31, v19;
	v12 =	vld [tilespmem:s20+$0xC970]  }
0xdb: {  	v13 =	vadd.f32 v32, v18;
	v14 =	vld [tilespmem:s20+$0xC9E0];
	v15 =	vadd.f32 v33, v17  }
0xdc: {  	v8 =	vadd.f32 v28, v8;
	v9 =	vadd.f32 v29, v9;
	v16 =	vld [tilespmem:s20+$0xC9F0]  }
0xdd: {  	v13 =	vadd.f32 v34, v13;
	v17 =	vld [tilespmem:s20+$0xCA60];
	v6 =	vadd.f32 v6, v15  }
0xde: {  	v8 =	vadd.f32 v26, v8;
	v9 =	vadd.f32 v27, v9;
	v15 =	vld [tilespmem:s20+$0xCA70]  }
0xdf: {  	v7 =	vadd.f32 v7, v13;
	v13 =	vld [tilespmem:s20+$0xCAE0];
	v6 =	vadd.f32 v12, v6  }
0xe0: {  	v8 =	vadd.f32 v21, v8;
	v9 =	vadd.f32 v25, v9;
	v12 =	vld [tilespmem:s20+$0xCAF0]  }
0xe1: {  	v7 =	vadd.f32 v14, v7;
	v14 =	vld [tilespmem:s20+$0xCB60];
	v6 =	vadd.f32 v16, v6  }
0xe2: {  	v8 =	vadd.f32 v10, v8;
	v9 =	vadd.f32 v11, v9;
	v10 =	vld [tilespmem:s20+$0xCB70]  }
0xe3: {  	v7 =	vadd.f32 v17, v7;
	v11 =	vld [tilespmem:s20+$0xCBE0];
	v15 =	vadd.f32 v15, v6  }
0xe4: {  	v4 =	vadd.f32 v4, v8;
	v5 =	vadd.f32 v5, v9;
	v16 =	vld [tilespmem:s20+$0xCBF0];
	s20 =	sshra.s32 s21, $0x2  }
0xe5: {  	v9 =	vadd.f32 v13, v7;
	v6 =	vld [tilespmem:s20+$0xCB80];
	v12 =	vadd.f32 v12, v15  }
0xe6: {  	v3 =	vadd.f32 v3, v4;
	v2 =	vadd.f32 v2, v5;
	v7 =	vld [tilespmem:s20+$0xCB90]  }
0xe7: {  	v4 =	vadd.f32 v14, v9;
	v8 =	vld [tilespmem:s20+$0xCBA0];
	v5 =	vadd.f32 v10, v12  }
0xe8: {  	v12 =	vadd.f32 v0, v3;
	v19 =	vadd.f32 v1, v2;
	v9 =	vld [tilespmem:s20+$0xCBB0]  }
0xe9: {  	v18 =	vadd.f32 v11, v4;
	v0 =	vld [tilespmem:s20+$0xCBC0];
	v17 =	vadd.f32 v16, v5  }
0xea: {  	v1 =	vld [tilespmem:s20+$0xCBD0]  }
0xeb: {  	v14 =	vld [tilespmem:s20+$0xCB00]  }
0xec: {  	v16 =	vld [tilespmem:s20+$0xCB10]  }
0xed: {  	v13 =	vld [tilespmem:s20+$0xCB20]  }
0xee: {  	v15 =	vld [tilespmem:s20+$0xCB30]  }
0xef: {  	v3 =	vld [tilespmem:s20+$0xCB40]  }
0xf0: {  	v2 =	vld [tilespmem:s20+$0xCB50]  }
0xf1: {  	v31 =	vld [tilespmem:s20+$0xCA80]  }
0xf2: {  	v32 =	vld [tilespmem:s20+$0xCA90]  }
0xf3: {  	v33 =	vld [tilespmem:s20+$0xCAA0]  }
0xf4: {  	v34 =	vld [tilespmem:s20+$0xCAB0]  }
0xf5: {  	v4 =	vld [tilespmem:s20+$0xCAC0]  }
0xf6: {  	v5 =	vld [tilespmem:s20+$0xCAD0]  }
0xf7: {  	v29 =	vld [tilespmem:s20+$0xCA00]  }
0xf8: {  	v30 =	vld [tilespmem:s20+$0xCA10]  }
0xf9: {  	v35 =	vld [tilespmem:s20+$0xCA20]  }
0xfa: {  	v36 =	vld [tilespmem:s20+$0xCA30]  }
0xfb: {  	v10 =	vld [tilespmem:s20+$0xCA40]  }
0xfc: {  	v11 =	vld [tilespmem:s20+$0xCA50]  }
0xfd: {  	v27 =	vld [tilespmem:s20+$0xC980]  }
0xfe: {  	v28 =	vld [tilespmem:s20+$0xC990]  }
0xff: {  	v25 =	vld [tilespmem:s20+$0xC900]  }
0x100: {  	v26 =	vld [tilespmem:s20+$0xC910]  }
0x101: {  	v21 =	vld [tilespmem:s20+$0xC880]  }
0x102: {  	v37 =	vld [tilespmem:s20+$0xC890]  }
0x103: {  	v38 =	vld [tilespmem:s20+$0xC800]  }
0x104: {  	v39 =	vld [tilespmem:s20+$0xC810]  }
0x105: {  	v40 =	vld [tilespmem:s20+$0xC820]  }
0x106: {  	v41 =	vld [tilespmem:s20+$0xC830]  }
0x107: {  	v42 =	vld [tilespmem:s20+$0xC8A0]  }
0x108: {  	v43 =	vld [tilespmem:s20+$0xC8B0]  }
0x109: {  	v44 =	vld [tilespmem:s20+$0xC920]  }
0x10a: {  	v22 =	vadd.f32 v38, v22;
	v23 =	vadd.f32 v39, v23;
	v38 =	vld [tilespmem:s20+$0xC930]  }
0x10b: {  	v24 =	vadd.f32 v40, v24;
	v39 =	vld [tilespmem:s20+$0xC9A0];
	v20 =	vadd.f32 v41, v20  }
0x10c: {  	v22 =	vadd.f32 v21, v22;
	v23 =	vadd.f32 v37, v23;
	v37 =	vld [tilespmem:s20+$0xC9B0]  }
0x10d: {  	v24 =	vadd.f32 v42, v24;
	v20 =	vadd.f32 v43, v20;
	v21 =	vld [tilespmem:s20+$0xC9C0]  }
0x10e: {  	v22 =	vadd.f32 v25, v22;
	v23 =	vadd.f32 v26, v23;
	v25 =	vld [tilespmem:s20+$0xC9D0]  }
0x10f: {  	v24 =	vadd.f32 v44, v24;
	v20 =	vadd.f32 v38, v20;
	v26 =	vld [tilespmem:s20+$0xC940]  }
0x110: {  	v22 =	vadd.f32 v27, v22;
	v23 =	vadd.f32 v28, v23;
	v27 =	vld [tilespmem:s20+$0xC950]  }
.Ltmp3:
0x111: {  	v24 =	vadd.f32 v39, v24;
	v20 =	vadd.f32 v37, v20;
	v28 =	vld [tilespmem:s20+$0xC8C0];
	(pc) =	sbr.rel @p0 .LBB2_5-.Ltmp3, $4  }
0x112: {  	v22 =	vadd.f32 v29, v22;
	v23 =	vadd.f32 v30, v23;
	v29 =	vld [tilespmem:s20+$0xC8D0]  }
0x113: {  	v24 =	vadd.f32 v35, v24;
	v35 =	vadd.f32 v36, v20;
	v30 =	vld [tilespmem:s20+$0xC840]  }
0x114: {  	v20 =	vadd.f32 v31, v22;
	v22 =	vadd.f32 v32, v23;
	v31 =	vld [tilespmem:s20+$0xC850]  }
0x115: {  	s21 =	sadd.s32 $0x1000, s21;
	v23 =	vadd.f32 v33, v24;
	v24 =	vadd.f32 v34, v35;
	v32 =	vld [tilespmem:s20+$0xC860]  }
0x116: {  	v14 =	vadd.f32 v14, v20;
	v16 =	vadd.f32 v16, v22  }
0x117: {  	v20 =	vld [tilespmem:s20+$0xC870];
	v13 =	vadd.f32 v13, v23;
	v15 =	vadd.f32 v15, v24  }
0x118: {  	v22 =	vld [tilespmem:s20+$0xC8E0];
	v6 =	vadd.f32 v6, v14;
	v7 =	vadd.f32 v7, v16  }
0x119: {  	v14 =	vld [tilespmem:s20+$0xC8F0];
	v12 =	vadd.f32 v30, v12;
	v8 =	vadd.f32 v8, v13  }
0x11a: {  	v13 =	vld [tilespmem:s20+$0xC960];
	v9 =	vadd.f32 v9, v15;
	v15 =	vadd.f32 v31, v19  }
0x11b: {  	v16 =	vld [tilespmem:s20+$0xC970];
	v18 =	vadd.f32 v32, v18;
	v12 =	vadd.f32 v28, v12  }
0x11c: {  	v19 =	vld [tilespmem:s20+$0xC9E0];
	v17 =	vadd.f32 v20, v17;
	v15 =	vadd.f32 v29, v15  }
0x11d: {  	v20 =	vld [tilespmem:s20+$0xC9F0];
	v18 =	vadd.f32 v22, v18;
	v12 =	vadd.f32 v26, v12  }
0x11e: {  	v22 =	vld [tilespmem:s20+$0xCA60];
	v14 =	vadd.f32 v14, v17;
	v15 =	vadd.f32 v27, v15  }
0x11f: {  	v17 =	vld [tilespmem:s20+$0xCA70];
	v13 =	vadd.f32 v13, v18;
	v12 =	vadd.f32 v21, v12  }
0x120: {  	v18 =	vld [tilespmem:s20+$0xCAE0];
	v14 =	vadd.f32 v16, v14;
	v15 =	vadd.f32 v25, v15  }
0x121: {  	v16 =	vld [tilespmem:s20+$0xCAF0];
	v13 =	vadd.f32 v19, v13;
	v10 =	vadd.f32 v10, v12  }
0x122: {  	v19 =	vld [tilespmem:s20+$0xCB60];
	v12 =	vadd.f32 v20, v14;
	v11 =	vadd.f32 v11, v15  }
0x123: {  	v14 =	vld [tilespmem:s20+$0xCB70];
	v13 =	vadd.f32 v22, v13;
	v4 =	vadd.f32 v4, v10  }
0x124: {  	v15 =	vld [tilespmem:s20+$0xCBE0];
	v10 =	vadd.f32 v17, v12;
	v5 =	vadd.f32 v5, v11  }
0x125: {  	v11 =	vld [tilespmem:s20+$0xCBF0];
	[tilespmem:$0x1F480] =	vst v6;
	v12 =	vadd.f32 v18, v13;
	v3 =	vadd.f32 v3, v4  }
0x126: {  	[tilespmem:$0x1F490] =	vst v7;
	v4 =	vadd.f32 v16, v10;
	v2 =	vadd.f32 v2, v5  }
0x127: {  	[tilespmem:$0x1F4A0] =	vst v8;
	v5 =	vadd.f32 v19, v12;
	v0 =	vadd.f32 v0, v3  }
0x128: {  	[tilespmem:$0x1F4B0] =	vst v9;
	v3 =	vadd.f32 v14, v4;
	v1 =	vadd.f32 v1, v2  }
0x129: {  	v2 =	vadd.f32 v15, v5;
	[tilespmem:$0x1F4C0] =	vst v0  }
0x12a: {  	v0 =	vadd.f32 v11, v3;
	[tilespmem:$0x1F4D0] =	vst v1  }
0x12b: {  	p0 =	seq.s32 s19, $0x0;
	s29 =	sshll.u32 s19, $0x6;
	p1 =	seq.s32 s19, $0x1F;
	[tilespmem:$0x1F4E0] =	vst v2  }
0x12c: {  	s22 =	simm.s32 @!p0 $0x3;
	s23 =	sand.u32 $0x780, s29;
	s21 =	sand.u32 $0x40, s29;
	[tilespmem:$0x1F4F0] =	vst v0  }
0x12d: {  	s20 =	sor.u32 s6, s23;
	s23 =	smul.u32 @!p1 $0xC80, s19;
	_ =	swait.ge @!p0 [sflag:s22], $0x100  }
0x12e: {  	s30 =	sadd.s32 s4, s21;
	[sflag:s22] =	ssyncset.done @!p0 $0x0  }
0x12f: {  	s31 =	sadd.s32 s20, s30;
	[sflag:s22] =	ssyncadd.s32 @!p0 $0xFFFFFF00;
	s22 =	sshra.s32 @!p1 s23, $0x2  }
0x130: {  	[hbm4b:s31+s3] =	stream.linear.scatter [tilespmem:s13], [sflag:$0x3], $0x100, $0x38;
	[tilespmem:$0x1F600] =	vst v63  }
0x131: {  	s24 =	simm.s32 @!p1 $0x6400;
	s23 =	simm.s32 @!p1 $0x190;
	s22 =	sadd.s32 @!p1 $0x320, s22  }
0x132: {  	[tilespmem:s24], [sflag:$0x1] =	stream.indirect.gather @!p1 [hbm4b:s2+s23], $0x80, s22, s23, $0xb8;
	[tilespmem:$0x1F600] =	vst v63  }
0x133: {  	_ =	swait.ge [sflag:s14], $0xC800  }
0x134: {  	[sflag:s14] =	ssyncset.done $0x0  }
0x135: {  	s22 =	simm.s32 $0x0;
	[sflag:s14] =	ssyncadd.s32 $0xFFFF3800  }
0x136: {  	v6 =	vld [tilespmem:s22+$0x12F80]  }
0x137: {  	v7 =	vld [tilespmem:s22+$0x12F90]  }
0x138: {  	v8 =	vld [tilespmem:s22+$0x12FA0]  }
0x139: {  	v9 =	vld [tilespmem:s22+$0x12FB0]  }
0x13a: {  	v0 =	vld [tilespmem:s22+$0x12FC0]  }
0x13b: {  	v1 =	vld [tilespmem:s22+$0x12FD0]  }
0x13c: {  	v14 =	vld [tilespmem:s22+$0x12F00]  }
0x13d: {  	v16 =	vld [tilespmem:s22+$0x12F10]  }
0x13e: {  	v13 =	vld [tilespmem:s22+$0x12F20]  }
0x13f: {  	v15 =	vld [tilespmem:s22+$0x12F30]  }
0x140: {  	v3 =	vld [tilespmem:s22+$0x12F40]  }
0x141: {  	v2 =	vld [tilespmem:s22+$0x12F50]  }
0x142: {  	v17 =	vld [tilespmem:s22+$0x12E80]  }
0x143: {  	v18 =	vld [tilespmem:s22+$0x12E90]  }
0x144: {  	v19 =	vld [tilespmem:s22+$0x12EA0]  }
0x145: {  	v24 =	vld [tilespmem:s22+$0x12EB0]  }
0x146: {  	v4 =	vld [tilespmem:s22+$0x12EC0]  }
0x147: {  	v5 =	vld [tilespmem:s22+$0x12ED0]  }
0x148: {  	v20 =	vld [tilespmem:s22+$0x12E00]  }
0x149: {  	v22 =	vld [tilespmem:s22+$0x12E10]  }
0x14a: {  	v23 =	vld [tilespmem:s22+$0x12E20]  }
0x14b: {  	v30 =	vld [tilespmem:s22+$0x12E30]  }
0x14c: {  	v10 =	vld [tilespmem:s22+$0x12E40]  }
0x14d: {  	v27 =	vld [tilespmem:s22+$0x12D80]  }
0x14e: {  	v28 =	vld [tilespmem:s22+$0x12D90]  }
0x14f: {  	v25 =	vld [tilespmem:s22+$0x12D00]  }
0x150: {  	v26 =	vld [tilespmem:s22+$0x12D10]  }
0x151: {  	v11 =	vld [tilespmem:s22+$0x12C80]  }
0x152: {  	v21 =	vld [tilespmem:s22+$0x12C90]  }
0x153: {  	v29 =	vld [tilespmem:s22+$0x12C00]  }
0x154: {  	v31 =	vld [tilespmem:s22+$0x12C10]  }
0x155: {  	v62 =	vld [tilespmem:s22+$0x12C20]  }
0x156: {  	v33 =	vld [tilespmem:s22+$0x12C30]  }
0x157: {  	v34 =	vld [tilespmem:s22+$0x12CA0]  }
0x158: {  	v35 =	vld [tilespmem:s22+$0x12CB0]  }
0x159: {  	v12 =	vimm.f32 $0.0e+00;
	v36 =	vld [tilespmem:s22+$0x12D20]  }
0x15a: {  	v37 =	vld [tilespmem:s22+$0x12D30];
	v29 =	vadd.f32 v29, v12;
	v31 =	vadd.f32 v31, v12  }
0x15b: {  	v38 =	vld [tilespmem:s22+$0x12DA0];
	v32 =	vadd.f32 v62, v12;
	v33 =	vadd.f32 v33, v12  }
0x15c: {  	v39 =	vld [tilespmem:s22+$0x12DB0];
	v29 =	vadd.f32 v11, v29;
	v31 =	vadd.f32 v21, v31  }
0x15d: {  	v11 =	vld [tilespmem:s22+$0x12E50];
	v32 =	vadd.f32 v34, v32;
	v33 =	vadd.f32 v35, v33  }
0x15e: {  	v21 =	vld [tilespmem:s22+$0x12DC0];
	v29 =	vadd.f32 v25, v29;
	v31 =	vadd.f32 v26, v31  }
0x15f: {  	v25 =	vld [tilespmem:s22+$0x12DD0];
	v32 =	vadd.f32 v36, v32;
	v33 =	vadd.f32 v37, v33  }
0x160: {  	v26 =	vld [tilespmem:s22+$0x12D40];
	v29 =	vadd.f32 v27, v29;
	v31 =	vadd.f32 v28, v31  }
0x161: {  	v27 =	vld [tilespmem:s22+$0x12D50];
	v32 =	vadd.f32 v38, v32;
	v33 =	vadd.f32 v39, v33  }
0x162: {  	v28 =	vld [tilespmem:s22+$0x12CC0];
	v20 =	vadd.f32 v20, v29;
	v22 =	vadd.f32 v22, v31  }
0x163: {  	v29 =	vld [tilespmem:s22+$0x12CD0];
	v23 =	vadd.f32 v23, v32;
	v63 =	vadd.f32 v30, v33  }
0x164: {  	v30 =	vld [tilespmem:s22+$0x12C40];
	v20 =	vadd.f32 v17, v20;
	v22 =	vadd.f32 v18, v22  }
0x165: {  	v31 =	vld [tilespmem:s22+$0x12C50];
	v23 =	vadd.f32 v19, v23;
	v24 =	vadd.f32 v24, v63  }
0x166: {  	s23 =	simm.s32 $0x1000;
	v32 =	vld [tilespmem:s22+$0x12C60];
	v19 =	vimm.f32 $0.0e+00;
	v18 =	vimm.f32 $0.0e+00;
	v17 =	vimm.f32 $0.0e+00  }
.LBB2_7:
0x167: {  	p2 =	sne.s32 s23, $0x18000;
	v14 =	vadd.f32 v14, v20;
	v16 =	vadd.f32 v16, v22;
	v33 =	vld [tilespmem:s22+$0x12C70]  }
0x168: {  	v13 =	vadd.f32 v13, v23;
	v15 =	vadd.f32 v15, v24;
	v34 =	vld [tilespmem:s22+$0x12CE0]  }
0x169: {  	v22 =	vadd.f32 v6, v14;
	v23 =	vadd.f32 v7, v16;
	v6 =	vld [tilespmem:s22+$0x12CF0]  }
0x16a: {  	v24 =	vadd.f32 v8, v13;
	v20 =	vadd.f32 v9, v15;
	v7 =	vld [tilespmem:s22+$0x12D60]  }
0x16b: {  	v8 =	vadd.f32 v30, v12;
	v9 =	vadd.f32 v31, v19;
	v12 =	vld [tilespmem:s22+$0x12D70]  }
0x16c: {  	v13 =	vadd.f32 v32, v18;
	v14 =	vld [tilespmem:s22+$0x12DE0];
	v15 =	vadd.f32 v33, v17  }
0x16d: {  	v8 =	vadd.f32 v28, v8;
	v9 =	vadd.f32 v29, v9;
	v16 =	vld [tilespmem:s22+$0x12DF0]  }
0x16e: {  	v13 =	vadd.f32 v34, v13;
	v17 =	vld [tilespmem:s22+$0x12E60];
	v6 =	vadd.f32 v6, v15  }
0x16f: {  	v8 =	vadd.f32 v26, v8;
	v9 =	vadd.f32 v27, v9;
	v15 =	vld [tilespmem:s22+$0x12E70]  }
0x170: {  	v7 =	vadd.f32 v7, v13;
	v13 =	vld [tilespmem:s22+$0x12EE0];
	v6 =	vadd.f32 v12, v6  }
0x171: {  	v8 =	vadd.f32 v21, v8;
	v9 =	vadd.f32 v25, v9;
	v12 =	vld [tilespmem:s22+$0x12EF0]  }
0x172: {  	v7 =	vadd.f32 v14, v7;
	v14 =	vld [tilespmem:s22+$0x12F60];
	v6 =	vadd.f32 v16, v6  }
0x173: {  	v8 =	vadd.f32 v10, v8;
	v9 =	vadd.f32 v11, v9;
	v10 =	vld [tilespmem:s22+$0x12F70]  }
0x174: {  	v7 =	vadd.f32 v17, v7;
	v11 =	vld [tilespmem:s22+$0x12FE0];
	v15 =	vadd.f32 v15, v6  }
0x175: {  	v4 =	vadd.f32 v4, v8;
	v5 =	vadd.f32 v5, v9;
	v16 =	vld [tilespmem:s22+$0x12FF0];
	s22 =	sshra.s32 s23, $0x2  }
0x176: {  	v9 =	vadd.f32 v13, v7;
	v6 =	vld [tilespmem:s22+$0x12F80];
	v12 =	vadd.f32 v12, v15  }
0x177: {  	v3 =	vadd.f32 v3, v4;
	v2 =	vadd.f32 v2, v5;
	v7 =	vld [tilespmem:s22+$0x12F90]  }
0x178: {  	v4 =	vadd.f32 v14, v9;
	v8 =	vld [tilespmem:s22+$0x12FA0];
	v5 =	vadd.f32 v10, v12  }
0x179: {  	v12 =	vadd.f32 v0, v3;
	v19 =	vadd.f32 v1, v2;
	v9 =	vld [tilespmem:s22+$0x12FB0]  }
0x17a: {  	v18 =	vadd.f32 v11, v4;
	v0 =	vld [tilespmem:s22+$0x12FC0];
	v17 =	vadd.f32 v16, v5  }
0x17b: {  	v1 =	vld [tilespmem:s22+$0x12FD0]  }
0x17c: {  	v14 =	vld [tilespmem:s22+$0x12F00]  }
0x17d: {  	v16 =	vld [tilespmem:s22+$0x12F10]  }
0x17e: {  	v13 =	vld [tilespmem:s22+$0x12F20]  }
0x17f: {  	v15 =	vld [tilespmem:s22+$0x12F30]  }
0x180: {  	v3 =	vld [tilespmem:s22+$0x12F40]  }
0x181: {  	v2 =	vld [tilespmem:s22+$0x12F50]  }
0x182: {  	v31 =	vld [tilespmem:s22+$0x12E80]  }
0x183: {  	v32 =	vld [tilespmem:s22+$0x12E90]  }
0x184: {  	v33 =	vld [tilespmem:s22+$0x12EA0]  }
0x185: {  	v34 =	vld [tilespmem:s22+$0x12EB0]  }
0x186: {  	v4 =	vld [tilespmem:s22+$0x12EC0]  }
0x187: {  	v5 =	vld [tilespmem:s22+$0x12ED0]  }
0x188: {  	v29 =	vld [tilespmem:s22+$0x12E00]  }
0x189: {  	v30 =	vld [tilespmem:s22+$0x12E10]  }
0x18a: {  	v35 =	vld [tilespmem:s22+$0x12E20]  }
0x18b: {  	v36 =	vld [tilespmem:s22+$0x12E30]  }
0x18c: {  	v10 =	vld [tilespmem:s22+$0x12E40]  }
0x18d: {  	v11 =	vld [tilespmem:s22+$0x12E50]  }
0x18e: {  	v27 =	vld [tilespmem:s22+$0x12D80]  }
0x18f: {  	v28 =	vld [tilespmem:s22+$0x12D90]  }
0x190: {  	v25 =	vld [tilespmem:s22+$0x12D00]  }
0x191: {  	v26 =	vld [tilespmem:s22+$0x12D10]  }
0x192: {  	v21 =	vld [tilespmem:s22+$0x12C80]  }
0x193: {  	v37 =	vld [tilespmem:s22+$0x12C90]  }
0x194: {  	v38 =	vld [tilespmem:s22+$0x12C00]  }
0x195: {  	v39 =	vld [tilespmem:s22+$0x12C10]  }
0x196: {  	v40 =	vld [tilespmem:s22+$0x12C20]  }
0x197: {  	v41 =	vld [tilespmem:s22+$0x12C30]  }
0x198: {  	v42 =	vld [tilespmem:s22+$0x12CA0]  }
0x199: {  	v43 =	vld [tilespmem:s22+$0x12CB0]  }
0x19a: {  	v44 =	vld [tilespmem:s22+$0x12D20]  }
0x19b: {  	v22 =	vadd.f32 v38, v22;
	v23 =	vadd.f32 v39, v23;
	v38 =	vld [tilespmem:s22+$0x12D30]  }
0x19c: {  	v24 =	vadd.f32 v40, v24;
	v39 =	vld [tilespmem:s22+$0x12DA0];
	v20 =	vadd.f32 v41, v20  }
0x19d: {  	v22 =	vadd.f32 v21, v22;
	v23 =	vadd.f32 v37, v23;
	v37 =	vld [tilespmem:s22+$0x12DB0]  }
0x19e: {  	v24 =	vadd.f32 v42, v24;
	v20 =	vadd.f32 v43, v20;
	v21 =	vld [tilespmem:s22+$0x12DC0]  }
0x19f: {  	v22 =	vadd.f32 v25, v22;
	v23 =	vadd.f32 v26, v23;
	v25 =	vld [tilespmem:s22+$0x12DD0]  }
0x1a0: {  	v24 =	vadd.f32 v44, v24;
	v20 =	vadd.f32 v38, v20;
	v26 =	vld [tilespmem:s22+$0x12D40]  }
0x1a1: {  	v22 =	vadd.f32 v27, v22;
	v23 =	vadd.f32 v28, v23;
	v27 =	vld [tilespmem:s22+$0x12D50]  }
.Ltmp4:
0x1a2: {  	v24 =	vadd.f32 v39, v24;
	v20 =	vadd.f32 v37, v20;
	v28 =	vld [tilespmem:s22+$0x12CC0];
	(pc) =	sbr.rel @p2 .LBB2_7-.Ltmp4, $4  }
0x1a3: {  	v22 =	vadd.f32 v29, v22;
	v23 =	vadd.f32 v30, v23;
	v29 =	vld [tilespmem:s22+$0x12CD0]  }
0x1a4: {  	v24 =	vadd.f32 v35, v24;
	v35 =	vadd.f32 v36, v20;
	v30 =	vld [tilespmem:s22+$0x12C40]  }
0x1a5: {  	v20 =	vadd.f32 v31, v22;
	v22 =	vadd.f32 v32, v23;
	v31 =	vld [tilespmem:s22+$0x12C50]  }
0x1a6: {  	s23 =	sadd.s32 $0x1000, s23;
	v23 =	vadd.f32 v33, v24;
	v24 =	vadd.f32 v34, v35;
	v32 =	vld [tilespmem:s22+$0x12C60]  }
0x1a7: {  	v14 =	vadd.f32 v14, v20;
	v16 =	vadd.f32 v16, v22  }
0x1a8: {  	v20 =	vld [tilespmem:s22+$0x12C70];
	v13 =	vadd.f32 v13, v23;
	v15 =	vadd.f32 v15, v24  }
0x1a9: {  	v22 =	vld [tilespmem:s22+$0x12CE0];
	v6 =	vadd.f32 v6, v14;
	v7 =	vadd.f32 v7, v16  }
0x1aa: {  	v14 =	vld [tilespmem:s22+$0x12CF0];
	v12 =	vadd.f32 v30, v12;
	v8 =	vadd.f32 v8, v13  }
0x1ab: {  	v13 =	vld [tilespmem:s22+$0x12D60];
	v9 =	vadd.f32 v9, v15;
	v15 =	vadd.f32 v31, v19  }
0x1ac: {  	v16 =	vld [tilespmem:s22+$0x12D70];
	v18 =	vadd.f32 v32, v18;
	v12 =	vadd.f32 v28, v12  }
0x1ad: {  	v19 =	vld [tilespmem:s22+$0x12DE0];
	v17 =	vadd.f32 v20, v17;
	v15 =	vadd.f32 v29, v15  }
0x1ae: {  	v20 =	vld [tilespmem:s22+$0x12DF0];
	v18 =	vadd.f32 v22, v18;
	v12 =	vadd.f32 v26, v12  }
0x1af: {  	v22 =	vld [tilespmem:s22+$0x12E60];
	v14 =	vadd.f32 v14, v17;
	v15 =	vadd.f32 v27, v15  }
0x1b0: {  	v17 =	vld [tilespmem:s22+$0x12E70];
	v13 =	vadd.f32 v13, v18;
	v12 =	vadd.f32 v21, v12  }
0x1b1: {  	v18 =	vld [tilespmem:s22+$0x12EE0];
	v14 =	vadd.f32 v16, v14;
	v15 =	vadd.f32 v25, v15  }
0x1b2: {  	v16 =	vld [tilespmem:s22+$0x12EF0];
	v13 =	vadd.f32 v19, v13;
	v10 =	vadd.f32 v10, v12  }
0x1b3: {  	v19 =	vld [tilespmem:s22+$0x12F60];
	v12 =	vadd.f32 v20, v14;
	v11 =	vadd.f32 v11, v15  }
0x1b4: {  	v14 =	vld [tilespmem:s22+$0x12F70];
	v13 =	vadd.f32 v22, v13;
	v4 =	vadd.f32 v4, v10  }
0x1b5: {  	v15 =	vld [tilespmem:s22+$0x12FE0];
	v10 =	vadd.f32 v17, v12;
	v5 =	vadd.f32 v5, v11  }
0x1b6: {  	v11 =	vld [tilespmem:s22+$0x12FF0];
	[tilespmem:$0x1F500] =	vst v6;
	v12 =	vadd.f32 v18, v13;
	v3 =	vadd.f32 v3, v4  }
0x1b7: {  	[tilespmem:$0x1F510] =	vst v7;
	v4 =	vadd.f32 v16, v10;
	v2 =	vadd.f32 v2, v5  }
0x1b8: {  	[tilespmem:$0x1F520] =	vst v8;
	v5 =	vadd.f32 v19, v12;
	v0 =	vadd.f32 v0, v3  }
0x1b9: {  	[tilespmem:$0x1F530] =	vst v9;
	v3 =	vadd.f32 v14, v4;
	v1 =	vadd.f32 v1, v2  }
0x1ba: {  	v2 =	vadd.f32 v15, v5;
	[tilespmem:$0x1F540] =	vst v0  }
0x1bb: {  	v0 =	vadd.f32 v11, v3;
	[tilespmem:$0x1F550] =	vst v1  }
0x1bc: {  	[tilespmem:$0x1F560] =	vst v2  }
0x1bd: {  	s22 =	simm.s32 $0x0;
	[tilespmem:$0x1F570] =	vst v0  }
0x1be: {  	v6 =	vld [tilespmem:s22+$0x19380]  }
0x1bf: {  	v7 =	vld [tilespmem:s22+$0x19390]  }
0x1c0: {  	v8 =	vld [tilespmem:s22+$0x193A0]  }
0x1c1: {  	v9 =	vld [tilespmem:s22+$0x193B0]  }
0x1c2: {  	v0 =	vld [tilespmem:s22+$0x193C0]  }
0x1c3: {  	v1 =	vld [tilespmem:s22+$0x193D0]  }
0x1c4: {  	v14 =	vld [tilespmem:s22+$0x19300]  }
0x1c5: {  	v16 =	vld [tilespmem:s22+$0x19310]  }
0x1c6: {  	v13 =	vld [tilespmem:s22+$0x19320]  }
0x1c7: {  	v15 =	vld [tilespmem:s22+$0x19330]  }
0x1c8: {  	v3 =	vld [tilespmem:s22+$0x19340]  }
0x1c9: {  	v2 =	vld [tilespmem:s22+$0x19350]  }
0x1ca: {  	v17 =	vld [tilespmem:s22+$0x19280]  }
0x1cb: {  	v18 =	vld [tilespmem:s22+$0x19290]  }
0x1cc: {  	v19 =	vld [tilespmem:s22+$0x192A0]  }
0x1cd: {  	v24 =	vld [tilespmem:s22+$0x192B0]  }
0x1ce: {  	v4 =	vld [tilespmem:s22+$0x192C0]  }
0x1cf: {  	v5 =	vld [tilespmem:s22+$0x192D0]  }
0x1d0: {  	v20 =	vld [tilespmem:s22+$0x19200]  }
0x1d1: {  	v22 =	vld [tilespmem:s22+$0x19210]  }
0x1d2: {  	v23 =	vld [tilespmem:s22+$0x19220]  }
0x1d3: {  	v30 =	vld [tilespmem:s22+$0x19230]  }
0x1d4: {  	v10 =	vld [tilespmem:s22+$0x19240]  }
0x1d5: {  	v27 =	vld [tilespmem:s22+$0x19180]  }
0x1d6: {  	v28 =	vld [tilespmem:s22+$0x19190]  }
0x1d7: {  	v25 =	vld [tilespmem:s22+$0x19100]  }
0x1d8: {  	v26 =	vld [tilespmem:s22+$0x19110]  }
0x1d9: {  	v11 =	vld [tilespmem:s22+$0x19080]  }
0x1da: {  	v21 =	vld [tilespmem:s22+$0x19090]  }
0x1db: {  	v29 =	vld [tilespmem:s22+$0x19000]  }
0x1dc: {  	v31 =	vld [tilespmem:s22+$0x19010]  }
0x1dd: {  	v62 =	vld [tilespmem:s22+$0x19020]  }
0x1de: {  	v33 =	vld [tilespmem:s22+$0x19030]  }
0x1df: {  	v34 =	vld [tilespmem:s22+$0x190A0]  }
0x1e0: {  	v35 =	vld [tilespmem:s22+$0x190B0]  }
0x1e1: {  	v12 =	vimm.f32 $0.0e+00;
	v36 =	vld [tilespmem:s22+$0x19120]  }
0x1e2: {  	v37 =	vld [tilespmem:s22+$0x19130];
	v29 =	vadd.f32 v29, v12;
	v31 =	vadd.f32 v31, v12  }
0x1e3: {  	v38 =	vld [tilespmem:s22+$0x191A0];
	v32 =	vadd.f32 v62, v12;
	v33 =	vadd.f32 v33, v12  }
0x1e4: {  	v39 =	vld [tilespmem:s22+$0x191B0];
	v29 =	vadd.f32 v11, v29;
	v31 =	vadd.f32 v21, v31  }
0x1e5: {  	v11 =	vld [tilespmem:s22+$0x19250];
	v32 =	vadd.f32 v34, v32;
	v33 =	vadd.f32 v35, v33  }
0x1e6: {  	v21 =	vld [tilespmem:s22+$0x191C0];
	v29 =	vadd.f32 v25, v29;
	v31 =	vadd.f32 v26, v31  }
0x1e7: {  	v25 =	vld [tilespmem:s22+$0x191D0];
	v32 =	vadd.f32 v36, v32;
	v33 =	vadd.f32 v37, v33  }
0x1e8: {  	v26 =	vld [tilespmem:s22+$0x19140];
	v29 =	vadd.f32 v27, v29;
	v31 =	vadd.f32 v28, v31  }
0x1e9: {  	v27 =	vld [tilespmem:s22+$0x19150];
	v32 =	vadd.f32 v38, v32;
	v33 =	vadd.f32 v39, v33  }
0x1ea: {  	v28 =	vld [tilespmem:s22+$0x190C0];
	v20 =	vadd.f32 v20, v29;
	v22 =	vadd.f32 v22, v31  }
0x1eb: {  	v29 =	vld [tilespmem:s22+$0x190D0];
	v23 =	vadd.f32 v23, v32;
	v63 =	vadd.f32 v30, v33  }
0x1ec: {  	v30 =	vld [tilespmem:s22+$0x19040];
	v20 =	vadd.f32 v17, v20;
	v22 =	vadd.f32 v18, v22  }
0x1ed: {  	v31 =	vld [tilespmem:s22+$0x19050];
	v23 =	vadd.f32 v19, v23;
	v24 =	vadd.f32 v24, v63  }
0x1ee: {  	s23 =	simm.s32 $0x1000;
	v32 =	vld [tilespmem:s22+$0x19060];
	v19 =	vimm.f32 $0.0e+00;
	v18 =	vimm.f32 $0.0e+00;
	v17 =	vimm.f32 $0.0e+00  }
.LBB2_9:
0x1ef: {  	p2 =	sne.s32 s23, $0x18000;
	v14 =	vadd.f32 v14, v20;
	v16 =	vadd.f32 v16, v22;
	v33 =	vld [tilespmem:s22+$0x19070]  }
0x1f0: {  	v13 =	vadd.f32 v13, v23;
	v15 =	vadd.f32 v15, v24;
	v34 =	vld [tilespmem:s22+$0x190E0]  }
0x1f1: {  	v22 =	vadd.f32 v6, v14;
	v23 =	vadd.f32 v7, v16;
	v6 =	vld [tilespmem:s22+$0x190F0]  }
0x1f2: {  	v24 =	vadd.f32 v8, v13;
	v20 =	vadd.f32 v9, v15;
	v7 =	vld [tilespmem:s22+$0x19160]  }
0x1f3: {  	v8 =	vadd.f32 v30, v12;
	v9 =	vadd.f32 v31, v19;
	v12 =	vld [tilespmem:s22+$0x19170]  }
0x1f4: {  	v13 =	vadd.f32 v32, v18;
	v14 =	vld [tilespmem:s22+$0x191E0];
	v15 =	vadd.f32 v33, v17  }
0x1f5: {  	v8 =	vadd.f32 v28, v8;
	v9 =	vadd.f32 v29, v9;
	v16 =	vld [tilespmem:s22+$0x191F0]  }
0x1f6: {  	v13 =	vadd.f32 v34, v13;
	v17 =	vld [tilespmem:s22+$0x19260];
	v6 =	vadd.f32 v6, v15  }
0x1f7: {  	v8 =	vadd.f32 v26, v8;
	v9 =	vadd.f32 v27, v9;
	v15 =	vld [tilespmem:s22+$0x19270]  }
0x1f8: {  	v7 =	vadd.f32 v7, v13;
	v13 =	vld [tilespmem:s22+$0x192E0];
	v6 =	vadd.f32 v12, v6  }
0x1f9: {  	v8 =	vadd.f32 v21, v8;
	v9 =	vadd.f32 v25, v9;
	v12 =	vld [tilespmem:s22+$0x192F0]  }
0x1fa: {  	v7 =	vadd.f32 v14, v7;
	v14 =	vld [tilespmem:s22+$0x19360];
	v6 =	vadd.f32 v16, v6  }
0x1fb: {  	v8 =	vadd.f32 v10, v8;
	v9 =	vadd.f32 v11, v9;
	v10 =	vld [tilespmem:s22+$0x19370]  }
0x1fc: {  	v7 =	vadd.f32 v17, v7;
	v11 =	vld [tilespmem:s22+$0x193E0];
	v15 =	vadd.f32 v15, v6  }
0x1fd: {  	v4 =	vadd.f32 v4, v8;
	v5 =	vadd.f32 v5, v9;
	v16 =	vld [tilespmem:s22+$0x193F0];
	s22 =	sshra.s32 s23, $0x2  }
0x1fe: {  	v9 =	vadd.f32 v13, v7;
	v6 =	vld [tilespmem:s22+$0x19380];
	v12 =	vadd.f32 v12, v15  }
0x1ff: {  	v3 =	vadd.f32 v3, v4;
	v2 =	vadd.f32 v2, v5;
	v7 =	vld [tilespmem:s22+$0x19390]  }
0x200: {  	v4 =	vadd.f32 v14, v9;
	v8 =	vld [tilespmem:s22+$0x193A0];
	v5 =	vadd.f32 v10, v12  }
0x201: {  	v12 =	vadd.f32 v0, v3;
	v19 =	vadd.f32 v1, v2;
	v9 =	vld [tilespmem:s22+$0x193B0]  }
0x202: {  	v18 =	vadd.f32 v11, v4;
	v0 =	vld [tilespmem:s22+$0x193C0];
	v17 =	vadd.f32 v16, v5  }
0x203: {  	v1 =	vld [tilespmem:s22+$0x193D0]  }
0x204: {  	v14 =	vld [tilespmem:s22+$0x19300]  }
0x205: {  	v16 =	vld [tilespmem:s22+$0x19310]  }
0x206: {  	v13 =	vld [tilespmem:s22+$0x19320]  }
0x207: {  	v15 =	vld [tilespmem:s22+$0x19330]  }
0x208: {  	v3 =	vld [tilespmem:s22+$0x19340]  }
0x209: {  	v2 =	vld [tilespmem:s22+$0x19350]  }
0x20a: {  	v31 =	vld [tilespmem:s22+$0x19280]  }
0x20b: {  	v32 =	vld [tilespmem:s22+$0x19290]  }
0x20c: {  	v33 =	vld [tilespmem:s22+$0x192A0]  }
0x20d: {  	v34 =	vld [tilespmem:s22+$0x192B0]  }
0x20e: {  	v4 =	vld [tilespmem:s22+$0x192C0]  }
0x20f: {  	v5 =	vld [tilespmem:s22+$0x192D0]  }
0x210: {  	v29 =	vld [tilespmem:s22+$0x19200]  }
0x211: {  	v30 =	vld [tilespmem:s22+$0x19210]  }
0x212: {  	v35 =	vld [tilespmem:s22+$0x19220]  }
0x213: {  	v36 =	vld [tilespmem:s22+$0x19230]  }
0x214: {  	v10 =	vld [tilespmem:s22+$0x19240]  }
0x215: {  	v11 =	vld [tilespmem:s22+$0x19250]  }
0x216: {  	v27 =	vld [tilespmem:s22+$0x19180]  }
0x217: {  	v28 =	vld [tilespmem:s22+$0x19190]  }
0x218: {  	v25 =	vld [tilespmem:s22+$0x19100]  }
0x219: {  	v26 =	vld [tilespmem:s22+$0x19110]  }
0x21a: {  	v21 =	vld [tilespmem:s22+$0x19080]  }
0x21b: {  	v37 =	vld [tilespmem:s22+$0x19090]  }
0x21c: {  	v38 =	vld [tilespmem:s22+$0x19000]  }
0x21d: {  	v39 =	vld [tilespmem:s22+$0x19010]  }
0x21e: {  	v40 =	vld [tilespmem:s22+$0x19020]  }
0x21f: {  	v41 =	vld [tilespmem:s22+$0x19030]  }
0x220: {  	v42 =	vld [tilespmem:s22+$0x190A0]  }
0x221: {  	v43 =	vld [tilespmem:s22+$0x190B0]  }
0x222: {  	v44 =	vld [tilespmem:s22+$0x19120]  }
0x223: {  	v22 =	vadd.f32 v38, v22;
	v23 =	vadd.f32 v39, v23;
	v38 =	vld [tilespmem:s22+$0x19130]  }
0x224: {  	v24 =	vadd.f32 v40, v24;
	v39 =	vld [tilespmem:s22+$0x191A0];
	v20 =	vadd.f32 v41, v20  }
0x225: {  	v22 =	vadd.f32 v21, v22;
	v23 =	vadd.f32 v37, v23;
	v37 =	vld [tilespmem:s22+$0x191B0]  }
0x226: {  	v24 =	vadd.f32 v42, v24;
	v20 =	vadd.f32 v43, v20;
	v21 =	vld [tilespmem:s22+$0x191C0]  }
0x227: {  	v22 =	vadd.f32 v25, v22;
	v23 =	vadd.f32 v26, v23;
	v25 =	vld [tilespmem:s22+$0x191D0]  }
0x228: {  	v24 =	vadd.f32 v44, v24;
	v20 =	vadd.f32 v38, v20;
	v26 =	vld [tilespmem:s22+$0x19140]  }
0x229: {  	v22 =	vadd.f32 v27, v22;
	v23 =	vadd.f32 v28, v23;
	v27 =	vld [tilespmem:s22+$0x19150]  }
.Ltmp5:
0x22a: {  	v24 =	vadd.f32 v39, v24;
	v20 =	vadd.f32 v37, v20;
	v28 =	vld [tilespmem:s22+$0x190C0];
	(pc) =	sbr.rel @p2 .LBB2_9-.Ltmp5, $4  }
0x22b: {  	v22 =	vadd.f32 v29, v22;
	v23 =	vadd.f32 v30, v23;
	v29 =	vld [tilespmem:s22+$0x190D0]  }
0x22c: {  	v24 =	vadd.f32 v35, v24;
	v35 =	vadd.f32 v36, v20;
	v30 =	vld [tilespmem:s22+$0x19040]  }
0x22d: {  	v20 =	vadd.f32 v31, v22;
	v22 =	vadd.f32 v32, v23;
	v31 =	vld [tilespmem:s22+$0x19050]  }
0x22e: {  	s23 =	sadd.s32 $0x1000, s23;
	v23 =	vadd.f32 v33, v24;
	v24 =	vadd.f32 v34, v35;
	v32 =	vld [tilespmem:s22+$0x19060]  }
0x22f: {  	v14 =	vadd.f32 v14, v20;
	v16 =	vadd.f32 v16, v22  }
0x230: {  	v40 =	vld [tilespmem:s22+$0x19070];
	v13 =	vadd.f32 v13, v23;
	v15 =	vadd.f32 v15, v24  }
0x231: {  	v41 =	vld [tilespmem:s22+$0x190E0];
	v6 =	vadd.f32 v6, v14;
	v7 =	vadd.f32 v7, v16  }
0x232: {  	v42 =	vld [tilespmem:s22+$0x190F0];
	v12 =	vadd.f32 v30, v12;
	v8 =	vadd.f32 v8, v13  }
0x233: {  	v43 =	vld [tilespmem:s22+$0x19160];
	v9 =	vadd.f32 v9, v15;
	v44 =	vadd.f32 v31, v19  }
0x234: {  	v45 =	vld [tilespmem:s22+$0x19170];
	v18 =	vadd.f32 v32, v18;
	v12 =	vadd.f32 v28, v12  }
0x235: {  	v46 =	vld [tilespmem:s22+$0x191E0];
	v17 =	vadd.f32 v40, v17;
	v15 =	vadd.f32 v29, v44  }
0x236: {  	v47 =	vld [tilespmem:s22+$0x191F0];
	v18 =	vadd.f32 v41, v18;
	v12 =	vadd.f32 v26, v12  }
0x237: {  	v48 =	vld [tilespmem:s22+$0x19260];
	v14 =	vadd.f32 v42, v17;
	v15 =	vadd.f32 v27, v15  }
0x238: {  	v49 =	vld [tilespmem:s22+$0x19270];
	v13 =	vadd.f32 v43, v18;
	v12 =	vadd.f32 v21, v12  }
0x239: {  	v50 =	vld [tilespmem:s22+$0x192E0];
	v14 =	vadd.f32 v45, v14;
	v15 =	vadd.f32 v25, v15  }
0x23a: {  	v51 =	vld [tilespmem:s22+$0x192F0];
	v13 =	vadd.f32 v46, v13;
	v10 =	vadd.f32 v10, v12  }
0x23b: {  	v52 =	vld [tilespmem:s22+$0x19360];
	v53 =	vadd.f32 v47, v14;
	v11 =	vadd.f32 v11, v15  }
0x23c: {  	v54 =	vld [tilespmem:s22+$0x19370];
	v13 =	vadd.f32 v48, v13;
	v4 =	vadd.f32 v4, v10  }
0x23d: {  	v55 =	vld [tilespmem:s22+$0x193E0];
	v56 =	vadd.f32 v49, v53;
	v5 =	vadd.f32 v5, v11  }
0x23e: {  	v57 =	vld [tilespmem:s22+$0x193F0];
	[tilespmem:$0x1F580] =	vst v6;
	v58 =	vadd.f32 v50, v13;
	v3 =	vadd.f32 v3, v4  }
0x23f: {  	[tilespmem:$0x1F590] =	vst v7;
	v59 =	vadd.f32 v51, v56;
	v2 =	vadd.f32 v2, v5  }
0x240: {  	[tilespmem:$0x1F5A0] =	vst v8;
	v60 =	vadd.f32 v52, v58;
	v0 =	vadd.f32 v0, v3  }
0x241: {  	[tilespmem:$0x1F5B0] =	vst v9;
	v61 =	vadd.f32 v54, v59;
	v1 =	vadd.f32 v1, v2  }
0x242: {  	v62 =	vadd.f32 v55, v60;
	[tilespmem:$0x1F5C0] =	vst v0  }
0x243: {  	v63 =	vadd.f32 v57, v61;
	[tilespmem:$0x1F5D0] =	vst v1  }
0x244: {  	[tilespmem:$0x1F5E0] =	vst v62  }
.Ltmp6:
0x245: {  	s22 =	simm.s32 @!p0 $0x4;
	[tilespmem:$0x1F5F0] =	vst v63;
	(pc) =	sbr.rel @p1 .LBB2_12-.Ltmp6, $4  }
0x246: {  	s21 =	sadd.s32 s21, s4;
	_ =	swait.ge @!p0 [sflag:s22], $0x100  }
0x247: {  	s20 =	sadd.s32 s20, s21;
	[sflag:s22] =	ssyncset.done @!p0 $0x0  }
0x248: {  	s20 =	sadd.s32 $0x20, s20;
	[sflag:s22] =	ssyncadd.s32 @!p0 $0xFFFFFF00  }
0x249: {  	[hbm4b:s20+s3] =	stream.linear.scatter [tilespmem:s15], [sflag:$0x4], $0x100, $0x38;
	[tilespmem:$0x1F600] =	vst v63  }
0x24a: {  	s20 =	smul.u32 $0xC80, s19  }
.Ltmp7:
0x24b: {  	_ = 	snop;
	(pc) =	sbr.rel .LBB2_2-.Ltmp7, $4  }
0x24c: {  	_ = 	snop  }
0x24d: {  	s20 =	sshra.s32 s20, $0x2  }
0x24e: {  	s19 =	sadd.s32 $0x1, s19;
	s20 =	sadd.s32 $0x4B0, s20  }
0x24f: {  	[tilespmem:s11], [sflag:$0x2] =	stream.indirect.gather [hbm4b:s2+s9], $0x80, s20, s9, $0xb8;
	[tilespmem:$0x1F600] =	vst v63  }
.LBB2_13:
0x250: {  	_ =	sfence.sel $0x180000  }
0x251: {  	[bflag:$0x0] =	sbarrier.arrive $0xFFFF  }
0x252: {  	p0 =	sne.s32 s0, $0x0;
	_ =	strace $0x90000047  }
0x253: {  	s0 =	sadd.s32 @!p0 $0x100000, s1;
	[bflag:$0x2] =	sbarrier.arrive $0xFFFF  }
0x254: {  	[sflag:s0] =	ssyncadd.tile.s32 @!p0 $0x1;
	_ =	shalt  }
.Lfunc_end2:
_tile_overlayer_lowered:
.L_overlay_start_2:
0x255: {  	(tag) =	ssettag $0x2  }
0x256: {  	s0 =	rddreg [dreg:$0x0];
	s2 =	stileid.u32  }
0x257: {  	s1 =	rddreg [dreg:$0x1];
	p0 =	sne.s32 s2, $0x0  }
0x258: {  	s3 =	rddreg [dreg:$0x2];
	[bflag:$0x3] =	sbarrier.arrive $0xFFFF;
	s2 =	simm.s32 @!p0 $0x1C05  }
0x259: {  	[timem:s3], [sflag:s2] =	dma.local @!p0 [hbm:s0], s1  }
0x25a: {  	s0 =	simm.s32 @!p0 $0x5  }
0x25b: {  	_ =	swait.ge @!p0 [sflag:s0], s1  }
0x25c: {  	s1 =	ssub.s32 @!p0 $0x0, s1;
	[sflag:s0] =	ssyncset.done @!p0 $0x0  }
0x25d: {  	[sflag:s0] =	ssyncadd.s32 @!p0 s1  }
0x25e: {  	[bflag:$0x3] =	sbarrier.arrive $0xFFFF  }
0x25f: {  	_ =	shalt  }

</sc_bundles>
